<compile_context>
chip_gen: v7x
topology: tpu7x:2x2x1
jax: 0.10.2.dev20260603
libtpu: 0.0.44.dev20260713+nightly
codegen_flags: <defaults>
</compile_context>

<pallas_src>
import functools

import jax
import jax.numpy as jnp
from jax import lax
from jax.experimental import pallas as pl
from jax.experimental.pallas import tpu as pltpu, tpu_sc as plsc

B, C, H, W = 4, 19, 512, 512
P = H * W
NPIX = B * P
NB = 1024
HIST = C * 2 * NB
NW = 32
PPW = NPIX // NW
CH = 1024
NCHUNK = PPW // CH
VECS = CH // 16

_mesh = plsc.VectorSubcoreMesh(core_axis_name="c", subcore_axis_name="s")


@functools.partial(
    pl.kernel,
    mesh=_mesh,
    out_type=jax.ShapeDtypeStruct((2, HIST), jnp.float32),
    scratch_types=[
        pltpu.VMEM_SHARED((HIST,), jnp.float32),
        pltpu.VMEM((2, C, CH), jnp.float32),
        pltpu.VMEM((2, CH), jnp.int32),
        pltpu.VMEM((C * CH,), jnp.int32),
        pltpu.VMEM((C * CH,), jnp.int32),
        pltpu.VMEM((C * CH,), jnp.float32),
        pltpu.VMEM((HIST // 16,), jnp.float32),
        pltpu.SemaphoreType.DMA,
        pltpu.SemaphoreType.DMA,
        pltpu.SemaphoreType.DMA,
        pltpu.SemaphoreType.DMA,
        pltpu.SemaphoreType.DMA,
        pltpu.SemaphoreType.DMA,
    ],
)
def _sc_hist(inp_hbm, tgt_hbm, out_hbm, shared, chan, tgt, idx0, idx1, onesb,
             zbuf, cs0, cs1, ts0, ts1, ss0, ss1):
    cid = lax.axis_index("c")
    sid = lax.axis_index("s")
    wid = sid * 2 + cid
    bimg = wid & 3
    part = wid >> 2
    idxb = (idx0, idx1)
    csem = (cs0, cs1)
    tsem = (ts0, ts1)
    ssem = (ss0, ss1)

    zvec = jnp.zeros((16,), jnp.float32)
    ovec = jnp.ones((16,), jnp.float32)

    def _zfill(i, _):
        zbuf[pl.ds(i * 16, 16)] = zvec
        return 0
    lax.fori_loop(0, HIST // 16 // 16, _zfill, 0)

    def _ofill(i, _):
        onesb[pl.ds(i * 16, 16)] = ovec
        return 0
    lax.fori_loop(0, C * CH // 16, _ofill, 0)

    pltpu.sync_copy(zbuf, shared.at[pl.ds(sid * (HIST // 16), HIST // 16)])
    plsc.subcore_barrier()

    def _col(ci):
        return pl.multiple_of(part * PPW + ci * CH, 128)

    def _start_in(ci, par):
        col = _col(ci)
        pltpu.async_copy(inp_hbm.at[bimg, :, pl.ds(col, CH)], chan.at[par],
                         csem[par])
        pltpu.async_copy(tgt_hbm.at[bimg, pl.ds(col, CH)], tgt.at[par],
                         tsem[par])

    _start_in(0, 0)

    def _outer(i, _):
        for par in range(2):
            ci = i * 2 + par
            pltpu.make_async_copy(inp_hbm.at[bimg, :, pl.ds(_col(ci), CH)],
                                  chan.at[par], csem[par]).wait()
            pltpu.make_async_copy(tgt_hbm.at[bimg, pl.ds(_col(ci), CH)],
                                  tgt.at[par], tsem[par]).wait()
            if par == 0:
                _start_in(ci + 1, 1)
            else:
                @pl.when(i < NCHUNK // 2 - 1)
                def _():
                    _start_in(ci + 1, 0)
            @pl.when(i > 0)
            def _():
                pltpu.make_async_copy(onesb, shared.at[idxb[par]],
                                      ssem[par]).wait()

            @plsc.parallel_loop(0, VECS, 1, unroll=4)
            def _vec(v):
                o = v * 16
                es = [jnp.exp(chan[par, c, pl.ds(o, 16)]) for c in range(C)]
                s = es[0]
                for c in range(1, C):
                    s = s + es[c]
                r2 = float(NB) / s
                t = tgt[par, pl.ds(o, 16)]
                for c in range(C):
                    bp = jnp.minimum(es[c] * r2,
                                     float(NB - 1)).astype(jnp.int32)
                    fg = t == c
                    idx = jnp.where(fg, (c * 2 * NB + 2 * NB - 1) - bp,
                                    c * 2 * NB + bp)
                    idxb[par][pl.ds(c * CH + o, 16)] = idx
            pltpu.async_copy(onesb, shared.at[idxb[par]], ssem[par],
                             add=True)
        return 0
    lax.fori_loop(0, NCHUNK // 2, _outer, 0)

    for par in range(2):
        pltpu.make_async_copy(onesb, shared.at[idxb[par]],
                              ssem[par]).wait()
    plsc.subcore_barrier()

    @pl.when(sid == 0)
    def _():
        pltpu.sync_copy(shared, out_hbm.at[cid])


def _tc_scan(nb_ref, nf_ref, out_ref):
    n_b = nb_ref[0] + nb_ref[1]
    n_f = nf_ref[0] + nf_ref[1]
    row = lax.broadcasted_iota(jnp.int32, (NB, NB), 0)
    colm = lax.broadcasted_iota(jnp.int32, (NB, NB), 1)
    tri = (row <= colm).astype(jnp.float32)
    Sb = jax.lax.dot_general(n_b, tri, (((1,), (0,)), ((), ())),
                             preferred_element_type=jnp.float32)
    Sf = jax.lax.dot_general(n_f, tri, (((1,), (0,)), ((), ())),
                             preferred_element_type=jnp.float32)
    ntot = float(NPIX)
    u0 = ntot - Sb
    u1 = u0 + n_b
    u0s = jnp.maximum(u0, 1.0)
    u1s = jnp.maximum(u1, 1.0)
    emid = (lax.broadcasted_iota(jnp.int32, (C, NB), 1).astype(jnp.float32)
            + 0.5) / float(NB)
    contrib = emid * (n_f / u0s + (Sf - n_f) * n_b / (u0s * u1s))
    losses = jnp.sum(contrib, axis=1)
    gts = Sf[:, NB - 1]
    present = (gts > 0.0).astype(jnp.float32)
    num = jnp.sum(losses * present)
    den = jnp.maximum(jnp.sum(present), 1.0)
    out_ref[...] = jnp.broadcast_to(num / den, (1, 1))


def kernel(input, target):
    x = input.astype(jnp.float32).reshape(B, C, P)
    t = target.astype(jnp.int32).reshape(B, P)
    hist = _sc_hist(x, t)
    h4 = hist.reshape(2, C, 2, NB)
    hist_bg = h4[:, :, 0, :]
    hist_fg = h4[:, :, 1, :]
    out = pl.pallas_call(
        _tc_scan,
        out_shape=jax.ShapeDtypeStruct((1, 1), jnp.float32),
        in_specs=[pl.BlockSpec(memory_space=pltpu.VMEM),
                  pl.BlockSpec(memory_space=pltpu.VMEM)],
        out_specs=pl.BlockSpec(memory_space=pltpu.VMEM),
    )(hist_bg, hist_fg)
    return out[0, 0]

# --- scband reference (transcript-rebuilt; emitter-appended) ---
"""Pipeline reference for scband-lovasz-loss-softmax-18580028522941 (READ-ONLY COPY).

The authoritative reference and input builder live on the scoring server;
editing this copy changes nothing except your own understanding.
"""

import jax, jax.numpy as jnp
import numpy as np


def lovasz_grad(gt_sorted):
    gts = jnp.sum(gt_sorted)
    intersection = gts - jnp.cumsum(gt_sorted)
    union = gts + jnp.cumsum(1.0 - gt_sorted)
    jaccard = 1.0 - intersection / union
    jaccard = jnp.concatenate([jaccard[:1], jaccard[1:] - jaccard[:-1]])
    return jaccard


def setup_inputs(seed: int = 0) -> dict:
    key = jax.random.key(seed)
    k1, k2 = jax.random.split(key)
    B, C, H, W = 4, 19, 512, 512
    inp = jax.random.normal(k1, (B, C, H, W), dtype=jnp.float32)
    target = jax.random.randint(k2, (B, H, W), 0, C, dtype=jnp.int64)
    return {"input": inp, "target": target}


def reference(input, target):
    # input -> float32, softmax over channel dim (dim=1)
    x = input.astype(jnp.float32)
    probas = jax.nn.softmax(x, axis=1)
    labels = target.astype(jnp.float32)
    B, C, H, W = probas.shape
    # flatten_probas: [B,C,H,W] -> [B*H*W, C]; labels -> [B*H*W]
    probas_flat = jnp.transpose(probas, (0, 2, 3, 1)).reshape(-1, C)
    labels_flat = labels.reshape(-1)
    # lovasz_softmax_flat with classes='present'
    losses = []
    present = []
    for c in range(C):
        fg = (labels_flat == float(c)).astype(jnp.float32)
        errors = jnp.abs(fg - probas_flat[:, c])
        perm = jnp.argsort(-errors)  # descending sort
        errors_sorted = errors[perm]
        fg_sorted = fg[perm]
        grad = jax.lax.stop_gradient(lovasz_grad(fg_sorted))
        losses.append(jnp.dot(errors_sorted, grad))
        present.append((jnp.sum(fg) > 0).astype(jnp.float32))
    losses = jnp.stack(losses)
    present = jnp.stack(present)
    # mean over present classes only
    loss = jnp.sum(losses * present) / jnp.maximum(jnp.sum(present), 1.0)
    return loss

if __name__ == "__main__":
    import jax
    _d = setup_inputs()
    print(jax.jit(kernel)(*tuple(_d.values())))

</pallas_src>

<mosaic_0001>
#map = affine_map<(d0, d1) -> (0, 0, 0)>
#map1 = affine_map<(d0, d1) -> (0, 0)>
module attributes {stable_mosaic.version = 14 : i64} {
  func.func @_sc_hist(%arg0: i32, %arg1: i32, %arg2: memref<4x19x262144xf32, #tpu.memory_space<hbm>>, %arg3: memref<4x262144xi32, #tpu.memory_space<hbm>>, %arg4: memref<2x38912xf32, #tpu.memory_space<hbm>>, %arg5: memref<38912xf32, #tpu.memory_space<vmem_shared>>, %arg6: memref<2x19x1024xf32, #tpu.memory_space<vmem>>, %arg7: memref<2x1024xi32, #tpu.memory_space<vmem>>, %arg8: memref<19456xi32, #tpu.memory_space<vmem>>, %arg9: memref<19456xi32, #tpu.memory_space<vmem>>, %arg10: memref<19456xf32, #tpu.memory_space<vmem>>, %arg11: memref<2432xf32, #tpu.memory_space<vmem>>, %arg12: memref<!tpu.dma_semaphore, #tpu.memory_space<semaphore_mem>>, %arg13: memref<!tpu.dma_semaphore, #tpu.memory_space<semaphore_mem>>, %arg14: memref<!tpu.dma_semaphore, #tpu.memory_space<semaphore_mem>>, %arg15: memref<!tpu.dma_semaphore, #tpu.memory_space<semaphore_mem>>, %arg16: memref<!tpu.dma_semaphore, #tpu.memory_space<semaphore_mem>>, %arg17: memref<!tpu.dma_semaphore, #tpu.memory_space<semaphore_mem>>) attributes {dimension_semantics = [#tpu.dimension_semantics<core_parallel>, #tpu.dimension_semantics<subcore_parallel>], iteration_bounds = array<i64: 2, 16>, scalar_prefetch = 0 : i64, scratch_operands = 13 : i64, tpu.core_type = #tpu.core_type<sc_vector_subcore>, window_params = [{transform_indices = #map}, {transform_indices = #map1}, {transform_indices = #map1}]} {
    %mul3A = arith.constant 2 : i32
    %mul3A_0 = arith.muli %arg1, %mul3A : i32
    %add3A = arith.addi %mul3A_0, %arg0 : i32
    %and3A = arith.constant 3 : i32
    %and3A_1 = arith.andi %add3A, %and3A : i32
    %shift_right_arithmetic3A = arith.constant 2 : i32
    %shift_right_arithmetic3A_2 = arith.shrsi %add3A, %shift_right_arithmetic3A : i32
    %broadcast_in_dim3A = arith.constant 0.000000e+00 : f32
    %broadcast_in_dim3A_3 = vector.broadcast %broadcast_in_dim3A : f32 to vector<16xf32>
    %broadcast_in_dim3A_4 = arith.constant 1.000000e+00 : f32
    %broadcast_in_dim3A_5 = vector.broadcast %broadcast_in_dim3A_4 : f32 to vector<16xf32>
    %scan3A = arith.constant 0 : i32
    %scan3A_6 = arith.constant 0 : i32
    %scan3A_7 = arith.constant 152 : i32
    %scan3A_8 = arith.addi %scan3A_6, %scan3A_7 : i32
    %scan3A_9 = arith.constant 1 : i32
    %scan3A_10 = scf.for %scan3A_63 = %scan3A_6 to %scan3A_8 step %scan3A_9 iter_args(%scan3A_64 = %scan3A) -> (i32)  : i32 {
      %mul3A_65 = arith.constant 16 : i32
      %mul3A_66 = arith.muli %scan3A_63, %mul3A_65 : i32
      %swap3A = arith.index_cast %mul3A_66 : i32 to index
      %swap3A_67 = tpu.vector_load %arg11[%swap3A] {strides = array<i32>} : memref<2432xf32, #tpu.memory_space<vmem>>, vector<16xf32>,
      %swap3A_68 = vector.shape_cast %swap3A_67 : vector<16xf32> to vector<16xf32>
      %swap3A_69 = vector.shape_cast %broadcast_in_dim3A_3 : vector<16xf32> to vector<16xf32>
      tpu.vector_store %arg11[%swap3A], %swap3A_69 {strides = array<i32>} : memref<2432xf32, #tpu.memory_space<vmem>>, vector<16xf32>,
      %scan3A_70 = arith.constant 0 : i32
      scf.yield %scan3A_70 : i32
    }
    %scan3A_11 = arith.constant 152 : i32
    %scan3A_12 = arith.constant 0 : i32
    %scan3A_13 = arith.constant 0 : i32
    %scan3A_14 = arith.constant 1216 : i32
    %scan3A_15 = arith.addi %scan3A_13, %scan3A_14 : i32
    %scan3A_16 = arith.constant 1 : i32
    %scan3A_17 = scf.for %scan3A_63 = %scan3A_13 to %scan3A_15 step %scan3A_16 iter_args(%scan3A_64 = %scan3A_12) -> (i32)  : i32 {
      %mul3A_65 = arith.constant 16 : i32
      %mul3A_66 = arith.muli %scan3A_63, %mul3A_65 : i32
      %swap3A = arith.index_cast %mul3A_66 : i32 to index
      %swap3A_67 = tpu.vector_load %arg10[%swap3A] {strides = array<i32>} : memref<19456xf32, #tpu.memory_space<vmem>>, vector<16xf32>,
      %swap3A_68 = vector.shape_cast %swap3A_67 : vector<16xf32> to vector<16xf32>
      %swap3A_69 = vector.shape_cast %broadcast_in_dim3A_5 : vector<16xf32> to vector<16xf32>
      tpu.vector_store %arg10[%swap3A], %swap3A_69 {strides = array<i32>} : memref<19456xf32, #tpu.memory_space<vmem>>, vector<16xf32>,
      %scan3A_70 = arith.constant 0 : i32
      scf.yield %scan3A_70 : i32
    }
    %scan3A_18 = arith.constant 1216 : i32
    %mul3A_19 = arith.constant 2432 : i32
    %mul3A_20 = arith.muli %arg1, %mul3A_19 : i32
    "tpu.region"() ({
      %run_scoped3A = tpu.sem_alloc : memref<!tpu.dma_semaphore, #tpu.memory_space<semaphore_mem>>
      %dma_start3A_63 = tpu.memref_slice %arg5[%mul3A_20] : memref<38912xf32, #tpu.memory_space<vmem_shared>> -> memref<2432xf32, #tpu.memory_space<vmem_shared>>
      %dma_start3A_64 = tpu.memref_slice %arg5[%mul3A_20] : memref<38912xf32, #tpu.memory_space<vmem_shared>> -> memref<2432xf32, #tpu.memory_space<vmem_shared>>
      tpu.enqueue_dma source(%arg11 : memref<2432xf32, #tpu.memory_space<vmem>>) target(%dma_start3A_64 : memref<2432xf32, #tpu.memory_space<vmem_shared>>) target_semaphore(%run_scoped3A : memref<!tpu.dma_semaphore, #tpu.memory_space<semaphore_mem>>)
      %dma_wait3A_65 = tpu.memref_slice %arg5[%mul3A_20] : memref<38912xf32, #tpu.memory_space<vmem_shared>> -> memref<2432xf32, #tpu.memory_space<vmem_shared>>
      %dma_wait3A_66 = tpu.memref_slice %arg5[%mul3A_20] : memref<38912xf32, #tpu.memory_space<vmem_shared>> -> memref<2432xf32, #tpu.memory_space<vmem_shared>>
      tpu.wait_dma2 semaphore(%run_scoped3A : memref<!tpu.dma_semaphore, #tpu.memory_space<semaphore_mem>>) src(%arg11 : memref<2432xf32, #tpu.memory_space<vmem>>) dst(%dma_wait3A_66 : memref<2432xf32, #tpu.memory_space<vmem_shared>>)
      tpu.yield
    }) : () -> ()
    %barrier3A = arith.constant 0 : index
    tpu.barrier barrier_id(%barrier3A)
    %mul3A_21 = arith.constant 32768 : i32
    %mul3A_22 = arith.muli %shift_right_arithmetic3A_2, %mul3A_21 : i32
    %add3A_23 = arith.constant 0 : i32
    %add3A_24 = arith.addi %mul3A_22, %add3A_23 : i32
    %multiple_of3A = tpu.assume_multiple %add3A_24, 128 : i32
    %dma_start3A = arith.constant 0 : i32
    %dma_start3A_25 = arith.constant 0 : i32
    %dma_start3A_26 = arith.constant 0 : i32
    %dma_start3A_27 = tpu.memref_slice %arg6[%dma_start3A, %dma_start3A_25, %dma_start3A_26] : memref<2x19x1024xf32, #tpu.memory_space<vmem>> -> memref<1x19x1024xf32, #tpu.memory_space<vmem>>
    %dma_start3A_28 = tpu.memref_squeeze %dma_start3A_27 : memref<1x19x1024xf32, #tpu.memory_space<vmem>> -> memref<19x1024xf32, #tpu.memory_space<vmem>>
    %dma_start3A_29 = arith.constant 0 : i32
    %dma_start3A_30 = tpu.memref_slice %arg2[%and3A_1, %dma_start3A_29, %multiple_of3A] : memref<4x19x262144xf32, #tpu.memory_space<hbm>> -> memref<1x19x1024xf32, #tpu.memory_space<hbm>>
    %dma_start3A_31 = tpu.memref_squeeze %dma_start3A_30 : memref<1x19x1024xf32, #tpu.memory_space<hbm>> -> memref<19x1024xf32, #tpu.memory_space<hbm>>
    %dma_start3A_32 = arith.constant 0 : i32
    %dma_start3A_33 = arith.constant 0 : i32
    %dma_start3A_34 = tpu.memref_slice %arg6[%dma_start3A, %dma_start3A_32, %dma_start3A_33] : memref<2x19x1024xf32, #tpu.memory_space<vmem>> -> memref<1x19x1024xf32, #tpu.memory_space<vmem>>
    %dma_start3A_35 = tpu.memref_squeeze %dma_start3A_34 : memref<1x19x1024xf32, #tpu.memory_space<vmem>> -> memref<19x1024xf32, #tpu.memory_space<vmem>>
    %dma_start3A_36 = arith.constant 0 : i32
    %dma_start3A_37 = tpu.memref_slice %arg2[%and3A_1, %dma_start3A_36, %multiple_of3A] : memref<4x19x262144xf32, #tpu.memory_space<hbm>> -> memref<1x19x1024xf32, #tpu.memory_space<hbm>>
    %dma_start3A_38 = tpu.memref_squeeze %dma_start3A_37 : memref<1x19x1024xf32, #tpu.memory_space<hbm>> -> memref<19x1024xf32, #tpu.memory_space<hbm>>
    tpu.enqueue_dma source(%dma_start3A_38 : memref<19x1024xf32, #tpu.memory_space<hbm>>) target(%dma_start3A_35 : memref<19x1024xf32, #tpu.memory_space<vmem>>) target_semaphore(%arg12 : memref<!tpu.dma_semaphore, #tpu.memory_space<semaphore_mem>>)
    %dma_start3A_39 = arith.constant 0 : i32
    %dma_start3A_40 = arith.constant 0 : i32
    %dma_start3A_41 = tpu.memref_slice %arg7[%dma_start3A_39, %dma_start3A_40] : memref<2x1024xi32, #tpu.memory_space<vmem>> -> memref<1x1024xi32, #tpu.memory_space<vmem>>
    %dma_start3A_42 = tpu.memref_squeeze %dma_start3A_41 : memref<1x1024xi32, #tpu.memory_space<vmem>> -> memref<1024xi32, #tpu.memory_space<vmem>>
    %dma_start3A_43 = tpu.memref_slice %arg3[%and3A_1, %multiple_of3A] : memref<4x262144xi32, #tpu.memory_space<hbm>> -> memref<1x1024xi32, #tpu.memory_space<hbm>>
    %dma_start3A_44 = tpu.memref_squeeze %dma_start3A_43 : memref<1x1024xi32, #tpu.memory_space<hbm>> -> memref<1024xi32, #tpu.memory_space<hbm>>
    %dma_start3A_45 = arith.constant 0 : i32
    %dma_start3A_46 = tpu.memref_slice %arg7[%dma_start3A_39, %dma_start3A_45] : memref<2x1024xi32, #tpu.memory_space<vmem>> -> memref<1x1024xi32, #tpu.memory_space<vmem>>
    %dma_start3A_47 = tpu.memref_squeeze %dma_start3A_46 : memref<1x1024xi32, #tpu.memory_space<vmem>> -> memref<1024xi32, #tpu.memory_space<vmem>>
    %dma_start3A_48 = tpu.memref_slice %arg3[%and3A_1, %multiple_of3A] : memref<4x262144xi32, #tpu.memory_space<hbm>> -> memref<1x1024xi32, #tpu.memory_space<hbm>>
    %dma_start3A_49 = tpu.memref_squeeze %dma_start3A_48 : memref<1x1024xi32, #tpu.memory_space<hbm>> -> memref<1024xi32, #tpu.memory_space<hbm>>
    tpu.enqueue_dma source(%dma_start3A_49 : memref<1024xi32, #tpu.memory_space<hbm>>) target(%dma_start3A_47 : memref<1024xi32, #tpu.memory_space<vmem>>) target_semaphore(%arg14 : memref<!tpu.dma_semaphore, #tpu.memory_space<semaphore_mem>>)
    %scan3A_50 = arith.constant 0 : i32
    %scan3A_51 = arith.constant 0 : i32
    %scan3A_52 = arith.constant 16 : i32
    %scan3A_53 = arith.addi %scan3A_51, %scan3A_52 : i32
    %scan3A_54 = arith.constant 1 : i32
    %scan3A_55 = scf.for %scan3A_63 = %scan3A_51 to %scan3A_53 step %scan3A_54 iter_args(%scan3A_64 = %scan3A_50) -> (i32)  : i32 {
      %mul3A_65 = arith.constant 2 : i32
      %mul3A_66 = arith.muli %scan3A_63, %mul3A_65 : i32
      %add3A_67 = arith.constant 0 : i32
      %add3A_68 = arith.addi %mul3A_66, %add3A_67 : i32
      %mul3A_69 = arith.constant 32768 : i32
      %mul3A_70 = arith.muli %shift_right_arithmetic3A_2, %mul3A_69 : i32
      %mul3A_71 = arith.constant 1024 : i32
      %mul3A_72 = arith.muli %add3A_68, %mul3A_71 : i32
      %add3A_73 = arith.addi %mul3A_70, %mul3A_72 : i32
      %multiple_of3A_74 = tpu.assume_multiple %add3A_73, 128 : i32
      %dma_wait3A_75 = arith.constant 0 : i32
      %dma_wait3A_76 = arith.constant 0 : i32
      %dma_wait3A_77 = arith.constant 0 : i32
      %dma_wait3A_78 = tpu.memref_slice %arg6[%dma_wait3A_75, %dma_wait3A_76, %dma_wait3A_77] : memref<2x19x1024xf32, #tpu.memory_space<vmem>> -> memref<1x19x1024xf32, #tpu.memory_space<vmem>>
      %dma_wait3A_79 = tpu.memref_squeeze %dma_wait3A_78 : memref<1x19x1024xf32, #tpu.memory_space<vmem>> -> memref<19x1024xf32, #tpu.memory_space<vmem>>
      %dma_wait3A_80 = arith.constant 0 : i32
      %dma_wait3A_81 = tpu.memref_slice %arg2[%and3A_1, %dma_wait3A_80, %multiple_of3A_74] : memref<4x19x262144xf32, #tpu.memory_space<hbm>> -> memref<1x19x1024xf32, #tpu.memory_space<hbm>>
      %dma_wait3A_82 = tpu.memref_squeeze %dma_wait3A_81 : memref<1x19x1024xf32, #tpu.memory_space<hbm>> -> memref<19x1024xf32, #tpu.memory_space<hbm>>
      %dma_wait3A_83 = arith.constant 0 : i32
      %dma_wait3A_84 = arith.constant 0 : i32
      %dma_wait3A_85 = tpu.memref_slice %arg6[%dma_wait3A_75, %dma_wait3A_83, %dma_wait3A_84] : memref<2x19x1024xf32, #tpu.memory_space<vmem>> -> memref<1x19x1024xf32, #tpu.memory_space<vmem>>
      %dma_wait3A_86 = tpu.memref_squeeze %dma_wait3A_85 : memref<1x19x1024xf32, #tpu.memory_space<vmem>> -> memref<19x1024xf32, #tpu.memory_space<vmem>>
      %dma_wait3A_87 = arith.constant 0 : i32
      %dma_wait3A_88 = tpu.memref_slice %arg2[%and3A_1, %dma_wait3A_87, %multiple_of3A_74] : memref<4x19x262144xf32, #tpu.memory_space<hbm>> -> memref<1x19x1024xf32, #tpu.memory_space<hbm>>
      %dma_wait3A_89 = tpu.memref_squeeze %dma_wait3A_88 : memref<1x19x1024xf32, #tpu.memory_space<hbm>> -> memref<19x1024xf32, #tpu.memory_space<hbm>>
      tpu.wait_dma2 semaphore(%arg12 : memref<!tpu.dma_semaphore, #tpu.memory_space<semaphore_mem>>) src(%dma_wait3A_89 : memref<19x1024xf32, #tpu.memory_space<hbm>>) dst(%dma_wait3A_86 : memref<19x1024xf32, #tpu.memory_space<vmem>>)
      %mul3A_90 = arith.constant 32768 : i32
      %mul3A_91 = arith.muli %shift_right_arithmetic3A_2, %mul3A_90 : i32
      %mul3A_92 = arith.constant 1024 : i32
      %mul3A_93 = arith.muli %add3A_68, %mul3A_92 : i32
      %add3A_94 = arith.addi %mul3A_91, %mul3A_93 : i32
      %multiple_of3A_95 = tpu.assume_multiple %add3A_94, 128 : i32
      %dma_wait3A_96 = arith.constant 0 : i32
      %dma_wait3A_97 = arith.constant 0 : i32
      %dma_wait3A_98 = tpu.memref_slice %arg7[%dma_wait3A_96, %dma_wait3A_97] : memref<2x1024xi32, #tpu.memory_space<vmem>> -> memref<1x1024xi32, #tpu.memory_space<vmem>>
      %dma_wait3A_99 = tpu.memref_squeeze %dma_wait3A_98 : memref<1x1024xi32, #tpu.memory_space<vmem>> -> memref<1024xi32, #tpu.memory_space<vmem>>
      %dma_wait3A_100 = tpu.memref_slice %arg3[%and3A_1, %multiple_of3A_95] : memref<4x262144xi32, #tpu.memory_space<hbm>> -> memref<1x1024xi32, #tpu.memory_space<hbm>>
      %dma_wait3A_101 = tpu.memref_squeeze %dma_wait3A_100 : memref<1x1024xi32, #tpu.memory_space<hbm>> -> memref<1024xi32, #tpu.memory_space<hbm>>
      %dma_wait3A_102 = arith.constant 0 : i32
      %dma_wait3A_103 = tpu.memref_slice %arg7[%dma_wait3A_96, %dma_wait3A_102] : memref<2x1024xi32, #tpu.memory_space<vmem>> -> memref<1x1024xi32, #tpu.memory_space<vmem>>
      %dma_wait3A_104 = tpu.memref_squeeze %dma_wait3A_103 : memref<1x1024xi32, #tpu.memory_space<vmem>> -> memref<1024xi32, #tpu.memory_space<vmem>>
      %dma_wait3A_105 = tpu.memref_slice %arg3[%and3A_1, %multiple_of3A_95] : memref<4x262144xi32, #tpu.memory_space<hbm>> -> memref<1x1024xi32, #tpu.memory_space<hbm>>
      %dma_wait3A_106 = tpu.memref_squeeze %dma_wait3A_105 : memref<1x1024xi32, #tpu.memory_space<hbm>> -> memref<1024xi32, #tpu.memory_space<hbm>>
      tpu.wait_dma2 semaphore(%arg14 : memref<!tpu.dma_semaphore, #tpu.memory_space<semaphore_mem>>) src(%dma_wait3A_106 : memref<1024xi32, #tpu.memory_space<hbm>>) dst(%dma_wait3A_104 : memref<1024xi32, #tpu.memory_space<vmem>>)
      %add3A_107 = arith.constant 1 : i32
      %add3A_108 = arith.addi %add3A_68, %add3A_107 : i32
      %mul3A_109 = arith.constant 32768 : i32
      %mul3A_110 = arith.muli %shift_right_arithmetic3A_2, %mul3A_109 : i32
      %mul3A_111 = arith.constant 1024 : i32
      %mul3A_112 = arith.muli %add3A_108, %mul3A_111 : i32
      %add3A_113 = arith.addi %mul3A_110, %mul3A_112 : i32
      %multiple_of3A_114 = tpu.assume_multiple %add3A_113, 128 : i32
      %dma_start3A_115 = arith.constant 1 : i32
      %dma_start3A_116 = arith.constant 0 : i32
      %dma_start3A_117 = arith.constant 0 : i32
      %dma_start3A_118 = tpu.memref_slice %arg6[%dma_start3A_115, %dma_start3A_116, %dma_start3A_117] : memref<2x19x1024xf32, #tpu.memory_space<vmem>> -> memref<1x19x1024xf32, #tpu.memory_space<vmem>>
      %dma_start3A_119 = tpu.memref_squeeze %dma_start3A_118 : memref<1x19x1024xf32, #tpu.memory_space<vmem>> -> memref<19x1024xf32, #tpu.memory_space<vmem>>
      %dma_start3A_120 = arith.constant 0 : i32
      %dma_start3A_121 = tpu.memref_slice %arg2[%and3A_1, %dma_start3A_120, %multiple_of3A_114] : memref<4x19x262144xf32, #tpu.memory_space<hbm>> -> memref<1x19x1024xf32, #tpu.memory_space<hbm>>
      %dma_start3A_122 = tpu.memref_squeeze %dma_start3A_121 : memref<1x19x1024xf32, #tpu.memory_space<hbm>> -> memref<19x1024xf32, #tpu.memory_space<hbm>>
      %dma_start3A_123 = arith.constant 0 : i32
      %dma_start3A_124 = arith.constant 0 : i32
      %dma_start3A_125 = tpu.memref_slice %arg6[%dma_start3A_115, %dma_start3A_123, %dma_start3A_124] : memref<2x19x1024xf32, #tpu.memory_space<vmem>> -> memref<1x19x1024xf32, #tpu.memory_space<vmem>>
      %dma_start3A_126 = tpu.memref_squeeze %dma_start3A_125 : memref<1x19x1024xf32, #tpu.memory_space<vmem>> -> memref<19x1024xf32, #tpu.memory_space<vmem>>
      %dma_start3A_127 = arith.constant 0 : i32
      %dma_start3A_128 = tpu.memref_slice %arg2[%and3A_1, %dma_start3A_127, %multiple_of3A_114] : memref<4x19x262144xf32, #tpu.memory_space<hbm>> -> memref<1x19x1024xf32, #tpu.memory_space<hbm>>
      %dma_start3A_129 = tpu.memref_squeeze %dma_start3A_128 : memref<1x19x1024xf32, #tpu.memory_space<hbm>> -> memref<19x1024xf32, #tpu.memory_space<hbm>>
      tpu.enqueue_dma source(%dma_start3A_129 : memref<19x1024xf32, #tpu.memory_space<hbm>>) target(%dma_start3A_126 : memref<19x1024xf32, #tpu.memory_space<vmem>>) target_semaphore(%arg13 : memref<!tpu.dma_semaphore, #tpu.memory_space<semaphore_mem>>)
      %dma_start3A_130 = arith.constant 1 : i32
      %dma_start3A_131 = arith.constant 0 : i32
      %dma_start3A_132 = tpu.memref_slice %arg7[%dma_start3A_130, %dma_start3A_131] : memref<2x1024xi32, #tpu.memory_space<vmem>> -> memref<1x1024xi32, #tpu.memory_space<vmem>>
      %dma_start3A_133 = tpu.memref_squeeze %dma_start3A_132 : memref<1x1024xi32, #tpu.memory_space<vmem>> -> memref<1024xi32, #tpu.memory_space<vmem>>
      %dma_start3A_134 = tpu.memref_slice %arg3[%and3A_1, %multiple_of3A_114] : memref<4x262144xi32, #tpu.memory_space<hbm>> -> memref<1x1024xi32, #tpu.memory_space<hbm>>
      %dma_start3A_135 = tpu.memref_squeeze %dma_start3A_134 : memref<1x1024xi32, #tpu.memory_space<hbm>> -> memref<1024xi32, #tpu.memory_space<hbm>>
      %dma_start3A_136 = arith.constant 0 : i32
      %dma_start3A_137 = tpu.memref_slice %arg7[%dma_start3A_130, %dma_start3A_136] : memref<2x1024xi32, #tpu.memory_space<vmem>> -> memref<1x1024xi32, #tpu.memory_space<vmem>>
      %dma_start3A_138 = tpu.memref_squeeze %dma_start3A_137 : memref<1x1024xi32, #tpu.memory_space<vmem>> -> memref<1024xi32, #tpu.memory_space<vmem>>
      %dma_start3A_139 = tpu.memref_slice %arg3[%and3A_1, %multiple_of3A_114] : memref<4x262144xi32, #tpu.memory_space<hbm>> -> memref<1x1024xi32, #tpu.memory_space<hbm>>
      %dma_start3A_140 = tpu.memref_squeeze %dma_start3A_139 : memref<1x1024xi32, #tpu.memory_space<hbm>> -> memref<1024xi32, #tpu.memory_space<hbm>>
      tpu.enqueue_dma source(%dma_start3A_140 : memref<1024xi32, #tpu.memory_space<hbm>>) target(%dma_start3A_138 : memref<1024xi32, #tpu.memory_space<vmem>>) target_semaphore(%arg15 : memref<!tpu.dma_semaphore, #tpu.memory_space<semaphore_mem>>)
      %gt3A = arith.constant 0 : i32
      %gt3A_141 = arith.cmpi sgt, %scan3A_63, %gt3A : i32
      %convert_element_type3A_142 = arith.extui %gt3A_141 : i1 to i32
      %cond3A_143 = arith.constant 0 : i32
      %cond3A_144 = arith.cmpi ne, %convert_element_type3A_142, %cond3A_143 : i32
      scf.if %cond3A_144 {
        %dma_wait3A_206 = arith.constant 0 : i32
        %dma_wait3A_207 = tpu.memref_slice %arg5[%dma_wait3A_206] : memref<38912xf32, #tpu.memory_space<vmem_shared>> -> memref<38912xf32, #tpu.memory_space<vmem_shared>>
        tpu.wait_indirect_dma semaphore(%arg16 : memref<!tpu.dma_semaphore, #tpu.memory_space<semaphore_mem>>) src(%arg10 : memref<19456xf32, #tpu.memory_space<vmem>>) dst(%dma_wait3A_207 : memref<38912xf32, #tpu.memory_space<vmem_shared>>)
      } else {
      }
      %parallel_loop3A = arith.constant 0 : i32
      %parallel_loop3A_145 = arith.constant 64 : i32
      %parallel_loop3A_146 = arith.constant 1 : i32
      scf.for %parallel_loop3A_206 = %parallel_loop3A to %parallel_loop3A_145 step %parallel_loop3A_146  : i32 {
        %parallel_loop3A_207 = arith.constant 16 : i32
        %parallel_loop3A_208 = arith.muli %parallel_loop3A_206, %parallel_loop3A_207 : i32
        %parallel_loop3A_209 = arith.constant 0 : i32
        %parallel_loop3A_210 = arith.constant 0 : i32
        %parallel_loop3A_211 = arith.index_cast %parallel_loop3A_209 : i32 to index
        %parallel_loop3A_212 = arith.index_cast %parallel_loop3A_210 : i32 to index
        %parallel_loop3A_213 = arith.index_cast %parallel_loop3A_208 : i32 to index
        %parallel_loop3A_214 = tpu.vector_load %arg6[%parallel_loop3A_211, %parallel_loop3A_212, %parallel_loop3A_213] {strides = array<i32>} : memref<2x19x1024xf32, #tpu.memory_space<vmem>>, vector<1x1x16xf32>,
        %parallel_loop3A_215 = vector.shape_cast %parallel_loop3A_214 : vector<1x1x16xf32> to vector<16xf32>
        %parallel_loop3A_216 = math.exp %parallel_loop3A_215 : vector<16xf32>
        %parallel_loop3A_217 = arith.constant 0 : i32
        %parallel_loop3A_218 = arith.constant 1 : i32
        %parallel_loop3A_219 = arith.index_cast %parallel_loop3A_217 : i32 to index
        %parallel_loop3A_220 = arith.index_cast %parallel_loop3A_218 : i32 to index
        %parallel_loop3A_221 = arith.index_cast %parallel_loop3A_208 : i32 to index
        %parallel_loop3A_222 = tpu.vector_load %arg6[%parallel_loop3A_219, %parallel_loop3A_220, %parallel_loop3A_221] {strides = array<i32>} : memref<2x19x1024xf32, #tpu.memory_space<vmem>>, vector<1x1x16xf32>,
        %parallel_loop3A_223 = vector.shape_cast %parallel_loop3A_222 : vector<1x1x16xf32> to vector<16xf32>
        %parallel_loop3A_224 = math.exp %parallel_loop3A_223 : vector<16xf32>
        %parallel_loop3A_225 = arith.constant 0 : i32
        %parallel_loop3A_226 = arith.constant 2 : i32
        %parallel_loop3A_227 = arith.index_cast %parallel_loop3A_225 : i32 to index
        %parallel_loop3A_228 = arith.index_cast %parallel_loop3A_226 : i32 to index
        %parallel_loop3A_229 = arith.index_cast %parallel_loop3A_208 : i32 to index
        %parallel_loop3A_230 = tpu.vector_load %arg6[%parallel_loop3A_227, %parallel_loop3A_228, %parallel_loop3A_229] {strides = array<i32>} : memref<2x19x1024xf32, #tpu.memory_space<vmem>>, vector<1x1x16xf32>,
        %parallel_loop3A_231 = vector.shape_cast %parallel_loop3A_230 : vector<1x1x16xf32> to vector<16xf32>
        %parallel_loop3A_232 = math.exp %parallel_loop3A_231 : vector<16xf32>
        %parallel_loop3A_233 = arith.constant 0 : i32
        %parallel_loop3A_234 = arith.constant 3 : i32
        %parallel_loop3A_235 = arith.index_cast %parallel_loop3A_233 : i32 to index
        %parallel_loop3A_236 = arith.index_cast %parallel_loop3A_234 : i32 to index
        %parallel_loop3A_237 = arith.index_cast %parallel_loop3A_208 : i32 to index
        %parallel_loop3A_238 = tpu.vector_load %arg6[%parallel_loop3A_235, %parallel_loop3A_236, %parallel_loop3A_237] {strides = array<i32>} : memref<2x19x1024xf32, #tpu.memory_space<vmem>>, vector<1x1x16xf32>,
        %parallel_loop3A_239 = vector.shape_cast %parallel_loop3A_238 : vector<1x1x16xf32> to vector<16xf32>
        %parallel_loop3A_240 = math.exp %parallel_loop3A_239 : vector<16xf32>
        %parallel_loop3A_241 = arith.constant 0 : i32
        %parallel_loop3A_242 = arith.constant 4 : i32
        %parallel_loop3A_243 = arith.index_cast %parallel_loop3A_241 : i32 to index
        %parallel_loop3A_244 = arith.index_cast %parallel_loop3A_242 : i32 to index
        %parallel_loop3A_245 = arith.index_cast %parallel_loop3A_208 : i32 to index
        %parallel_loop3A_246 = tpu.vector_load %arg6[%parallel_loop3A_243, %parallel_loop3A_244, %parallel_loop3A_245] {strides = array<i32>} : memref<2x19x1024xf32, #tpu.memory_space<vmem>>, vector<1x1x16xf32>,
        %parallel_loop3A_247 = vector.shape_cast %parallel_loop3A_246 : vector<1x1x16xf32> to vector<16xf32>
        %parallel_loop3A_248 = math.exp %parallel_loop3A_247 : vector<16xf32>
        %parallel_loop3A_249 = arith.constant 0 : i32
        %parallel_loop3A_250 = arith.constant 5 : i32
        %parallel_loop3A_251 = arith.index_cast %parallel_loop3A_249 : i32 to index
        %parallel_loop3A_252 = arith.index_cast %parallel_loop3A_250 : i32 to index
        %parallel_loop3A_253 = arith.index_cast %parallel_loop3A_208 : i32 to index
        %parallel_loop3A_254 = tpu.vector_load %arg6[%parallel_loop3A_251, %parallel_loop3A_252, %parallel_loop3A_253] {strides = array<i32>} : memref<2x19x1024xf32, #tpu.memory_space<vmem>>, vector<1x1x16xf32>,
        %parallel_loop3A_255 = vector.shape_cast %parallel_loop3A_254 : vector<1x1x16xf32> to vector<16xf32>
        %parallel_loop3A_256 = math.exp %parallel_loop3A_255 : vector<16xf32>
        %parallel_loop3A_257 = arith.constant 0 : i32
        %parallel_loop3A_258 = arith.constant 6 : i32
        %parallel_loop3A_259 = arith.index_cast %parallel_loop3A_257 : i32 to index
        %parallel_loop3A_260 = arith.index_cast %parallel_loop3A_258 : i32 to index
        %parallel_loop3A_261 = arith.index_cast %parallel_loop3A_208 : i32 to index
        %parallel_loop3A_262 = tpu.vector_load %arg6[%parallel_loop3A_259, %parallel_loop3A_260, %parallel_loop3A_261] {strides = array<i32>} : memref<2x19x1024xf32, #tpu.memory_space<vmem>>, vector<1x1x16xf32>,
        %parallel_loop3A_263 = vector.shape_cast %parallel_loop3A_262 : vector<1x1x16xf32> to vector<16xf32>
        %parallel_loop3A_264 = math.exp %parallel_loop3A_263 : vector<16xf32>
        %parallel_loop3A_265 = arith.constant 0 : i32
        %parallel_loop3A_266 = arith.constant 7 : i32
        %parallel_loop3A_267 = arith.index_cast %parallel_loop3A_265 : i32 to index
        %parallel_loop3A_268 = arith.index_cast %parallel_loop3A_266 : i32 to index
        %parallel_loop3A_269 = arith.index_cast %parallel_loop3A_208 : i32 to index
        %parallel_loop3A_270 = tpu.vector_load %arg6[%parallel_loop3A_267, %parallel_loop3A_268, %parallel_loop3A_269] {strides = array<i32>} : memref<2x19x1024xf32, #tpu.memory_space<vmem>>, vector<1x1x16xf32>,
        %parallel_loop3A_271 = vector.shape_cast %parallel_loop3A_270 : vector<1x1x16xf32> to vector<16xf32>
        %parallel_loop3A_272 = math.exp %parallel_loop3A_271 : vector<16xf32>
        %parallel_loop3A_273 = arith.constant 0 : i32
        %parallel_loop3A_274 = arith.constant 8 : i32
        %parallel_loop3A_275 = arith.index_cast %parallel_loop3A_273 : i32 to index
        %parallel_loop3A_276 = arith.index_cast %parallel_loop3A_274 : i32 to index
        %parallel_loop3A_277 = arith.index_cast %parallel_loop3A_208 : i32 to index
        %parallel_loop3A_278 = tpu.vector_load %arg6[%parallel_loop3A_275, %parallel_loop3A_276, %parallel_loop3A_277] {strides = array<i32>} : memref<2x19x1024xf32, #tpu.memory_space<vmem>>, vector<1x1x16xf32>,
        %parallel_loop3A_279 = vector.shape_cast %parallel_loop3A_278 : vector<1x1x16xf32> to vector<16xf32>
        %parallel_loop3A_280 = math.exp %parallel_loop3A_279 : vector<16xf32>
        %parallel_loop3A_281 = arith.constant 0 : i32
        %parallel_loop3A_282 = arith.constant 9 : i32
        %parallel_loop3A_283 = arith.index_cast %parallel_loop3A_281 : i32 to index
        %parallel_loop3A_284 = arith.index_cast %parallel_loop3A_282 : i32 to index
        %parallel_loop3A_285 = arith.index_cast %parallel_loop3A_208 : i32 to index
        %parallel_loop3A_286 = tpu.vector_load %arg6[%parallel_loop3A_283, %parallel_loop3A_284, %parallel_loop3A_285] {strides = array<i32>} : memref<2x19x1024xf32, #tpu.memory_space<vmem>>, vector<1x1x16xf32>,
        %parallel_loop3A_287 = vector.shape_cast %parallel_loop3A_286 : vector<1x1x16xf32> to vector<16xf32>
        %parallel_loop3A_288 = math.exp %parallel_loop3A_287 : vector<16xf32>
        %parallel_loop3A_289 = arith.constant 0 : i32
        %parallel_loop3A_290 = arith.constant 10 : i32
        %parallel_loop3A_291 = arith.index_cast %parallel_loop3A_289 : i32 to index
        %parallel_loop3A_292 = arith.index_cast %parallel_loop3A_290 : i32 to index
        %parallel_loop3A_293 = arith.index_cast %parallel_loop3A_208 : i32 to index
        %parallel_loop3A_294 = tpu.vector_load %arg6[%parallel_loop3A_291, %parallel_loop3A_292, %parallel_loop3A_293] {strides = array<i32>} : memref<2x19x1024xf32, #tpu.memory_space<vmem>>, vector<1x1x16xf32>,
        %parallel_loop3A_295 = vector.shape_cast %parallel_loop3A_294 : vector<1x1x16xf32> to vector<16xf32>
        %parallel_loop3A_296 = math.exp %parallel_loop3A_295 : vector<16xf32>
        %parallel_loop3A_297 = arith.constant 0 : i32
        %parallel_loop3A_298 = arith.constant 11 : i32
        %parallel_loop3A_299 = arith.index_cast %parallel_loop3A_297 : i32 to index
        %parallel_loop3A_300 = arith.index_cast %parallel_loop3A_298 : i32 to index
        %parallel_loop3A_301 = arith.index_cast %parallel_loop3A_208 : i32 to index
        %parallel_loop3A_302 = tpu.vector_load %arg6[%parallel_loop3A_299, %parallel_loop3A_300, %parallel_loop3A_301] {strides = array<i32>} : memref<2x19x1024xf32, #tpu.memory_space<vmem>>, vector<1x1x16xf32>,
        %parallel_loop3A_303 = vector.shape_cast %parallel_loop3A_302 : vector<1x1x16xf32> to vector<16xf32>
        %parallel_loop3A_304 = math.exp %parallel_loop3A_303 : vector<16xf32>
        %parallel_loop3A_305 = arith.constant 0 : i32
        %parallel_loop3A_306 = arith.constant 12 : i32
        %parallel_loop3A_307 = arith.index_cast %parallel_loop3A_305 : i32 to index
        %parallel_loop3A_308 = arith.index_cast %parallel_loop3A_306 : i32 to index
        %parallel_loop3A_309 = arith.index_cast %parallel_loop3A_208 : i32 to index
        %parallel_loop3A_310 = tpu.vector_load %arg6[%parallel_loop3A_307, %parallel_loop3A_308, %parallel_loop3A_309] {strides = array<i32>} : memref<2x19x1024xf32, #tpu.memory_space<vmem>>, vector<1x1x16xf32>,
        %parallel_loop3A_311 = vector.shape_cast %parallel_loop3A_310 : vector<1x1x16xf32> to vector<16xf32>
        %parallel_loop3A_312 = math.exp %parallel_loop3A_311 : vector<16xf32>
        %parallel_loop3A_313 = arith.constant 0 : i32
        %parallel_loop3A_314 = arith.constant 13 : i32
        %parallel_loop3A_315 = arith.index_cast %parallel_loop3A_313 : i32 to index
        %parallel_loop3A_316 = arith.index_cast %parallel_loop3A_314 : i32 to index
        %parallel_loop3A_317 = arith.index_cast %parallel_loop3A_208 : i32 to index
        %parallel_loop3A_318 = tpu.vector_load %arg6[%parallel_loop3A_315, %parallel_loop3A_316, %parallel_loop3A_317] {strides = array<i32>} : memref<2x19x1024xf32, #tpu.memory_space<vmem>>, vector<1x1x16xf32>,
        %parallel_loop3A_319 = vector.shape_cast %parallel_loop3A_318 : vector<1x1x16xf32> to vector<16xf32>
        %parallel_loop3A_320 = math.exp %parallel_loop3A_319 : vector<16xf32>
        %parallel_loop3A_321 = arith.constant 0 : i32
        %parallel_loop3A_322 = arith.constant 14 : i32
        %parallel_loop3A_323 = arith.index_cast %parallel_loop3A_321 : i32 to index
        %parallel_loop3A_324 = arith.index_cast %parallel_loop3A_322 : i32 to index
        %parallel_loop3A_325 = arith.index_cast %parallel_loop3A_208 : i32 to index
        %parallel_loop3A_326 = tpu.vector_load %arg6[%parallel_loop3A_323, %parallel_loop3A_324, %parallel_loop3A_325] {strides = array<i32>} : memref<2x19x1024xf32, #tpu.memory_space<vmem>>, vector<1x1x16xf32>,
        %parallel_loop3A_327 = vector.shape_cast %parallel_loop3A_326 : vector<1x1x16xf32> to vector<16xf32>
        %parallel_loop3A_328 = math.exp %parallel_loop3A_327 : vector<16xf32>
        %parallel_loop3A_329 = arith.constant 0 : i32
        %parallel_loop3A_330 = arith.constant 15 : i32
        %parallel_loop3A_331 = arith.index_cast %parallel_loop3A_329 : i32 to index
        %parallel_loop3A_332 = arith.index_cast %parallel_loop3A_330 : i32 to index
        %parallel_loop3A_333 = arith.index_cast %parallel_loop3A_208 : i32 to index
        %parallel_loop3A_334 = tpu.vector_load %arg6[%parallel_loop3A_331, %parallel_loop3A_332, %parallel_loop3A_333] {strides = array<i32>} : memref<2x19x1024xf32, #tpu.memory_space<vmem>>, vector<1x1x16xf32>,
        %parallel_loop3A_335 = vector.shape_cast %parallel_loop3A_334 : vector<1x1x16xf32> to vector<16xf32>
        %parallel_loop3A_336 = math.exp %parallel_loop3A_335 : vector<16xf32>
        %parallel_loop3A_337 = arith.constant 0 : i32
        %parallel_loop3A_338 = arith.constant 16 : i32
        %parallel_loop3A_339 = arith.index_cast %parallel_loop3A_337 : i32 to index
        %parallel_loop3A_340 = arith.index_cast %parallel_loop3A_338 : i32 to index
        %parallel_loop3A_341 = arith.index_cast %parallel_loop3A_208 : i32 to index
        %parallel_loop3A_342 = tpu.vector_load %arg6[%parallel_loop3A_339, %parallel_loop3A_340, %parallel_loop3A_341] {strides = array<i32>} : memref<2x19x1024xf32, #tpu.memory_space<vmem>>, vector<1x1x16xf32>,
        %parallel_loop3A_343 = vector.shape_cast %parallel_loop3A_342 : vector<1x1x16xf32> to vector<16xf32>
        %parallel_loop3A_344 = math.exp %parallel_loop3A_343 : vector<16xf32>
        %parallel_loop3A_345 = arith.constant 0 : i32
        %parallel_loop3A_346 = arith.constant 17 : i32
        %parallel_loop3A_347 = arith.index_cast %parallel_loop3A_345 : i32 to index
        %parallel_loop3A_348 = arith.index_cast %parallel_loop3A_346 : i32 to index
        %parallel_loop3A_349 = arith.index_cast %parallel_loop3A_208 : i32 to index
        %parallel_loop3A_350 = tpu.vector_load %arg6[%parallel_loop3A_347, %parallel_loop3A_348, %parallel_loop3A_349] {strides = array<i32>} : memref<2x19x1024xf32, #tpu.memory_space<vmem>>, vector<1x1x16xf32>,
        %parallel_loop3A_351 = vector.shape_cast %parallel_loop3A_350 : vector<1x1x16xf32> to vector<16xf32>
        %parallel_loop3A_352 = math.exp %parallel_loop3A_351 : vector<16xf32>
        %parallel_loop3A_353 = arith.constant 0 : i32
        %parallel_loop3A_354 = arith.constant 18 : i32
        %parallel_loop3A_355 = arith.index_cast %parallel_loop3A_353 : i32 to index
        %parallel_loop3A_356 = arith.index_cast %parallel_loop3A_354 : i32 to index
        %parallel_loop3A_357 = arith.index_cast %parallel_loop3A_208 : i32 to index
        %parallel_loop3A_358 = tpu.vector_load %arg6[%parallel_loop3A_355, %parallel_loop3A_356, %parallel_loop3A_357] {strides = array<i32>} : memref<2x19x1024xf32, #tpu.memory_space<vmem>>, vector<1x1x16xf32>,
        %parallel_loop3A_359 = vector.shape_cast %parallel_loop3A_358 : vector<1x1x16xf32> to vector<16xf32>
        %parallel_loop3A_360 = math.exp %parallel_loop3A_359 : vector<16xf32>
        %parallel_loop3A_361 = arith.addf %parallel_loop3A_216, %parallel_loop3A_224 : vector<16xf32>
        %parallel_loop3A_362 = arith.addf %parallel_loop3A_361, %parallel_loop3A_232 : vector<16xf32>
        %parallel_loop3A_363 = arith.addf %parallel_loop3A_362, %parallel_loop3A_240 : vector<16xf32>
        %parallel_loop3A_364 = arith.addf %parallel_loop3A_363, %parallel_loop3A_248 : vector<16xf32>
        %parallel_loop3A_365 = arith.addf %parallel_loop3A_364, %parallel_loop3A_256 : vector<16xf32>
        %parallel_loop3A_366 = arith.addf %parallel_loop3A_365, %parallel_loop3A_264 : vector<16xf32>
        %parallel_loop3A_367 = arith.addf %parallel_loop3A_366, %parallel_loop3A_272 : vector<16xf32>
        %parallel_loop3A_368 = arith.addf %parallel_loop3A_367, %parallel_loop3A_280 : vector<16xf32>
        %parallel_loop3A_369 = arith.addf %parallel_loop3A_368, %parallel_loop3A_288 : vector<16xf32>
        %parallel_loop3A_370 = arith.addf %parallel_loop3A_369, %parallel_loop3A_296 : vector<16xf32>
        %parallel_loop3A_371 = arith.addf %parallel_loop3A_370, %parallel_loop3A_304 : vector<16xf32>
        %parallel_loop3A_372 = arith.addf %parallel_loop3A_371, %parallel_loop3A_312 : vector<16xf32>
        %parallel_loop3A_373 = arith.addf %parallel_loop3A_372, %parallel_loop3A_320 : vector<16xf32>
        %parallel_loop3A_374 = arith.addf %parallel_loop3A_373, %parallel_loop3A_328 : vector<16xf32>
        %parallel_loop3A_375 = arith.addf %parallel_loop3A_374, %parallel_loop3A_336 : vector<16xf32>
        %parallel_loop3A_376 = arith.addf %parallel_loop3A_375, %parallel_loop3A_344 : vector<16xf32>
        %parallel_loop3A_377 = arith.addf %parallel_loop3A_376, %parallel_loop3A_352 : vector<16xf32>
        %parallel_loop3A_378 = arith.addf %parallel_loop3A_377, %parallel_loop3A_360 : vector<16xf32>
        %parallel_loop3A_379 = arith.constant 1.024000e+03 : f32
        %parallel_loop3A_380 = vector.broadcast %parallel_loop3A_379 : f32 to vector<16xf32>
        %parallel_loop3A_381 = arith.divf %parallel_loop3A_380, %parallel_loop3A_378 : vector<16xf32>
        %parallel_loop3A_382 = arith.constant 0 : i32
        %parallel_loop3A_383 = arith.index_cast %parallel_loop3A_382 : i32 to index
        %parallel_loop3A_384 = arith.index_cast %parallel_loop3A_208 : i32 to index
        %parallel_loop3A_385 = tpu.vector_load %arg7[%parallel_loop3A_383, %parallel_loop3A_384] {strides = array<i32>} : memref<2x1024xi32, #tpu.memory_space<vmem>>, vector<1x16xi32>,
        %parallel_loop3A_386 = vector.shape_cast %parallel_loop3A_385 : vector<1x16xi32> to vector<16xi32>
        %parallel_loop3A_387 = arith.mulf %parallel_loop3A_216, %parallel_loop3A_381 : vector<16xf32>
        %parallel_loop3A_388 = arith.constant 1.023000e+03 : f32
        %parallel_loop3A_389 = vector.broadcast %parallel_loop3A_388 : f32 to vector<16xf32>
        %parallel_loop3A_390 = arith.minimumf %parallel_loop3A_387, %parallel_loop3A_389 : vector<16xf32>
        %parallel_loop3A_391 = arith.fptosi %parallel_loop3A_390 : vector<16xf32> to vector<16xi32>
        %parallel_loop3A_392 = arith.constant 0 : i32
        %parallel_loop3A_393 = vector.broadcast %parallel_loop3A_392 : i32 to vector<16xi32>
        %parallel_loop3A_394 = arith.cmpi eq, %parallel_loop3A_386, %parallel_loop3A_393 : vector<16xi32>
        %parallel_loop3A_395 = arith.constant 2047 : i32
        %parallel_loop3A_396 = vector.broadcast %parallel_loop3A_395 : i32 to vector<16xi32>
        %parallel_loop3A_397 = arith.subi %parallel_loop3A_396, %parallel_loop3A_391 : vector<16xi32>
        %parallel_loop3A_398 = arith.constant 0 : i32
        %parallel_loop3A_399 = vector.broadcast %parallel_loop3A_398 : i32 to vector<16xi32>
        %parallel_loop3A_400 = arith.addi %parallel_loop3A_399, %parallel_loop3A_391 : vector<16xi32>
        %parallel_loop3A_401 = arith.select %parallel_loop3A_394, %parallel_loop3A_397, %parallel_loop3A_400 : vector<16xi1>, vector<16xi32>
        %parallel_loop3A_402 = arith.constant 0 : i32
        %parallel_loop3A_403 = arith.addi %parallel_loop3A_402, %parallel_loop3A_208 : i32
        %parallel_loop3A_404 = arith.index_cast %parallel_loop3A_403 : i32 to index
        %parallel_loop3A_405 = tpu.vector_load %arg8[%parallel_loop3A_404] {strides = array<i32>} : memref<19456xi32, #tpu.memory_space<vmem>>, vector<16xi32>,
        %parallel_loop3A_406 = vector.shape_cast %parallel_loop3A_405 : vector<16xi32> to vector<16xi32>
        %parallel_loop3A_407 = vector.shape_cast %parallel_loop3A_401 : vector<16xi32> to vector<16xi32>
        tpu.vector_store %arg8[%parallel_loop3A_404], %parallel_loop3A_407 {strides = array<i32>} : memref<19456xi32, #tpu.memory_space<vmem>>, vector<16xi32>,
        %parallel_loop3A_408 = arith.mulf %parallel_loop3A_224, %parallel_loop3A_381 : vector<16xf32>
        %parallel_loop3A_409 = arith.constant 1.023000e+03 : f32
        %parallel_loop3A_410 = vector.broadcast %parallel_loop3A_409 : f32 to vector<16xf32>
        %parallel_loop3A_411 = arith.minimumf %parallel_loop3A_408, %parallel_loop3A_410 : vector<16xf32>
        %parallel_loop3A_412 = arith.fptosi %parallel_loop3A_411 : vector<16xf32> to vector<16xi32>
        %parallel_loop3A_413 = arith.constant 1 : i32
        %parallel_loop3A_414 = vector.broadcast %parallel_loop3A_413 : i32 to vector<16xi32>
        %parallel_loop3A_415 = arith.cmpi eq, %parallel_loop3A_386, %parallel_loop3A_414 : vector<16xi32>
        %parallel_loop3A_416 = arith.constant 4095 : i32
        %parallel_loop3A_417 = vector.broadcast %parallel_loop3A_416 : i32 to vector<16xi32>
        %parallel_loop3A_418 = arith.subi %parallel_loop3A_417, %parallel_loop3A_412 : vector<16xi32>
        %parallel_loop3A_419 = arith.constant 2048 : i32
        %parallel_loop3A_420 = vector.broadcast %parallel_loop3A_419 : i32 to vector<16xi32>
        %parallel_loop3A_421 = arith.addi %parallel_loop3A_420, %parallel_loop3A_412 : vector<16xi32>
        %parallel_loop3A_422 = arith.select %parallel_loop3A_415, %parallel_loop3A_418, %parallel_loop3A_421 : vector<16xi1>, vector<16xi32>
        %parallel_loop3A_423 = arith.constant 1024 : i32
        %parallel_loop3A_424 = arith.addi %parallel_loop3A_423, %parallel_loop3A_208 : i32
        %parallel_loop3A_425 = arith.index_cast %parallel_loop3A_424 : i32 to index
        %parallel_loop3A_426 = tpu.vector_load %arg8[%parallel_loop3A_425] {strides = array<i32>} : memref<19456xi32, #tpu.memory_space<vmem>>, vector<16xi32>,
        %parallel_loop3A_427 = vector.shape_cast %parallel_loop3A_426 : vector<16xi32> to vector<16xi32>
        %parallel_loop3A_428 = vector.shape_cast %parallel_loop3A_422 : vector<16xi32> to vector<16xi32>
        tpu.vector_store %arg8[%parallel_loop3A_425], %parallel_loop3A_428 {strides = array<i32>} : memref<19456xi32, #tpu.memory_space<vmem>>, vector<16xi32>,
        %parallel_loop3A_429 = arith.mulf %parallel_loop3A_232, %parallel_loop3A_381 : vector<16xf32>
        %parallel_loop3A_430 = arith.constant 1.023000e+03 : f32
        %parallel_loop3A_431 = vector.broadcast %parallel_loop3A_430 : f32 to vector<16xf32>
        %parallel_loop3A_432 = arith.minimumf %parallel_loop3A_429, %parallel_loop3A_431 : vector<16xf32>
        %parallel_loop3A_433 = arith.fptosi %parallel_loop3A_432 : vector<16xf32> to vector<16xi32>
        %parallel_loop3A_434 = arith.constant 2 : i32
        %parallel_loop3A_435 = vector.broadcast %parallel_loop3A_434 : i32 to vector<16xi32>
        %parallel_loop3A_436 = arith.cmpi eq, %parallel_loop3A_386, %parallel_loop3A_435 : vector<16xi32>
        %parallel_loop3A_437 = arith.constant 6143 : i32
        %parallel_loop3A_438 = vector.broadcast %parallel_loop3A_437 : i32 to vector<16xi32>
        %parallel_loop3A_439 = arith.subi %parallel_loop3A_438, %parallel_loop3A_433 : vector<16xi32>
        %parallel_loop3A_440 = arith.constant 4096 : i32
        %parallel_loop3A_441 = vector.broadcast %parallel_loop3A_440 : i32 to vector<16xi32>
        %parallel_loop3A_442 = arith.addi %parallel_loop3A_441, %parallel_loop3A_433 : vector<16xi32>
        %parallel_loop3A_443 = arith.select %parallel_loop3A_436, %parallel_loop3A_439, %parallel_loop3A_442 : vector<16xi1>, vector<16xi32>
        %parallel_loop3A_444 = arith.constant 2048 : i32
        %parallel_loop3A_445 = arith.addi %parallel_loop3A_444, %parallel_loop3A_208 : i32
        %parallel_loop3A_446 = arith.index_cast %parallel_loop3A_445 : i32 to index
        %parallel_loop3A_447 = tpu.vector_load %arg8[%parallel_loop3A_446] {strides = array<i32>} : memref<19456xi32, #tpu.memory_space<vmem>>, vector<16xi32>,
        %parallel_loop3A_448 = vector.shape_cast %parallel_loop3A_447 : vector<16xi32> to vector<16xi32>
        %parallel_loop3A_449 = vector.shape_cast %parallel_loop3A_443 : vector<16xi32> to vector<16xi32>
        tpu.vector_store %arg8[%parallel_loop3A_446], %parallel_loop3A_449 {strides = array<i32>} : memref<19456xi32, #tpu.memory_space<vmem>>, vector<16xi32>,
        %parallel_loop3A_450 = arith.mulf %parallel_loop3A_240, %parallel_loop3A_381 : vector<16xf32>
        %parallel_loop3A_451 = arith.constant 1.023000e+03 : f32
        %parallel_loop3A_452 = vector.broadcast %parallel_loop3A_451 : f32 to vector<16xf32>
        %parallel_loop3A_453 = arith.minimumf %parallel_loop3A_450, %parallel_loop3A_452 : vector<16xf32>
        %parallel_loop3A_454 = arith.fptosi %parallel_loop3A_453 : vector<16xf32> to vector<16xi32>
        %parallel_loop3A_455 = arith.constant 3 : i32
        %parallel_loop3A_456 = vector.broadcast %parallel_loop3A_455 : i32 to vector<16xi32>
        %parallel_loop3A_457 = arith.cmpi eq, %parallel_loop3A_386, %parallel_loop3A_456 : vector<16xi32>
        %parallel_loop3A_458 = arith.constant 8191 : i32
        %parallel_loop3A_459 = vector.broadcast %parallel_loop3A_458 : i32 to vector<16xi32>
        %parallel_loop3A_460 = arith.subi %parallel_loop3A_459, %parallel_loop3A_454 : vector<16xi32>
        %parallel_loop3A_461 = arith.constant 6144 : i32
        %parallel_loop3A_462 = vector.broadcast %parallel_loop3A_461 : i32 to vector<16xi32>
        %parallel_loop3A_463 = arith.addi %parallel_loop3A_462, %parallel_loop3A_454 : vector<16xi32>
        %parallel_loop3A_464 = arith.select %parallel_loop3A_457, %parallel_loop3A_460, %parallel_loop3A_463 : vector<16xi1>, vector<16xi32>
        %parallel_loop3A_465 = arith.constant 3072 : i32
        %parallel_loop3A_466 = arith.addi %parallel_loop3A_465, %parallel_loop3A_208 : i32
        %parallel_loop3A_467 = arith.index_cast %parallel_loop3A_466 : i32 to index
        %parallel_loop3A_468 = tpu.vector_load %arg8[%parallel_loop3A_467] {strides = array<i32>} : memref<19456xi32, #tpu.memory_space<vmem>>, vector<16xi32>,
        %parallel_loop3A_469 = vector.shape_cast %parallel_loop3A_468 : vector<16xi32> to vector<16xi32>
        %parallel_loop3A_470 = vector.shape_cast %parallel_loop3A_464 : vector<16xi32> to vector<16xi32>
        tpu.vector_store %arg8[%parallel_loop3A_467], %parallel_loop3A_470 {strides = array<i32>} : memref<19456xi32, #tpu.memory_space<vmem>>, vector<16xi32>,
        %parallel_loop3A_471 = arith.mulf %parallel_loop3A_248, %parallel_loop3A_381 : vector<16xf32>
        %parallel_loop3A_472 = arith.constant 1.023000e+03 : f32
        %parallel_loop3A_473 = vector.broadcast %parallel_loop3A_472 : f32 to vector<16xf32>
        %parallel_loop3A_474 = arith.minimumf %parallel_loop3A_471, %parallel_loop3A_473 : vector<16xf32>
        %parallel_loop3A_475 = arith.fptosi %parallel_loop3A_474 : vector<16xf32> to vector<16xi32>
        %parallel_loop3A_476 = arith.constant 4 : i32
        %parallel_loop3A_477 = vector.broadcast %parallel_loop3A_476 : i32 to vector<16xi32>
        %parallel_loop3A_478 = arith.cmpi eq, %parallel_loop3A_386, %parallel_loop3A_477 : vector<16xi32>
        %parallel_loop3A_479 = arith.constant 10239 : i32
        %parallel_loop3A_480 = vector.broadcast %parallel_loop3A_479 : i32 to vector<16xi32>
        %parallel_loop3A_481 = arith.subi %parallel_loop3A_480, %parallel_loop3A_475 : vector<16xi32>
        %parallel_loop3A_482 = arith.constant 8192 : i32
        %parallel_loop3A_483 = vector.broadcast %parallel_loop3A_482 : i32 to vector<16xi32>
        %parallel_loop3A_484 = arith.addi %parallel_loop3A_483, %parallel_loop3A_475 : vector<16xi32>
        %parallel_loop3A_485 = arith.select %parallel_loop3A_478, %parallel_loop3A_481, %parallel_loop3A_484 : vector<16xi1>, vector<16xi32>
        %parallel_loop3A_486 = arith.constant 4096 : i32
        %parallel_loop3A_487 = arith.addi %parallel_loop3A_486, %parallel_loop3A_208 : i32
        %parallel_loop3A_488 = arith.index_cast %parallel_loop3A_487 : i32 to index
        %parallel_loop3A_489 = tpu.vector_load %arg8[%parallel_loop3A_488] {strides = array<i32>} : memref<19456xi32, #tpu.memory_space<vmem>>, vector<16xi32>,
        %parallel_loop3A_490 = vector.shape_cast %parallel_loop3A_489 : vector<16xi32> to vector<16xi32>
        %parallel_loop3A_491 = vector.shape_cast %parallel_loop3A_485 : vector<16xi32> to vector<16xi32>
        tpu.vector_store %arg8[%parallel_loop3A_488], %parallel_loop3A_491 {strides = array<i32>} : memref<19456xi32, #tpu.memory_space<vmem>>, vector<16xi32>,
        %parallel_loop3A_492 = arith.mulf %parallel_loop3A_256, %parallel_loop3A_381 : vector<16xf32>
        %parallel_loop3A_493 = arith.constant 1.023000e+03 : f32
        %parallel_loop3A_494 = vector.broadcast %parallel_loop3A_493 : f32 to vector<16xf32>
        %parallel_loop3A_495 = arith.minimumf %parallel_loop3A_492, %parallel_loop3A_494 : vector<16xf32>
        %parallel_loop3A_496 = arith.fptosi %parallel_loop3A_495 : vector<16xf32> to vector<16xi32>
        %parallel_loop3A_497 = arith.constant 5 : i32
        %parallel_loop3A_498 = vector.broadcast %parallel_loop3A_497 : i32 to vector<16xi32>
        %parallel_loop3A_499 = arith.cmpi eq, %parallel_loop3A_386, %parallel_loop3A_498 : vector<16xi32>
        %parallel_loop3A_500 = arith.constant 12287 : i32
        %parallel_loop3A_501 = vector.broadcast %parallel_loop3A_500 : i32 to vector<16xi32>
        %parallel_loop3A_502 = arith.subi %parallel_loop3A_501, %parallel_loop3A_496 : vector<16xi32>
        %parallel_loop3A_503 = arith.constant 10240 : i32
        %parallel_loop3A_504 = vector.broadcast %parallel_loop3A_503 : i32 to vector<16xi32>
        %parallel_loop3A_505 = arith.addi %parallel_loop3A_504, %parallel_loop3A_496 : vector<16xi32>
        %parallel_loop3A_506 = arith.select %parallel_loop3A_499, %parallel_loop3A_502, %parallel_loop3A_505 : vector<16xi1>, vector<16xi32>
        %parallel_loop3A_507 = arith.constant 5120 : i32
        %parallel_loop3A_508 = arith.addi %parallel_loop3A_507, %parallel_loop3A_208 : i32
        %parallel_loop3A_509 = arith.index_cast %parallel_loop3A_508 : i32 to index
        %parallel_loop3A_510 = tpu.vector_load %arg8[%parallel_loop3A_509] {strides = array<i32>} : memref<19456xi32, #tpu.memory_space<vmem>>, vector<16xi32>,
        %parallel_loop3A_511 = vector.shape_cast %parallel_loop3A_510 : vector<16xi32> to vector<16xi32>
        %parallel_loop3A_512 = vector.shape_cast %parallel_loop3A_506 : vector<16xi32> to vector<16xi32>
        tpu.vector_store %arg8[%parallel_loop3A_509], %parallel_loop3A_512 {strides = array<i32>} : memref<19456xi32, #tpu.memory_space<vmem>>, vector<16xi32>,
        %parallel_loop3A_513 = arith.mulf %parallel_loop3A_264, %parallel_loop3A_381 : vector<16xf32>
        %parallel_loop3A_514 = arith.constant 1.023000e+03 : f32
        %parallel_loop3A_515 = vector.broadcast %parallel_loop3A_514 : f32 to vector<16xf32>
        %parallel_loop3A_516 = arith.minimumf %parallel_loop3A_513, %parallel_loop3A_515 : vector<16xf32>
        %parallel_loop3A_517 = arith.fptosi %parallel_loop3A_516 : vector<16xf32> to vector<16xi32>
        %parallel_loop3A_518 = arith.constant 6 : i32
        %parallel_loop3A_519 = vector.broadcast %parallel_loop3A_518 : i32 to vector<16xi32>
        %parallel_loop3A_520 = arith.cmpi eq, %parallel_loop3A_386, %parallel_loop3A_519 : vector<16xi32>
        %parallel_loop3A_521 = arith.constant 14335 : i32
        %parallel_loop3A_522 = vector.broadcast %parallel_loop3A_521 : i32 to vector<16xi32>
        %parallel_loop3A_523 = arith.subi %parallel_loop3A_522, %parallel_loop3A_517 : vector<16xi32>
        %parallel_loop3A_524 = arith.constant 12288 : i32
        %parallel_loop3A_525 = vector.broadcast %parallel_loop3A_524 : i32 to vector<16xi32>
        %parallel_loop3A_526 = arith.addi %parallel_loop3A_525, %parallel_loop3A_517 : vector<16xi32>
        %parallel_loop3A_527 = arith.select %parallel_loop3A_520, %parallel_loop3A_523, %parallel_loop3A_526 : vector<16xi1>, vector<16xi32>
        %parallel_loop3A_528 = arith.constant 6144 : i32
        %parallel_loop3A_529 = arith.addi %parallel_loop3A_528, %parallel_loop3A_208 : i32
        %parallel_loop3A_530 = arith.index_cast %parallel_loop3A_529 : i32 to index
        %parallel_loop3A_531 = tpu.vector_load %arg8[%parallel_loop3A_530] {strides = array<i32>} : memref<19456xi32, #tpu.memory_space<vmem>>, vector<16xi32>,
        %parallel_loop3A_532 = vector.shape_cast %parallel_loop3A_531 : vector<16xi32> to vector<16xi32>
        %parallel_loop3A_533 = vector.shape_cast %parallel_loop3A_527 : vector<16xi32> to vector<16xi32>
        tpu.vector_store %arg8[%parallel_loop3A_530], %parallel_loop3A_533 {strides = array<i32>} : memref<19456xi32, #tpu.memory_space<vmem>>, vector<16xi32>,
        %parallel_loop3A_534 = arith.mulf %parallel_loop3A_272, %parallel_loop3A_381 : vector<16xf32>
        %parallel_loop3A_535 = arith.constant 1.023000e+03 : f32
        %parallel_loop3A_536 = vector.broadcast %parallel_loop3A_535 : f32 to vector<16xf32>
        %parallel_loop3A_537 = arith.minimumf %parallel_loop3A_534, %parallel_loop3A_536 : vector<16xf32>
        %parallel_loop3A_538 = arith.fptosi %parallel_loop3A_537 : vector<16xf32> to vector<16xi32>
        %parallel_loop3A_539 = arith.constant 7 : i32
        %parallel_loop3A_540 = vector.broadcast %parallel_loop3A_539 : i32 to vector<16xi32>
        %parallel_loop3A_541 = arith.cmpi eq, %parallel_loop3A_386, %parallel_loop3A_540 : vector<16xi32>
        %parallel_loop3A_542 = arith.constant 16383 : i32
        %parallel_loop3A_543 = vector.broadcast %parallel_loop3A_542 : i32 to vector<16xi32>
        %parallel_loop3A_544 = arith.subi %parallel_loop3A_543, %parallel_loop3A_538 : vector<16xi32>
        %parallel_loop3A_545 = arith.constant 14336 : i32
        %parallel_loop3A_546 = vector.broadcast %parallel_loop3A_545 : i32 to vector<16xi32>
        %parallel_loop3A_547 = arith.addi %parallel_loop3A_546, %parallel_loop3A_538 : vector<16xi32>
        %parallel_loop3A_548 = arith.select %parallel_loop3A_541, %parallel_loop3A_544, %parallel_loop3A_547 : vector<16xi1>, vector<16xi32>
        %parallel_loop3A_549 = arith.constant 7168 : i32
        %parallel_loop3A_550 = arith.addi %parallel_loop3A_549, %parallel_loop3A_208 : i32
        %parallel_loop3A_551 = arith.index_cast %parallel_loop3A_550 : i32 to index
        %parallel_loop3A_552 = tpu.vector_load %arg8[%parallel_loop3A_551] {strides = array<i32>} : memref<19456xi32, #tpu.memory_space<vmem>>, vector<16xi32>,
        %parallel_loop3A_553 = vector.shape_cast %parallel_loop3A_552 : vector<16xi32> to vector<16xi32>
        %parallel_loop3A_554 = vector.shape_cast %parallel_loop3A_548 : vector<16xi32> to vector<16xi32>
        tpu.vector_store %arg8[%parallel_loop3A_551], %parallel_loop3A_554 {strides = array<i32>} : memref<19456xi32, #tpu.memory_space<vmem>>, vector<16xi32>,
        %parallel_loop3A_555 = arith.mulf %parallel_loop3A_280, %parallel_loop3A_381 : vector<16xf32>
        %parallel_loop3A_556 = arith.constant 1.023000e+03 : f32
        %parallel_loop3A_557 = vector.broadcast %parallel_loop3A_556 : f32 to vector<16xf32>
        %parallel_loop3A_558 = arith.minimumf %parallel_loop3A_555, %parallel_loop3A_557 : vector<16xf32>
        %parallel_loop3A_559 = arith.fptosi %parallel_loop3A_558 : vector<16xf32> to vector<16xi32>
        %parallel_loop3A_560 = arith.constant 8 : i32
        %parallel_loop3A_561 = vector.broadcast %parallel_loop3A_560 : i32 to vector<16xi32>
        %parallel_loop3A_562 = arith.cmpi eq, %parallel_loop3A_386, %parallel_loop3A_561 : vector<16xi32>
        %parallel_loop3A_563 = arith.constant 18431 : i32
        %parallel_loop3A_564 = vector.broadcast %parallel_loop3A_563 : i32 to vector<16xi32>
        %parallel_loop3A_565 = arith.subi %parallel_loop3A_564, %parallel_loop3A_559 : vector<16xi32>
        %parallel_loop3A_566 = arith.constant 16384 : i32
        %parallel_loop3A_567 = vector.broadcast %parallel_loop3A_566 : i32 to vector<16xi32>
        %parallel_loop3A_568 = arith.addi %parallel_loop3A_567, %parallel_loop3A_559 : vector<16xi32>
        %parallel_loop3A_569 = arith.select %parallel_loop3A_562, %parallel_loop3A_565, %parallel_loop3A_568 : vector<16xi1>, vector<16xi32>
        %parallel_loop3A_570 = arith.constant 8192 : i32
        %parallel_loop3A_571 = arith.addi %parallel_loop3A_570, %parallel_loop3A_208 : i32
        %parallel_loop3A_572 = arith.index_cast %parallel_loop3A_571 : i32 to index
        %parallel_loop3A_573 = tpu.vector_load %arg8[%parallel_loop3A_572] {strides = array<i32>} : memref<19456xi32, #tpu.memory_space<vmem>>, vector<16xi32>,
        %parallel_loop3A_574 = vector.shape_cast %parallel_loop3A_573 : vector<16xi32> to vector<16xi32>
        %parallel_loop3A_575 = vector.shape_cast %parallel_loop3A_569 : vector<16xi32> to vector<16xi32>
        tpu.vector_store %arg8[%parallel_loop3A_572], %parallel_loop3A_575 {strides = array<i32>} : memref<19456xi32, #tpu.memory_space<vmem>>, vector<16xi32>,
        %parallel_loop3A_576 = arith.mulf %parallel_loop3A_288, %parallel_loop3A_381 : vector<16xf32>
        %parallel_loop3A_577 = arith.constant 1.023000e+03 : f32
        %parallel_loop3A_578 = vector.broadcast %parallel_loop3A_577 : f32 to vector<16xf32>
        %parallel_loop3A_579 = arith.minimumf %parallel_loop3A_576, %parallel_loop3A_578 : vector<16xf32>
        %parallel_loop3A_580 = arith.fptosi %parallel_loop3A_579 : vector<16xf32> to vector<16xi32>
        %parallel_loop3A_581 = arith.constant 9 : i32
        %parallel_loop3A_582 = vector.broadcast %parallel_loop3A_581 : i32 to vector<16xi32>
        %parallel_loop3A_583 = arith.cmpi eq, %parallel_loop3A_386, %parallel_loop3A_582 : vector<16xi32>
        %parallel_loop3A_584 = arith.constant 20479 : i32
        %parallel_loop3A_585 = vector.broadcast %parallel_loop3A_584 : i32 to vector<16xi32>
        %parallel_loop3A_586 = arith.subi %parallel_loop3A_585, %parallel_loop3A_580 : vector<16xi32>
        %parallel_loop3A_587 = arith.constant 18432 : i32
        %parallel_loop3A_588 = vector.broadcast %parallel_loop3A_587 : i32 to vector<16xi32>
        %parallel_loop3A_589 = arith.addi %parallel_loop3A_588, %parallel_loop3A_580 : vector<16xi32>
        %parallel_loop3A_590 = arith.select %parallel_loop3A_583, %parallel_loop3A_586, %parallel_loop3A_589 : vector<16xi1>, vector<16xi32>
        %parallel_loop3A_591 = arith.constant 9216 : i32
        %parallel_loop3A_592 = arith.addi %parallel_loop3A_591, %parallel_loop3A_208 : i32
        %parallel_loop3A_593 = arith.index_cast %parallel_loop3A_592 : i32 to index
        %parallel_loop3A_594 = tpu.vector_load %arg8[%parallel_loop3A_593] {strides = array<i32>} : memref<19456xi32, #tpu.memory_space<vmem>>, vector<16xi32>,
        %parallel_loop3A_595 = vector.shape_cast %parallel_loop3A_594 : vector<16xi32> to vector<16xi32>
        %parallel_loop3A_596 = vector.shape_cast %parallel_loop3A_590 : vector<16xi32> to vector<16xi32>
        tpu.vector_store %arg8[%parallel_loop3A_593], %parallel_loop3A_596 {strides = array<i32>} : memref<19456xi32, #tpu.memory_space<vmem>>, vector<16xi32>,
        %parallel_loop3A_597 = arith.mulf %parallel_loop3A_296, %parallel_loop3A_381 : vector<16xf32>
        %parallel_loop3A_598 = arith.constant 1.023000e+03 : f32
        %parallel_loop3A_599 = vector.broadcast %parallel_loop3A_598 : f32 to vector<16xf32>
        %parallel_loop3A_600 = arith.minimumf %parallel_loop3A_597, %parallel_loop3A_599 : vector<16xf32>
        %parallel_loop3A_601 = arith.fptosi %parallel_loop3A_600 : vector<16xf32> to vector<16xi32>
        %parallel_loop3A_602 = arith.constant 10 : i32
        %parallel_loop3A_603 = vector.broadcast %parallel_loop3A_602 : i32 to vector<16xi32>
        %parallel_loop3A_604 = arith.cmpi eq, %parallel_loop3A_386, %parallel_loop3A_603 : vector<16xi32>
        %parallel_loop3A_605 = arith.constant 22527 : i32
        %parallel_loop3A_606 = vector.broadcast %parallel_loop3A_605 : i32 to vector<16xi32>
        %parallel_loop3A_607 = arith.subi %parallel_loop3A_606, %parallel_loop3A_601 : vector<16xi32>
        %parallel_loop3A_608 = arith.constant 20480 : i32
        %parallel_loop3A_609 = vector.broadcast %parallel_loop3A_608 : i32 to vector<16xi32>
        %parallel_loop3A_610 = arith.addi %parallel_loop3A_609, %parallel_loop3A_601 : vector<16xi32>
        %parallel_loop3A_611 = arith.select %parallel_loop3A_604, %parallel_loop3A_607, %parallel_loop3A_610 : vector<16xi1>, vector<16xi32>
        %parallel_loop3A_612 = arith.constant 10240 : i32
        %parallel_loop3A_613 = arith.addi %parallel_loop3A_612, %parallel_loop3A_208 : i32
        %parallel_loop3A_614 = arith.index_cast %parallel_loop3A_613 : i32 to index
        %parallel_loop3A_615 = tpu.vector_load %arg8[%parallel_loop3A_614] {strides = array<i32>} : memref<19456xi32, #tpu.memory_space<vmem>>, vector<16xi32>,
        %parallel_loop3A_616 = vector.shape_cast %parallel_loop3A_615 : vector<16xi32> to vector<16xi32>
        %parallel_loop3A_617 = vector.shape_cast %parallel_loop3A_611 : vector<16xi32> to vector<16xi32>
        tpu.vector_store %arg8[%parallel_loop3A_614], %parallel_loop3A_617 {strides = array<i32>} : memref<19456xi32, #tpu.memory_space<vmem>>, vector<16xi32>,
        %parallel_loop3A_618 = arith.mulf %parallel_loop3A_304, %parallel_loop3A_381 : vector<16xf32>
        %parallel_loop3A_619 = arith.constant 1.023000e+03 : f32
        %parallel_loop3A_620 = vector.broadcast %parallel_loop3A_619 : f32 to vector<16xf32>
        %parallel_loop3A_621 = arith.minimumf %parallel_loop3A_618, %parallel_loop3A_620 : vector<16xf32>
        %parallel_loop3A_622 = arith.fptosi %parallel_loop3A_621 : vector<16xf32> to vector<16xi32>
        %parallel_loop3A_623 = arith.constant 11 : i32
        %parallel_loop3A_624 = vector.broadcast %parallel_loop3A_623 : i32 to vector<16xi32>
        %parallel_loop3A_625 = arith.cmpi eq, %parallel_loop3A_386, %parallel_loop3A_624 : vector<16xi32>
        %parallel_loop3A_626 = arith.constant 24575 : i32
        %parallel_loop3A_627 = vector.broadcast %parallel_loop3A_626 : i32 to vector<16xi32>
        %parallel_loop3A_628 = arith.subi %parallel_loop3A_627, %parallel_loop3A_622 : vector<16xi32>
        %parallel_loop3A_629 = arith.constant 22528 : i32
        %parallel_loop3A_630 = vector.broadcast %parallel_loop3A_629 : i32 to vector<16xi32>
        %parallel_loop3A_631 = arith.addi %parallel_loop3A_630, %parallel_loop3A_622 : vector<16xi32>
        %parallel_loop3A_632 = arith.select %parallel_loop3A_625, %parallel_loop3A_628, %parallel_loop3A_631 : vector<16xi1>, vector<16xi32>
        %parallel_loop3A_633 = arith.constant 11264 : i32
        %parallel_loop3A_634 = arith.addi %parallel_loop3A_633, %parallel_loop3A_208 : i32
        %parallel_loop3A_635 = arith.index_cast %parallel_loop3A_634 : i32 to index
        %parallel_loop3A_636 = tpu.vector_load %arg8[%parallel_loop3A_635] {strides = array<i32>} : memref<19456xi32, #tpu.memory_space<vmem>>, vector<16xi32>,
        %parallel_loop3A_637 = vector.shape_cast %parallel_loop3A_636 : vector<16xi32> to vector<16xi32>
        %parallel_loop3A_638 = vector.shape_cast %parallel_loop3A_632 : vector<16xi32> to vector<16xi32>
        tpu.vector_store %arg8[%parallel_loop3A_635], %parallel_loop3A_638 {strides = array<i32>} : memref<19456xi32, #tpu.memory_space<vmem>>, vector<16xi32>,
        %parallel_loop3A_639 = arith.mulf %parallel_loop3A_312, %parallel_loop3A_381 : vector<16xf32>
        %parallel_loop3A_640 = arith.constant 1.023000e+03 : f32
        %parallel_loop3A_641 = vector.broadcast %parallel_loop3A_640 : f32 to vector<16xf32>
        %parallel_loop3A_642 = arith.minimumf %parallel_loop3A_639, %parallel_loop3A_641 : vector<16xf32>
        %parallel_loop3A_643 = arith.fptosi %parallel_loop3A_642 : vector<16xf32> to vector<16xi32>
        %parallel_loop3A_644 = arith.constant 12 : i32
        %parallel_loop3A_645 = vector.broadcast %parallel_loop3A_644 : i32 to vector<16xi32>
        %parallel_loop3A_646 = arith.cmpi eq, %parallel_loop3A_386, %parallel_loop3A_645 : vector<16xi32>
        %parallel_loop3A_647 = arith.constant 26623 : i32
        %parallel_loop3A_648 = vector.broadcast %parallel_loop3A_647 : i32 to vector<16xi32>
        %parallel_loop3A_649 = arith.subi %parallel_loop3A_648, %parallel_loop3A_643 : vector<16xi32>
        %parallel_loop3A_650 = arith.constant 24576 : i32
        %parallel_loop3A_651 = vector.broadcast %parallel_loop3A_650 : i32 to vector<16xi32>
        %parallel_loop3A_652 = arith.addi %parallel_loop3A_651, %parallel_loop3A_643 : vector<16xi32>
        %parallel_loop3A_653 = arith.select %parallel_loop3A_646, %parallel_loop3A_649, %parallel_loop3A_652 : vector<16xi1>, vector<16xi32>
        %parallel_loop3A_654 = arith.constant 12288 : i32
        %parallel_loop3A_655 = arith.addi %parallel_loop3A_654, %parallel_loop3A_208 : i32
        %parallel_loop3A_656 = arith.index_cast %parallel_loop3A_655 : i32 to index
        %parallel_loop3A_657 = tpu.vector_load %arg8[%parallel_loop3A_656] {strides = array<i32>} : memref<19456xi32, #tpu.memory_space<vmem>>, vector<16xi32>,
        %parallel_loop3A_658 = vector.shape_cast %parallel_loop3A_657 : vector<16xi32> to vector<16xi32>
        %parallel_loop3A_659 = vector.shape_cast %parallel_loop3A_653 : vector<16xi32> to vector<16xi32>
        tpu.vector_store %arg8[%parallel_loop3A_656], %parallel_loop3A_659 {strides = array<i32>} : memref<19456xi32, #tpu.memory_space<vmem>>, vector<16xi32>,
        %parallel_loop3A_660 = arith.mulf %parallel_loop3A_320, %parallel_loop3A_381 : vector<16xf32>
        %parallel_loop3A_661 = arith.constant 1.023000e+03 : f32
        %parallel_loop3A_662 = vector.broadcast %parallel_loop3A_661 : f32 to vector<16xf32>
        %parallel_loop3A_663 = arith.minimumf %parallel_loop3A_660, %parallel_loop3A_662 : vector<16xf32>
        %parallel_loop3A_664 = arith.fptosi %parallel_loop3A_663 : vector<16xf32> to vector<16xi32>
        %parallel_loop3A_665 = arith.constant 13 : i32
        %parallel_loop3A_666 = vector.broadcast %parallel_loop3A_665 : i32 to vector<16xi32>
        %parallel_loop3A_667 = arith.cmpi eq, %parallel_loop3A_386, %parallel_loop3A_666 : vector<16xi32>
        %parallel_loop3A_668 = arith.constant 28671 : i32
        %parallel_loop3A_669 = vector.broadcast %parallel_loop3A_668 : i32 to vector<16xi32>
        %parallel_loop3A_670 = arith.subi %parallel_loop3A_669, %parallel_loop3A_664 : vector<16xi32>
        %parallel_loop3A_671 = arith.constant 26624 : i32
        %parallel_loop3A_672 = vector.broadcast %parallel_loop3A_671 : i32 to vector<16xi32>
        %parallel_loop3A_673 = arith.addi %parallel_loop3A_672, %parallel_loop3A_664 : vector<16xi32>
        %parallel_loop3A_674 = arith.select %parallel_loop3A_667, %parallel_loop3A_670, %parallel_loop3A_673 : vector<16xi1>, vector<16xi32>
        %parallel_loop3A_675 = arith.constant 13312 : i32
        %parallel_loop3A_676 = arith.addi %parallel_loop3A_675, %parallel_loop3A_208 : i32
        %parallel_loop3A_677 = arith.index_cast %parallel_loop3A_676 : i32 to index
        %parallel_loop3A_678 = tpu.vector_load %arg8[%parallel_loop3A_677] {strides = array<i32>} : memref<19456xi32, #tpu.memory_space<vmem>>, vector<16xi32>,
        %parallel_loop3A_679 = vector.shape_cast %parallel_loop3A_678 : vector<16xi32> to vector<16xi32>
        %parallel_loop3A_680 = vector.shape_cast %parallel_loop3A_674 : vector<16xi32> to vector<16xi32>
        tpu.vector_store %arg8[%parallel_loop3A_677], %parallel_loop3A_680 {strides = array<i32>} : memref<19456xi32, #tpu.memory_space<vmem>>, vector<16xi32>,
        %parallel_loop3A_681 = arith.mulf %parallel_loop3A_328, %parallel_loop3A_381 : vector<16xf32>
        %parallel_loop3A_682 = arith.constant 1.023000e+03 : f32
        %parallel_loop3A_683 = vector.broadcast %parallel_loop3A_682 : f32 to vector<16xf32>
        %parallel_loop3A_684 = arith.minimumf %parallel_loop3A_681, %parallel_loop3A_683 : vector<16xf32>
        %parallel_loop3A_685 = arith.fptosi %parallel_loop3A_684 : vector<16xf32> to vector<16xi32>
        %parallel_loop3A_686 = arith.constant 14 : i32
        %parallel_loop3A_687 = vector.broadcast %parallel_loop3A_686 : i32 to vector<16xi32>
        %parallel_loop3A_688 = arith.cmpi eq, %parallel_loop3A_386, %parallel_loop3A_687 : vector<16xi32>
        %parallel_loop3A_689 = arith.constant 30719 : i32
        %parallel_loop3A_690 = vector.broadcast %parallel_loop3A_689 : i32 to vector<16xi32>
        %parallel_loop3A_691 = arith.subi %parallel_loop3A_690, %parallel_loop3A_685 : vector<16xi32>
        %parallel_loop3A_692 = arith.constant 28672 : i32
        %parallel_loop3A_693 = vector.broadcast %parallel_loop3A_692 : i32 to vector<16xi32>
        %parallel_loop3A_694 = arith.addi %parallel_loop3A_693, %parallel_loop3A_685 : vector<16xi32>
        %parallel_loop3A_695 = arith.select %parallel_loop3A_688, %parallel_loop3A_691, %parallel_loop3A_694 : vector<16xi1>, vector<16xi32>
        %parallel_loop3A_696 = arith.constant 14336 : i32
        %parallel_loop3A_697 = arith.addi %parallel_loop3A_696, %parallel_loop3A_208 : i32
        %parallel_loop3A_698 = arith.index_cast %parallel_loop3A_697 : i32 to index
        %parallel_loop3A_699 = tpu.vector_load %arg8[%parallel_loop3A_698] {strides = array<i32>} : memref<19456xi32, #tpu.memory_space<vmem>>, vector<16xi32>,
        %parallel_loop3A_700 = vector.shape_cast %parallel_loop3A_699 : vector<16xi32> to vector<16xi32>
        %parallel_loop3A_701 = vector.shape_cast %parallel_loop3A_695 : vector<16xi32> to vector<16xi32>
        tpu.vector_store %arg8[%parallel_loop3A_698], %parallel_loop3A_701 {strides = array<i32>} : memref<19456xi32, #tpu.memory_space<vmem>>, vector<16xi32>,
        %parallel_loop3A_702 = arith.mulf %parallel_loop3A_336, %parallel_loop3A_381 : vector<16xf32>
        %parallel_loop3A_703 = arith.constant 1.023000e+03 : f32
        %parallel_loop3A_704 = vector.broadcast %parallel_loop3A_703 : f32 to vector<16xf32>
        %parallel_loop3A_705 = arith.minimumf %parallel_loop3A_702, %parallel_loop3A_704 : vector<16xf32>
        %parallel_loop3A_706 = arith.fptosi %parallel_loop3A_705 : vector<16xf32> to vector<16xi32>
        %parallel_loop3A_707 = arith.constant 15 : i32
        %parallel_loop3A_708 = vector.broadcast %parallel_loop3A_707 : i32 to vector<16xi32>
        %parallel_loop3A_709 = arith.cmpi eq, %parallel_loop3A_386, %parallel_loop3A_708 : vector<16xi32>
        %parallel_loop3A_710 = arith.constant 32767 : i32
        %parallel_loop3A_711 = vector.broadcast %parallel_loop3A_710 : i32 to vector<16xi32>
        %parallel_loop3A_712 = arith.subi %parallel_loop3A_711, %parallel_loop3A_706 : vector<16xi32>
        %parallel_loop3A_713 = arith.constant 30720 : i32
        %parallel_loop3A_714 = vector.broadcast %parallel_loop3A_713 : i32 to vector<16xi32>
        %parallel_loop3A_715 = arith.addi %parallel_loop3A_714, %parallel_loop3A_706 : vector<16xi32>
        %parallel_loop3A_716 = arith.select %parallel_loop3A_709, %parallel_loop3A_712, %parallel_loop3A_715 : vector<16xi1>, vector<16xi32>
        %parallel_loop3A_717 = arith.constant 15360 : i32
        %parallel_loop3A_718 = arith.addi %parallel_loop3A_717, %parallel_loop3A_208 : i32
        %parallel_loop3A_719 = arith.index_cast %parallel_loop3A_718 : i32 to index
        %parallel_loop3A_720 = tpu.vector_load %arg8[%parallel_loop3A_719] {strides = array<i32>} : memref<19456xi32, #tpu.memory_space<vmem>>, vector<16xi32>,
        %parallel_loop3A_721 = vector.shape_cast %parallel_loop3A_720 : vector<16xi32> to vector<16xi32>
        %parallel_loop3A_722 = vector.shape_cast %parallel_loop3A_716 : vector<16xi32> to vector<16xi32>
        tpu.vector_store %arg8[%parallel_loop3A_719], %parallel_loop3A_722 {strides = array<i32>} : memref<19456xi32, #tpu.memory_space<vmem>>, vector<16xi32>,
        %parallel_loop3A_723 = arith.mulf %parallel_loop3A_344, %parallel_loop3A_381 : vector<16xf32>
        %parallel_loop3A_724 = arith.constant 1.023000e+03 : f32
        %parallel_loop3A_725 = vector.broadcast %parallel_loop3A_724 : f32 to vector<16xf32>
        %parallel_loop3A_726 = arith.minimumf %parallel_loop3A_723, %parallel_loop3A_725 : vector<16xf32>
        %parallel_loop3A_727 = arith.fptosi %parallel_loop3A_726 : vector<16xf32> to vector<16xi32>
        %parallel_loop3A_728 = arith.constant 16 : i32
        %parallel_loop3A_729 = vector.broadcast %parallel_loop3A_728 : i32 to vector<16xi32>
        %parallel_loop3A_730 = arith.cmpi eq, %parallel_loop3A_386, %parallel_loop3A_729 : vector<16xi32>
        %parallel_loop3A_731 = arith.constant 34815 : i32
        %parallel_loop3A_732 = vector.broadcast %parallel_loop3A_731 : i32 to vector<16xi32>
        %parallel_loop3A_733 = arith.subi %parallel_loop3A_732, %parallel_loop3A_727 : vector<16xi32>
        %parallel_loop3A_734 = arith.constant 32768 : i32
        %parallel_loop3A_735 = vector.broadcast %parallel_loop3A_734 : i32 to vector<16xi32>
        %parallel_loop3A_736 = arith.addi %parallel_loop3A_735, %parallel_loop3A_727 : vector<16xi32>
        %parallel_loop3A_737 = arith.select %parallel_loop3A_730, %parallel_loop3A_733, %parallel_loop3A_736 : vector<16xi1>, vector<16xi32>
        %parallel_loop3A_738 = arith.constant 16384 : i32
        %parallel_loop3A_739 = arith.addi %parallel_loop3A_738, %parallel_loop3A_208 : i32
        %parallel_loop3A_740 = arith.index_cast %parallel_loop3A_739 : i32 to index
        %parallel_loop3A_741 = tpu.vector_load %arg8[%parallel_loop3A_740] {strides = array<i32>} : memref<19456xi32, #tpu.memory_space<vmem>>, vector<16xi32>,
        %parallel_loop3A_742 = vector.shape_cast %parallel_loop3A_741 : vector<16xi32> to vector<16xi32>
        %parallel_loop3A_743 = vector.shape_cast %parallel_loop3A_737 : vector<16xi32> to vector<16xi32>
        tpu.vector_store %arg8[%parallel_loop3A_740], %parallel_loop3A_743 {strides = array<i32>} : memref<19456xi32, #tpu.memory_space<vmem>>, vector<16xi32>,
        %parallel_loop3A_744 = arith.mulf %parallel_loop3A_352, %parallel_loop3A_381 : vector<16xf32>
        %parallel_loop3A_745 = arith.constant 1.023000e+03 : f32
        %parallel_loop3A_746 = vector.broadcast %parallel_loop3A_745 : f32 to vector<16xf32>
        %parallel_loop3A_747 = arith.minimumf %parallel_loop3A_744, %parallel_loop3A_746 : vector<16xf32>
        %parallel_loop3A_748 = arith.fptosi %parallel_loop3A_747 : vector<16xf32> to vector<16xi32>
        %parallel_loop3A_749 = arith.constant 17 : i32
        %parallel_loop3A_750 = vector.broadcast %parallel_loop3A_749 : i32 to vector<16xi32>
        %parallel_loop3A_751 = arith.cmpi eq, %parallel_loop3A_386, %parallel_loop3A_750 : vector<16xi32>
        %parallel_loop3A_752 = arith.constant 36863 : i32
        %parallel_loop3A_753 = vector.broadcast %parallel_loop3A_752 : i32 to vector<16xi32>
        %parallel_loop3A_754 = arith.subi %parallel_loop3A_753, %parallel_loop3A_748 : vector<16xi32>
        %parallel_loop3A_755 = arith.constant 34816 : i32
        %parallel_loop3A_756 = vector.broadcast %parallel_loop3A_755 : i32 to vector<16xi32>
        %parallel_loop3A_757 = arith.addi %parallel_loop3A_756, %parallel_loop3A_748 : vector<16xi32>
        %parallel_loop3A_758 = arith.select %parallel_loop3A_751, %parallel_loop3A_754, %parallel_loop3A_757 : vector<16xi1>, vector<16xi32>
        %parallel_loop3A_759 = arith.constant 17408 : i32
        %parallel_loop3A_760 = arith.addi %parallel_loop3A_759, %parallel_loop3A_208 : i32
        %parallel_loop3A_761 = arith.index_cast %parallel_loop3A_760 : i32 to index
        %parallel_loop3A_762 = tpu.vector_load %arg8[%parallel_loop3A_761] {strides = array<i32>} : memref<19456xi32, #tpu.memory_space<vmem>>, vector<16xi32>,
        %parallel_loop3A_763 = vector.shape_cast %parallel_loop3A_762 : vector<16xi32> to vector<16xi32>
        %parallel_loop3A_764 = vector.shape_cast %parallel_loop3A_758 : vector<16xi32> to vector<16xi32>
        tpu.vector_store %arg8[%parallel_loop3A_761], %parallel_loop3A_764 {strides = array<i32>} : memref<19456xi32, #tpu.memory_space<vmem>>, vector<16xi32>,
        %parallel_loop3A_765 = arith.mulf %parallel_loop3A_360, %parallel_loop3A_381 : vector<16xf32>
        %parallel_loop3A_766 = arith.constant 1.023000e+03 : f32
        %parallel_loop3A_767 = vector.broadcast %parallel_loop3A_766 : f32 to vector<16xf32>
        %parallel_loop3A_768 = arith.minimumf %parallel_loop3A_765, %parallel_loop3A_767 : vector<16xf32>
        %parallel_loop3A_769 = arith.fptosi %parallel_loop3A_768 : vector<16xf32> to vector<16xi32>
        %parallel_loop3A_770 = arith.constant 18 : i32
        %parallel_loop3A_771 = vector.broadcast %parallel_loop3A_770 : i32 to vector<16xi32>
        %parallel_loop3A_772 = arith.cmpi eq, %parallel_loop3A_386, %parallel_loop3A_771 : vector<16xi32>
        %parallel_loop3A_773 = arith.constant 38911 : i32
        %parallel_loop3A_774 = vector.broadcast %parallel_loop3A_773 : i32 to vector<16xi32>
        %parallel_loop3A_775 = arith.subi %parallel_loop3A_774, %parallel_loop3A_769 : vector<16xi32>
        %parallel_loop3A_776 = arith.constant 36864 : i32
        %parallel_loop3A_777 = vector.broadcast %parallel_loop3A_776 : i32 to vector<16xi32>
        %parallel_loop3A_778 = arith.addi %parallel_loop3A_777, %parallel_loop3A_769 : vector<16xi32>
        %parallel_loop3A_779 = arith.select %parallel_loop3A_772, %parallel_loop3A_775, %parallel_loop3A_778 : vector<16xi1>, vector<16xi32>
        %parallel_loop3A_780 = arith.constant 18432 : i32
        %parallel_loop3A_781 = arith.addi %parallel_loop3A_780, %parallel_loop3A_208 : i32
        %parallel_loop3A_782 = arith.index_cast %parallel_loop3A_781 : i32 to index
        %parallel_loop3A_783 = tpu.vector_load %arg8[%parallel_loop3A_782] {strides = array<i32>} : memref<19456xi32, #tpu.memory_space<vmem>>, vector<16xi32>,
        %parallel_loop3A_784 = vector.shape_cast %parallel_loop3A_783 : vector<16xi32> to vector<16xi32>
        %parallel_loop3A_785 = vector.shape_cast %parallel_loop3A_779 : vector<16xi32> to vector<16xi32>
        tpu.vector_store %arg8[%parallel_loop3A_782], %parallel_loop3A_785 {strides = array<i32>} : memref<19456xi32, #tpu.memory_space<vmem>>, vector<16xi32>,
      } {sc.loop_unroll_factor = 4 : i64, sc.parallel_access}
      %dma_start3A_147 = arith.constant 0 : i32
      %dma_start3A_148 = tpu.memref_slice %arg5[%dma_start3A_147] : memref<38912xf32, #tpu.memory_space<vmem_shared>> -> memref<38912xf32, #tpu.memory_space<vmem_shared>>
      tpu.enqueue_indirect_dma source(%arg10 : memref<19456xf32, #tpu.memory_space<vmem>>) target(%dma_start3A_148 : memref<38912xf32, #tpu.memory_space<vmem_shared>>) offsets(%arg8 : memref<19456xi32, #tpu.memory_space<vmem>>) semaphore(%arg16 : memref<!tpu.dma_semaphore, #tpu.memory_space<semaphore_mem>>) {add = true}
      %mul3A_149 = arith.constant 2 : i32
      %mul3A_150 = arith.muli %scan3A_63, %mul3A_149 : i32
      %add3A_151 = arith.constant 1 : i32
      %add3A_152 = arith.addi %mul3A_150, %add3A_151 : i32
      %mul3A_153 = arith.constant 32768 : i32
      %mul3A_154 = arith.muli %shift_right_arithmetic3A_2, %mul3A_153 : i32
      %mul3A_155 = arith.constant 1024 : i32
      %mul3A_156 = arith.muli %add3A_152, %mul3A_155 : i32
      %add3A_157 = arith.addi %mul3A_154, %mul3A_156 : i32
      %multiple_of3A_158 = tpu.assume_multiple %add3A_157, 128 : i32
      %dma_wait3A_159 = arith.constant 1 : i32
      %dma_wait3A_160 = arith.constant 0 : i32
      %dma_wait3A_161 = arith.constant 0 : i32
      %dma_wait3A_162 = tpu.memref_slice %arg6[%dma_wait3A_159, %dma_wait3A_160, %dma_wait3A_161] : memref<2x19x1024xf32, #tpu.memory_space<vmem>> -> memref<1x19x1024xf32, #tpu.memory_space<vmem>>
      %dma_wait3A_163 = tpu.memref_squeeze %dma_wait3A_162 : memref<1x19x1024xf32, #tpu.memory_space<vmem>> -> memref<19x1024xf32, #tpu.memory_space<vmem>>
      %dma_wait3A_164 = arith.constant 0 : i32
      %dma_wait3A_165 = tpu.memref_slice %arg2[%and3A_1, %dma_wait3A_164, %multiple_of3A_158] : memref<4x19x262144xf32, #tpu.memory_space<hbm>> -> memref<1x19x1024xf32, #tpu.memory_space<hbm>>
      %dma_wait3A_166 = tpu.memref_squeeze %dma_wait3A_165 : memref<1x19x1024xf32, #tpu.memory_space<hbm>> -> memref<19x1024xf32, #tpu.memory_space<hbm>>
      %dma_wait3A_167 = arith.constant 0 : i32
      %dma_wait3A_168 = arith.constant 0 : i32
      %dma_wait3A_169 = tpu.memref_slice %arg6[%dma_wait3A_159, %dma_wait3A_167, %dma_wait3A_168] : memref<2x19x1024xf32, #tpu.memory_space<vmem>> -> memref<1x19x1024xf32, #tpu.memory_space<vmem>>
      %dma_wait3A_170 = tpu.memref_squeeze %dma_wait3A_169 : memref<1x19x1024xf32, #tpu.memory_space<vmem>> -> memref<19x1024xf32, #tpu.memory_space<vmem>>
      %dma_wait3A_171 = arith.constant 0 : i32
      %dma_wait3A_172 = tpu.memref_slice %arg2[%and3A_1, %dma_wait3A_171, %multiple_of3A_158] : memref<4x19x262144xf32, #tpu.memory_space<hbm>> -> memref<1x19x1024xf32, #tpu.memory_space<hbm>>
      %dma_wait3A_173 = tpu.memref_squeeze %dma_wait3A_172 : memref<1x19x1024xf32, #tpu.memory_space<hbm>> -> memref<19x1024xf32, #tpu.memory_space<hbm>>
      tpu.wait_dma2 semaphore(%arg13 : memref<!tpu.dma_semaphore, #tpu.memory_space<semaphore_mem>>) src(%dma_wait3A_173 : memref<19x1024xf32, #tpu.memory_space<hbm>>) dst(%dma_wait3A_170 : memref<19x1024xf32, #tpu.memory_space<vmem>>)
      %mul3A_174 = arith.constant 32768 : i32
      %mul3A_175 = arith.muli %shift_right_arithmetic3A_2, %mul3A_174 : i32
      %mul3A_176 = arith.constant 1024 : i32
      %mul3A_177 = arith.muli %add3A_152, %mul3A_176 : i32
      %add3A_178 = arith.addi %mul3A_175, %mul3A_177 : i32
      %multiple_of3A_179 = tpu.assume_multiple %add3A_178, 128 : i32
      %dma_wait3A_180 = arith.constant 1 : i32
      %dma_wait3A_181 = arith.constant 0 : i32
      %dma_wait3A_182 = tpu.memref_slice %arg7[%dma_wait3A_180, %dma_wait3A_181] : memref<2x1024xi32, #tpu.memory_space<vmem>> -> memref<1x1024xi32, #tpu.memory_space<vmem>>
      %dma_wait3A_183 = tpu.memref_squeeze %dma_wait3A_182 : memref<1x1024xi32, #tpu.memory_space<vmem>> -> memref<1024xi32, #tpu.memory_space<vmem>>
      %dma_wait3A_184 = tpu.memref_slice %arg3[%and3A_1, %multiple_of3A_179] : memref<4x262144xi32, #tpu.memory_space<hbm>> -> memref<1x1024xi32, #tpu.memory_space<hbm>>
      %dma_wait3A_185 = tpu.memref_squeeze %dma_wait3A_184 : memref<1x1024xi32, #tpu.memory_space<hbm>> -> memref<1024xi32, #tpu.memory_space<hbm>>
      %dma_wait3A_186 = arith.constant 0 : i32
      %dma_wait3A_187 = tpu.memref_slice %arg7[%dma_wait3A_180, %dma_wait3A_186] : memref<2x1024xi32, #tpu.memory_space<vmem>> -> memref<1x1024xi32, #tpu.memory_space<vmem>>
      %dma_wait3A_188 = tpu.memref_squeeze %dma_wait3A_187 : memref<1x1024xi32, #tpu.memory_space<vmem>> -> memref<1024xi32, #tpu.memory_space<vmem>>
      %dma_wait3A_189 = tpu.memref_slice %arg3[%and3A_1, %multiple_of3A_179] : memref<4x262144xi32, #tpu.memory_space<hbm>> -> memref<1x1024xi32, #tpu.memory_space<hbm>>
      %dma_wait3A_190 = tpu.memref_squeeze %dma_wait3A_189 : memref<1x1024xi32, #tpu.memory_space<hbm>> -> memref<1024xi32, #tpu.memory_space<hbm>>
      tpu.wait_dma2 semaphore(%arg15 : memref<!tpu.dma_semaphore, #tpu.memory_space<semaphore_mem>>) src(%dma_wait3A_190 : memref<1024xi32, #tpu.memory_space<hbm>>) dst(%dma_wait3A_188 : memref<1024xi32, #tpu.memory_space<vmem>>)
      %lt3A = arith.constant 15 : i32
      %lt3A_191 = arith.cmpi slt, %scan3A_63, %lt3A : i32
      %convert_element_type3A_192 = arith.extui %lt3A_191 : i1 to i32
      %cond3A_193 = arith.constant 0 : i32
      %cond3A_194 = arith.cmpi ne, %convert_element_type3A_192, %cond3A_193 : i32
      scf.if %cond3A_194 {
        %add3A_206 = arith.constant 1 : i32
        %add3A_207 = arith.addi %add3A_152, %add3A_206 : i32
        %mul3A_208 = arith.constant 32768 : i32
        %mul3A_209 = arith.muli %shift_right_arithmetic3A_2, %mul3A_208 : i32
        %mul3A_210 = arith.constant 1024 : i32
        %mul3A_211 = arith.muli %add3A_207, %mul3A_210 : i32
        %add3A_212 = arith.addi %mul3A_209, %mul3A_211 : i32
        %multiple_of3A_213 = tpu.assume_multiple %add3A_212, 128 : i32
        %dma_start3A_214 = arith.constant 0 : i32
        %dma_start3A_215 = arith.constant 0 : i32
        %dma_start3A_216 = arith.constant 0 : i32
        %dma_start3A_217 = tpu.memref_slice %arg6[%dma_start3A_214, %dma_start3A_215, %dma_start3A_216] : memref<2x19x1024xf32, #tpu.memory_space<vmem>> -> memref<1x19x1024xf32, #tpu.memory_space<vmem>>
        %dma_start3A_218 = tpu.memref_squeeze %dma_start3A_217 : memref<1x19x1024xf32, #tpu.memory_space<vmem>> -> memref<19x1024xf32, #tpu.memory_space<vmem>>
        %dma_start3A_219 = arith.constant 0 : i32
        %dma_start3A_220 = tpu.memref_slice %arg2[%and3A_1, %dma_start3A_219, %multiple_of3A_213] : memref<4x19x262144xf32, #tpu.memory_space<hbm>> -> memref<1x19x1024xf32, #tpu.memory_space<hbm>>
        %dma_start3A_221 = tpu.memref_squeeze %dma_start3A_220 : memref<1x19x1024xf32, #tpu.memory_space<hbm>> -> memref<19x1024xf32, #tpu.memory_space<hbm>>
        %dma_start3A_222 = arith.constant 0 : i32
        %dma_start3A_223 = arith.constant 0 : i32
        %dma_start3A_224 = tpu.memref_slice %arg6[%dma_start3A_214, %dma_start3A_222, %dma_start3A_223] : memref<2x19x1024xf32, #tpu.memory_space<vmem>> -> memref<1x19x1024xf32, #tpu.memory_space<vmem>>
        %dma_start3A_225 = tpu.memref_squeeze %dma_start3A_224 : memref<1x19x1024xf32, #tpu.memory_space<vmem>> -> memref<19x1024xf32, #tpu.memory_space<vmem>>
        %dma_start3A_226 = arith.constant 0 : i32
        %dma_start3A_227 = tpu.memref_slice %arg2[%and3A_1, %dma_start3A_226, %multiple_of3A_213] : memref<4x19x262144xf32, #tpu.memory_space<hbm>> -> memref<1x19x1024xf32, #tpu.memory_space<hbm>>
        %dma_start3A_228 = tpu.memref_squeeze %dma_start3A_227 : memref<1x19x1024xf32, #tpu.memory_space<hbm>> -> memref<19x1024xf32, #tpu.memory_space<hbm>>
        tpu.enqueue_dma source(%dma_start3A_228 : memref<19x1024xf32, #tpu.memory_space<hbm>>) target(%dma_start3A_225 : memref<19x1024xf32, #tpu.memory_space<vmem>>) target_semaphore(%arg12 : memref<!tpu.dma_semaphore, #tpu.memory_space<semaphore_mem>>)
        %dma_start3A_229 = arith.constant 0 : i32
        %dma_start3A_230 = arith.constant 0 : i32
        %dma_start3A_231 = tpu.memref_slice %arg7[%dma_start3A_229, %dma_start3A_230] : memref<2x1024xi32, #tpu.memory_space<vmem>> -> memref<1x1024xi32, #tpu.memory_space<vmem>>
        %dma_start3A_232 = tpu.memref_squeeze %dma_start3A_231 : memref<1x1024xi32, #tpu.memory_space<vmem>> -> memref<1024xi32, #tpu.memory_space<vmem>>
        %dma_start3A_233 = tpu.memref_slice %arg3[%and3A_1, %multiple_of3A_213] : memref<4x262144xi32, #tpu.memory_space<hbm>> -> memref<1x1024xi32, #tpu.memory_space<hbm>>
        %dma_start3A_234 = tpu.memref_squeeze %dma_start3A_233 : memref<1x1024xi32, #tpu.memory_space<hbm>> -> memref<1024xi32, #tpu.memory_space<hbm>>
        %dma_start3A_235 = arith.constant 0 : i32
        %dma_start3A_236 = tpu.memref_slice %arg7[%dma_start3A_229, %dma_start3A_235] : memref<2x1024xi32, #tpu.memory_space<vmem>> -> memref<1x1024xi32, #tpu.memory_space<vmem>>
        %dma_start3A_237 = tpu.memref_squeeze %dma_start3A_236 : memref<1x1024xi32, #tpu.memory_space<vmem>> -> memref<1024xi32, #tpu.memory_space<vmem>>
        %dma_start3A_238 = tpu.memref_slice %arg3[%and3A_1, %multiple_of3A_213] : memref<4x262144xi32, #tpu.memory_space<hbm>> -> memref<1x1024xi32, #tpu.memory_space<hbm>>
        %dma_start3A_239 = tpu.memref_squeeze %dma_start3A_238 : memref<1x1024xi32, #tpu.memory_space<hbm>> -> memref<1024xi32, #tpu.memory_space<hbm>>
        tpu.enqueue_dma source(%dma_start3A_239 : memref<1024xi32, #tpu.memory_space<hbm>>) target(%dma_start3A_237 : memref<1024xi32, #tpu.memory_space<vmem>>) target_semaphore(%arg14 : memref<!tpu.dma_semaphore, #tpu.memory_space<semaphore_mem>>)
      } else {
      }
      %gt3A_195 = arith.constant 0 : i32
      %gt3A_196 = arith.cmpi sgt, %scan3A_63, %gt3A_195 : i32
      %convert_element_type3A_197 = arith.extui %gt3A_196 : i1 to i32
      %cond3A_198 = arith.constant 0 : i32
      %cond3A_199 = arith.cmpi ne, %convert_element_type3A_197, %cond3A_198 : i32
      scf.if %cond3A_199 {
        %dma_wait3A_206 = arith.constant 0 : i32
        %dma_wait3A_207 = tpu.memref_slice %arg5[%dma_wait3A_206] : memref<38912xf32, #tpu.memory_space<vmem_shared>> -> memref<38912xf32, #tpu.memory_space<vmem_shared>>
        tpu.wait_indirect_dma semaphore(%arg17 : memref<!tpu.dma_semaphore, #tpu.memory_space<semaphore_mem>>) src(%arg10 : memref<19456xf32, #tpu.memory_space<vmem>>) dst(%dma_wait3A_207 : memref<38912xf32, #tpu.memory_space<vmem_shared>>)
      } else {
      }
      %parallel_loop3A_200 = arith.constant 0 : i32
      %parallel_loop3A_201 = arith.constant 64 : i32
      %parallel_loop3A_202 = arith.constant 1 : i32
      scf.for %parallel_loop3A_206 = %parallel_loop3A_200 to %parallel_loop3A_201 step %parallel_loop3A_202  : i32 {
        %parallel_loop3A_207 = arith.constant 16 : i32
        %parallel_loop3A_208 = arith.muli %parallel_loop3A_206, %parallel_loop3A_207 : i32
        %parallel_loop3A_209 = arith.constant 1 : i32
        %parallel_loop3A_210 = arith.constant 0 : i32
        %parallel_loop3A_211 = arith.index_cast %parallel_loop3A_209 : i32 to index
        %parallel_loop3A_212 = arith.index_cast %parallel_loop3A_210 : i32 to index
        %parallel_loop3A_213 = arith.index_cast %parallel_loop3A_208 : i32 to index
        %parallel_loop3A_214 = tpu.vector_load %arg6[%parallel_loop3A_211, %parallel_loop3A_212, %parallel_loop3A_213] {strides = array<i32>} : memref<2x19x1024xf32, #tpu.memory_space<vmem>>, vector<1x1x16xf32>,
        %parallel_loop3A_215 = vector.shape_cast %parallel_loop3A_214 : vector<1x1x16xf32> to vector<16xf32>
        %parallel_loop3A_216 = math.exp %parallel_loop3A_215 : vector<16xf32>
        %parallel_loop3A_217 = arith.constant 1 : i32
        %parallel_loop3A_218 = arith.constant 1 : i32
        %parallel_loop3A_219 = arith.index_cast %parallel_loop3A_217 : i32 to index
        %parallel_loop3A_220 = arith.index_cast %parallel_loop3A_218 : i32 to index
        %parallel_loop3A_221 = arith.index_cast %parallel_loop3A_208 : i32 to index
        %parallel_loop3A_222 = tpu.vector_load %arg6[%parallel_loop3A_219, %parallel_loop3A_220, %parallel_loop3A_221] {strides = array<i32>} : memref<2x19x1024xf32, #tpu.memory_space<vmem>>, vector<1x1x16xf32>,
        %parallel_loop3A_223 = vector.shape_cast %parallel_loop3A_222 : vector<1x1x16xf32> to vector<16xf32>
        %parallel_loop3A_224 = math.exp %parallel_loop3A_223 : vector<16xf32>
        %parallel_loop3A_225 = arith.constant 1 : i32
        %parallel_loop3A_226 = arith.constant 2 : i32
        %parallel_loop3A_227 = arith.index_cast %parallel_loop3A_225 : i32 to index
        %parallel_loop3A_228 = arith.index_cast %parallel_loop3A_226 : i32 to index
        %parallel_loop3A_229 = arith.index_cast %parallel_loop3A_208 : i32 to index
        %parallel_loop3A_230 = tpu.vector_load %arg6[%parallel_loop3A_227, %parallel_loop3A_228, %parallel_loop3A_229] {strides = array<i32>} : memref<2x19x1024xf32, #tpu.memory_space<vmem>>, vector<1x1x16xf32>,
        %parallel_loop3A_231 = vector.shape_cast %parallel_loop3A_230 : vector<1x1x16xf32> to vector<16xf32>
        %parallel_loop3A_232 = math.exp %parallel_loop3A_231 : vector<16xf32>
        %parallel_loop3A_233 = arith.constant 1 : i32
        %parallel_loop3A_234 = arith.constant 3 : i32
        %parallel_loop3A_235 = arith.index_cast %parallel_loop3A_233 : i32 to index
        %parallel_loop3A_236 = arith.index_cast %parallel_loop3A_234 : i32 to index
        %parallel_loop3A_237 = arith.index_cast %parallel_loop3A_208 : i32 to index
        %parallel_loop3A_238 = tpu.vector_load %arg6[%parallel_loop3A_235, %parallel_loop3A_236, %parallel_loop3A_237] {strides = array<i32>} : memref<2x19x1024xf32, #tpu.memory_space<vmem>>, vector<1x1x16xf32>,
        %parallel_loop3A_239 = vector.shape_cast %parallel_loop3A_238 : vector<1x1x16xf32> to vector<16xf32>
        %parallel_loop3A_240 = math.exp %parallel_loop3A_239 : vector<16xf32>
        %parallel_loop3A_241 = arith.constant 1 : i32
        %parallel_loop3A_242 = arith.constant 4 : i32
        %parallel_loop3A_243 = arith.index_cast %parallel_loop3A_241 : i32 to index
        %parallel_loop3A_244 = arith.index_cast %parallel_loop3A_242 : i32 to index
        %parallel_loop3A_245 = arith.index_cast %parallel_loop3A_208 : i32 to index
        %parallel_loop3A_246 = tpu.vector_load %arg6[%parallel_loop3A_243, %parallel_loop3A_244, %parallel_loop3A_245] {strides = array<i32>} : memref<2x19x1024xf32, #tpu.memory_space<vmem>>, vector<1x1x16xf32>,
        %parallel_loop3A_247 = vector.shape_cast %parallel_loop3A_246 : vector<1x1x16xf32> to vector<16xf32>
        %parallel_loop3A_248 = math.exp %parallel_loop3A_247 : vector<16xf32>
        %parallel_loop3A_249 = arith.constant 1 : i32
        %parallel_loop3A_250 = arith.constant 5 : i32
        %parallel_loop3A_251 = arith.index_cast %parallel_loop3A_249 : i32 to index
        %parallel_loop3A_252 = arith.index_cast %parallel_loop3A_250 : i32 to index
        %parallel_loop3A_253 = arith.index_cast %parallel_loop3A_208 : i32 to index
        %parallel_loop3A_254 = tpu.vector_load %arg6[%parallel_loop3A_251, %parallel_loop3A_252, %parallel_loop3A_253] {strides = array<i32>} : memref<2x19x1024xf32, #tpu.memory_space<vmem>>, vector<1x1x16xf32>,
        %parallel_loop3A_255 = vector.shape_cast %parallel_loop3A_254 : vector<1x1x16xf32> to vector<16xf32>
        %parallel_loop3A_256 = math.exp %parallel_loop3A_255 : vector<16xf32>
        %parallel_loop3A_257 = arith.constant 1 : i32
        %parallel_loop3A_258 = arith.constant 6 : i32
        %parallel_loop3A_259 = arith.index_cast %parallel_loop3A_257 : i32 to index
        %parallel_loop3A_260 = arith.index_cast %parallel_loop3A_258 : i32 to index
        %parallel_loop3A_261 = arith.index_cast %parallel_loop3A_208 : i32 to index
        %parallel_loop3A_262 = tpu.vector_load %arg6[%parallel_loop3A_259, %parallel_loop3A_260, %parallel_loop3A_261] {strides = array<i32>} : memref<2x19x1024xf32, #tpu.memory_space<vmem>>, vector<1x1x16xf32>,
        %parallel_loop3A_263 = vector.shape_cast %parallel_loop3A_262 : vector<1x1x16xf32> to vector<16xf32>
        %parallel_loop3A_264 = math.exp %parallel_loop3A_263 : vector<16xf32>
        %parallel_loop3A_265 = arith.constant 1 : i32
        %parallel_loop3A_266 = arith.constant 7 : i32
        %parallel_loop3A_267 = arith.index_cast %parallel_loop3A_265 : i32 to index
        %parallel_loop3A_268 = arith.index_cast %parallel_loop3A_266 : i32 to index
        %parallel_loop3A_269 = arith.index_cast %parallel_loop3A_208 : i32 to index
        %parallel_loop3A_270 = tpu.vector_load %arg6[%parallel_loop3A_267, %parallel_loop3A_268, %parallel_loop3A_269] {strides = array<i32>} : memref<2x19x1024xf32, #tpu.memory_space<vmem>>, vector<1x1x16xf32>,
        %parallel_loop3A_271 = vector.shape_cast %parallel_loop3A_270 : vector<1x1x16xf32> to vector<16xf32>
        %parallel_loop3A_272 = math.exp %parallel_loop3A_271 : vector<16xf32>
        %parallel_loop3A_273 = arith.constant 1 : i32
        %parallel_loop3A_274 = arith.constant 8 : i32
        %parallel_loop3A_275 = arith.index_cast %parallel_loop3A_273 : i32 to index
        %parallel_loop3A_276 = arith.index_cast %parallel_loop3A_274 : i32 to index
        %parallel_loop3A_277 = arith.index_cast %parallel_loop3A_208 : i32 to index
        %parallel_loop3A_278 = tpu.vector_load %arg6[%parallel_loop3A_275, %parallel_loop3A_276, %parallel_loop3A_277] {strides = array<i32>} : memref<2x19x1024xf32, #tpu.memory_space<vmem>>, vector<1x1x16xf32>,
        %parallel_loop3A_279 = vector.shape_cast %parallel_loop3A_278 : vector<1x1x16xf32> to vector<16xf32>
        %parallel_loop3A_280 = math.exp %parallel_loop3A_279 : vector<16xf32>
        %parallel_loop3A_281 = arith.constant 1 : i32
        %parallel_loop3A_282 = arith.constant 9 : i32
        %parallel_loop3A_283 = arith.index_cast %parallel_loop3A_281 : i32 to index
        %parallel_loop3A_284 = arith.index_cast %parallel_loop3A_282 : i32 to index
        %parallel_loop3A_285 = arith.index_cast %parallel_loop3A_208 : i32 to index
        %parallel_loop3A_286 = tpu.vector_load %arg6[%parallel_loop3A_283, %parallel_loop3A_284, %parallel_loop3A_285] {strides = array<i32>} : memref<2x19x1024xf32, #tpu.memory_space<vmem>>, vector<1x1x16xf32>,
        %parallel_loop3A_287 = vector.shape_cast %parallel_loop3A_286 : vector<1x1x16xf32> to vector<16xf32>
        %parallel_loop3A_288 = math.exp %parallel_loop3A_287 : vector<16xf32>
        %parallel_loop3A_289 = arith.constant 1 : i32
        %parallel_loop3A_290 = arith.constant 10 : i32
        %parallel_loop3A_291 = arith.index_cast %parallel_loop3A_289 : i32 to index
        %parallel_loop3A_292 = arith.index_cast %parallel_loop3A_290 : i32 to index
        %parallel_loop3A_293 = arith.index_cast %parallel_loop3A_208 : i32 to index
        %parallel_loop3A_294 = tpu.vector_load %arg6[%parallel_loop3A_291, %parallel_loop3A_292, %parallel_loop3A_293] {strides = array<i32>} : memref<2x19x1024xf32, #tpu.memory_space<vmem>>, vector<1x1x16xf32>,
        %parallel_loop3A_295 = vector.shape_cast %parallel_loop3A_294 : vector<1x1x16xf32> to vector<16xf32>
        %parallel_loop3A_296 = math.exp %parallel_loop3A_295 : vector<16xf32>
        %parallel_loop3A_297 = arith.constant 1 : i32
        %parallel_loop3A_298 = arith.constant 11 : i32
        %parallel_loop3A_299 = arith.index_cast %parallel_loop3A_297 : i32 to index
        %parallel_loop3A_300 = arith.index_cast %parallel_loop3A_298 : i32 to index
        %parallel_loop3A_301 = arith.index_cast %parallel_loop3A_208 : i32 to index
        %parallel_loop3A_302 = tpu.vector_load %arg6[%parallel_loop3A_299, %parallel_loop3A_300, %parallel_loop3A_301] {strides = array<i32>} : memref<2x19x1024xf32, #tpu.memory_space<vmem>>, vector<1x1x16xf32>,
        %parallel_loop3A_303 = vector.shape_cast %parallel_loop3A_302 : vector<1x1x16xf32> to vector<16xf32>
        %parallel_loop3A_304 = math.exp %parallel_loop3A_303 : vector<16xf32>
        %parallel_loop3A_305 = arith.constant 1 : i32
        %parallel_loop3A_306 = arith.constant 12 : i32
        %parallel_loop3A_307 = arith.index_cast %parallel_loop3A_305 : i32 to index
        %parallel_loop3A_308 = arith.index_cast %parallel_loop3A_306 : i32 to index
        %parallel_loop3A_309 = arith.index_cast %parallel_loop3A_208 : i32 to index
        %parallel_loop3A_310 = tpu.vector_load %arg6[%parallel_loop3A_307, %parallel_loop3A_308, %parallel_loop3A_309] {strides = array<i32>} : memref<2x19x1024xf32, #tpu.memory_space<vmem>>, vector<1x1x16xf32>,
        %parallel_loop3A_311 = vector.shape_cast %parallel_loop3A_310 : vector<1x1x16xf32> to vector<16xf32>
        %parallel_loop3A_312 = math.exp %parallel_loop3A_311 : vector<16xf32>
        %parallel_loop3A_313 = arith.constant 1 : i32
        %parallel_loop3A_314 = arith.constant 13 : i32
        %parallel_loop3A_315 = arith.index_cast %parallel_loop3A_313 : i32 to index
        %parallel_loop3A_316 = arith.index_cast %parallel_loop3A_314 : i32 to index
        %parallel_loop3A_317 = arith.index_cast %parallel_loop3A_208 : i32 to index
        %parallel_loop3A_318 = tpu.vector_load %arg6[%parallel_loop3A_315, %parallel_loop3A_316, %parallel_loop3A_317] {strides = array<i32>} : memref<2x19x1024xf32, #tpu.memory_space<vmem>>, vector<1x1x16xf32>,
        %parallel_loop3A_319 = vector.shape_cast %parallel_loop3A_318 : vector<1x1x16xf32> to vector<16xf32>
        %parallel_loop3A_320 = math.exp %parallel_loop3A_319 : vector<16xf32>
        %parallel_loop3A_321 = arith.constant 1 : i32
        %parallel_loop3A_322 = arith.constant 14 : i32
        %parallel_loop3A_323 = arith.index_cast %parallel_loop3A_321 : i32 to index
        %parallel_loop3A_324 = arith.index_cast %parallel_loop3A_322 : i32 to index
        %parallel_loop3A_325 = arith.index_cast %parallel_loop3A_208 : i32 to index
        %parallel_loop3A_326 = tpu.vector_load %arg6[%parallel_loop3A_323, %parallel_loop3A_324, %parallel_loop3A_325] {strides = array<i32>} : memref<2x19x1024xf32, #tpu.memory_space<vmem>>, vector<1x1x16xf32>,
        %parallel_loop3A_327 = vector.shape_cast %parallel_loop3A_326 : vector<1x1x16xf32> to vector<16xf32>
        %parallel_loop3A_328 = math.exp %parallel_loop3A_327 : vector<16xf32>
        %parallel_loop3A_329 = arith.constant 1 : i32
        %parallel_loop3A_330 = arith.constant 15 : i32
        %parallel_loop3A_331 = arith.index_cast %parallel_loop3A_329 : i32 to index
        %parallel_loop3A_332 = arith.index_cast %parallel_loop3A_330 : i32 to index
        %parallel_loop3A_333 = arith.index_cast %parallel_loop3A_208 : i32 to index
        %parallel_loop3A_334 = tpu.vector_load %arg6[%parallel_loop3A_331, %parallel_loop3A_332, %parallel_loop3A_333] {strides = array<i32>} : memref<2x19x1024xf32, #tpu.memory_space<vmem>>, vector<1x1x16xf32>,
        %parallel_loop3A_335 = vector.shape_cast %parallel_loop3A_334 : vector<1x1x16xf32> to vector<16xf32>
        %parallel_loop3A_336 = math.exp %parallel_loop3A_335 : vector<16xf32>
        %parallel_loop3A_337 = arith.constant 1 : i32
        %parallel_loop3A_338 = arith.constant 16 : i32
        %parallel_loop3A_339 = arith.index_cast %parallel_loop3A_337 : i32 to index
        %parallel_loop3A_340 = arith.index_cast %parallel_loop3A_338 : i32 to index
        %parallel_loop3A_341 = arith.index_cast %parallel_loop3A_208 : i32 to index
        %parallel_loop3A_342 = tpu.vector_load %arg6[%parallel_loop3A_339, %parallel_loop3A_340, %parallel_loop3A_341] {strides = array<i32>} : memref<2x19x1024xf32, #tpu.memory_space<vmem>>, vector<1x1x16xf32>,
        %parallel_loop3A_343 = vector.shape_cast %parallel_loop3A_342 : vector<1x1x16xf32> to vector<16xf32>
        %parallel_loop3A_344 = math.exp %parallel_loop3A_343 : vector<16xf32>
        %parallel_loop3A_345 = arith.constant 1 : i32
        %parallel_loop3A_346 = arith.constant 17 : i32
        %parallel_loop3A_347 = arith.index_cast %parallel_loop3A_345 : i32 to index
        %parallel_loop3A_348 = arith.index_cast %parallel_loop3A_346 : i32 to index
        %parallel_loop3A_349 = arith.index_cast %parallel_loop3A_208 : i32 to index
        %parallel_loop3A_350 = tpu.vector_load %arg6[%parallel_loop3A_347, %parallel_loop3A_348, %parallel_loop3A_349] {strides = array<i32>} : memref<2x19x1024xf32, #tpu.memory_space<vmem>>, vector<1x1x16xf32>,
        %parallel_loop3A_351 = vector.shape_cast %parallel_loop3A_350 : vector<1x1x16xf32> to vector<16xf32>
        %parallel_loop3A_352 = math.exp %parallel_loop3A_351 : vector<16xf32>
        %parallel_loop3A_353 = arith.constant 1 : i32
        %parallel_loop3A_354 = arith.constant 18 : i32
        %parallel_loop3A_355 = arith.index_cast %parallel_loop3A_353 : i32 to index
        %parallel_loop3A_356 = arith.index_cast %parallel_loop3A_354 : i32 to index
        %parallel_loop3A_357 = arith.index_cast %parallel_loop3A_208 : i32 to index
        %parallel_loop3A_358 = tpu.vector_load %arg6[%parallel_loop3A_355, %parallel_loop3A_356, %parallel_loop3A_357] {strides = array<i32>} : memref<2x19x1024xf32, #tpu.memory_space<vmem>>, vector<1x1x16xf32>,
        %parallel_loop3A_359 = vector.shape_cast %parallel_loop3A_358 : vector<1x1x16xf32> to vector<16xf32>
        %parallel_loop3A_360 = math.exp %parallel_loop3A_359 : vector<16xf32>
        %parallel_loop3A_361 = arith.addf %parallel_loop3A_216, %parallel_loop3A_224 : vector<16xf32>
        %parallel_loop3A_362 = arith.addf %parallel_loop3A_361, %parallel_loop3A_232 : vector<16xf32>
        %parallel_loop3A_363 = arith.addf %parallel_loop3A_362, %parallel_loop3A_240 : vector<16xf32>
        %parallel_loop3A_364 = arith.addf %parallel_loop3A_363, %parallel_loop3A_248 : vector<16xf32>
        %parallel_loop3A_365 = arith.addf %parallel_loop3A_364, %parallel_loop3A_256 : vector<16xf32>
        %parallel_loop3A_366 = arith.addf %parallel_loop3A_365, %parallel_loop3A_264 : vector<16xf32>
        %parallel_loop3A_367 = arith.addf %parallel_loop3A_366, %parallel_loop3A_272 : vector<16xf32>
        %parallel_loop3A_368 = arith.addf %parallel_loop3A_367, %parallel_loop3A_280 : vector<16xf32>
        %parallel_loop3A_369 = arith.addf %parallel_loop3A_368, %parallel_loop3A_288 : vector<16xf32>
        %parallel_loop3A_370 = arith.addf %parallel_loop3A_369, %parallel_loop3A_296 : vector<16xf32>
        %parallel_loop3A_371 = arith.addf %parallel_loop3A_370, %parallel_loop3A_304 : vector<16xf32>
        %parallel_loop3A_372 = arith.addf %parallel_loop3A_371, %parallel_loop3A_312 : vector<16xf32>
        %parallel_loop3A_373 = arith.addf %parallel_loop3A_372, %parallel_loop3A_320 : vector<16xf32>
        %parallel_loop3A_374 = arith.addf %parallel_loop3A_373, %parallel_loop3A_328 : vector<16xf32>
        %parallel_loop3A_375 = arith.addf %parallel_loop3A_374, %parallel_loop3A_336 : vector<16xf32>
        %parallel_loop3A_376 = arith.addf %parallel_loop3A_375, %parallel_loop3A_344 : vector<16xf32>
        %parallel_loop3A_377 = arith.addf %parallel_loop3A_376, %parallel_loop3A_352 : vector<16xf32>
        %parallel_loop3A_378 = arith.addf %parallel_loop3A_377, %parallel_loop3A_360 : vector<16xf32>
        %parallel_loop3A_379 = arith.constant 1.024000e+03 : f32
        %parallel_loop3A_380 = vector.broadcast %parallel_loop3A_379 : f32 to vector<16xf32>
        %parallel_loop3A_381 = arith.divf %parallel_loop3A_380, %parallel_loop3A_378 : vector<16xf32>
        %parallel_loop3A_382 = arith.constant 1 : i32
        %parallel_loop3A_383 = arith.index_cast %parallel_loop3A_382 : i32 to index
        %parallel_loop3A_384 = arith.index_cast %parallel_loop3A_208 : i32 to index
        %parallel_loop3A_385 = tpu.vector_load %arg7[%parallel_loop3A_383, %parallel_loop3A_384] {strides = array<i32>} : memref<2x1024xi32, #tpu.memory_space<vmem>>, vector<1x16xi32>,
        %parallel_loop3A_386 = vector.shape_cast %parallel_loop3A_385 : vector<1x16xi32> to vector<16xi32>
        %parallel_loop3A_387 = arith.mulf %parallel_loop3A_216, %parallel_loop3A_381 : vector<16xf32>
        %parallel_loop3A_388 = arith.constant 1.023000e+03 : f32
        %parallel_loop3A_389 = vector.broadcast %parallel_loop3A_388 : f32 to vector<16xf32>
        %parallel_loop3A_390 = arith.minimumf %parallel_loop3A_387, %parallel_loop3A_389 : vector<16xf32>
        %parallel_loop3A_391 = arith.fptosi %parallel_loop3A_390 : vector<16xf32> to vector<16xi32>
        %parallel_loop3A_392 = arith.constant 0 : i32
        %parallel_loop3A_393 = vector.broadcast %parallel_loop3A_392 : i32 to vector<16xi32>
        %parallel_loop3A_394 = arith.cmpi eq, %parallel_loop3A_386, %parallel_loop3A_393 : vector<16xi32>
        %parallel_loop3A_395 = arith.constant 2047 : i32
        %parallel_loop3A_396 = vector.broadcast %parallel_loop3A_395 : i32 to vector<16xi32>
        %parallel_loop3A_397 = arith.subi %parallel_loop3A_396, %parallel_loop3A_391 : vector<16xi32>
        %parallel_loop3A_398 = arith.constant 0 : i32
        %parallel_loop3A_399 = vector.broadcast %parallel_loop3A_398 : i32 to vector<16xi32>
        %parallel_loop3A_400 = arith.addi %parallel_loop3A_399, %parallel_loop3A_391 : vector<16xi32>
        %parallel_loop3A_401 = arith.select %parallel_loop3A_394, %parallel_loop3A_397, %parallel_loop3A_400 : vector<16xi1>, vector<16xi32>
        %parallel_loop3A_402 = arith.constant 0 : i32
        %parallel_loop3A_403 = arith.addi %parallel_loop3A_402, %parallel_loop3A_208 : i32
        %parallel_loop3A_404 = arith.index_cast %parallel_loop3A_403 : i32 to index
        %parallel_loop3A_405 = tpu.vector_load %arg9[%parallel_loop3A_404] {strides = array<i32>} : memref<19456xi32, #tpu.memory_space<vmem>>, vector<16xi32>,
        %parallel_loop3A_406 = vector.shape_cast %parallel_loop3A_405 : vector<16xi32> to vector<16xi32>
        %parallel_loop3A_407 = vector.shape_cast %parallel_loop3A_401 : vector<16xi32> to vector<16xi32>
        tpu.vector_store %arg9[%parallel_loop3A_404], %parallel_loop3A_407 {strides = array<i32>} : memref<19456xi32, #tpu.memory_space<vmem>>, vector<16xi32>,
        %parallel_loop3A_408 = arith.mulf %parallel_loop3A_224, %parallel_loop3A_381 : vector<16xf32>
        %parallel_loop3A_409 = arith.constant 1.023000e+03 : f32
        %parallel_loop3A_410 = vector.broadcast %parallel_loop3A_409 : f32 to vector<16xf32>
        %parallel_loop3A_411 = arith.minimumf %parallel_loop3A_408, %parallel_loop3A_410 : vector<16xf32>
        %parallel_loop3A_412 = arith.fptosi %parallel_loop3A_411 : vector<16xf32> to vector<16xi32>
        %parallel_loop3A_413 = arith.constant 1 : i32
        %parallel_loop3A_414 = vector.broadcast %parallel_loop3A_413 : i32 to vector<16xi32>
        %parallel_loop3A_415 = arith.cmpi eq, %parallel_loop3A_386, %parallel_loop3A_414 : vector<16xi32>
        %parallel_loop3A_416 = arith.constant 4095 : i32
        %parallel_loop3A_417 = vector.broadcast %parallel_loop3A_416 : i32 to vector<16xi32>
        %parallel_loop3A_418 = arith.subi %parallel_loop3A_417, %parallel_loop3A_412 : vector<16xi32>
        %parallel_loop3A_419 = arith.constant 2048 : i32
        %parallel_loop3A_420 = vector.broadcast %parallel_loop3A_419 : i32 to vector<16xi32>
        %parallel_loop3A_421 = arith.addi %parallel_loop3A_420, %parallel_loop3A_412 : vector<16xi32>
        %parallel_loop3A_422 = arith.select %parallel_loop3A_415, %parallel_loop3A_418, %parallel_loop3A_421 : vector<16xi1>, vector<16xi32>
        %parallel_loop3A_423 = arith.constant 1024 : i32
        %parallel_loop3A_424 = arith.addi %parallel_loop3A_423, %parallel_loop3A_208 : i32
        %parallel_loop3A_425 = arith.index_cast %parallel_loop3A_424 : i32 to index
        %parallel_loop3A_426 = tpu.vector_load %arg9[%parallel_loop3A_425] {strides = array<i32>} : memref<19456xi32, #tpu.memory_space<vmem>>, vector<16xi32>,
        %parallel_loop3A_427 = vector.shape_cast %parallel_loop3A_426 : vector<16xi32> to vector<16xi32>
        %parallel_loop3A_428 = vector.shape_cast %parallel_loop3A_422 : vector<16xi32> to vector<16xi32>
        tpu.vector_store %arg9[%parallel_loop3A_425], %parallel_loop3A_428 {strides = array<i32>} : memref<19456xi32, #tpu.memory_space<vmem>>, vector<16xi32>,
        %parallel_loop3A_429 = arith.mulf %parallel_loop3A_232, %parallel_loop3A_381 : vector<16xf32>
        %parallel_loop3A_430 = arith.constant 1.023000e+03 : f32
        %parallel_loop3A_431 = vector.broadcast %parallel_loop3A_430 : f32 to vector<16xf32>
        %parallel_loop3A_432 = arith.minimumf %parallel_loop3A_429, %parallel_loop3A_431 : vector<16xf32>
        %parallel_loop3A_433 = arith.fptosi %parallel_loop3A_432 : vector<16xf32> to vector<16xi32>
        %parallel_loop3A_434 = arith.constant 2 : i32
        %parallel_loop3A_435 = vector.broadcast %parallel_loop3A_434 : i32 to vector<16xi32>
        %parallel_loop3A_436 = arith.cmpi eq, %parallel_loop3A_386, %parallel_loop3A_435 : vector<16xi32>
        %parallel_loop3A_437 = arith.constant 6143 : i32
        %parallel_loop3A_438 = vector.broadcast %parallel_loop3A_437 : i32 to vector<16xi32>
        %parallel_loop3A_439 = arith.subi %parallel_loop3A_438, %parallel_loop3A_433 : vector<16xi32>
        %parallel_loop3A_440 = arith.constant 4096 : i32
        %parallel_loop3A_441 = vector.broadcast %parallel_loop3A_440 : i32 to vector<16xi32>
        %parallel_loop3A_442 = arith.addi %parallel_loop3A_441, %parallel_loop3A_433 : vector<16xi32>
        %parallel_loop3A_443 = arith.select %parallel_loop3A_436, %parallel_loop3A_439, %parallel_loop3A_442 : vector<16xi1>, vector<16xi32>
        %parallel_loop3A_444 = arith.constant 2048 : i32
        %parallel_loop3A_445 = arith.addi %parallel_loop3A_444, %parallel_loop3A_208 : i32
        %parallel_loop3A_446 = arith.index_cast %parallel_loop3A_445 : i32 to index
        %parallel_loop3A_447 = tpu.vector_load %arg9[%parallel_loop3A_446] {strides = array<i32>} : memref<19456xi32, #tpu.memory_space<vmem>>, vector<16xi32>,
        %parallel_loop3A_448 = vector.shape_cast %parallel_loop3A_447 : vector<16xi32> to vector<16xi32>
        %parallel_loop3A_449 = vector.shape_cast %parallel_loop3A_443 : vector<16xi32> to vector<16xi32>
        tpu.vector_store %arg9[%parallel_loop3A_446], %parallel_loop3A_449 {strides = array<i32>} : memref<19456xi32, #tpu.memory_space<vmem>>, vector<16xi32>,
        %parallel_loop3A_450 = arith.mulf %parallel_loop3A_240, %parallel_loop3A_381 : vector<16xf32>
        %parallel_loop3A_451 = arith.constant 1.023000e+03 : f32
        %parallel_loop3A_452 = vector.broadcast %parallel_loop3A_451 : f32 to vector<16xf32>
        %parallel_loop3A_453 = arith.minimumf %parallel_loop3A_450, %parallel_loop3A_452 : vector<16xf32>
        %parallel_loop3A_454 = arith.fptosi %parallel_loop3A_453 : vector<16xf32> to vector<16xi32>
        %parallel_loop3A_455 = arith.constant 3 : i32
        %parallel_loop3A_456 = vector.broadcast %parallel_loop3A_455 : i32 to vector<16xi32>
        %parallel_loop3A_457 = arith.cmpi eq, %parallel_loop3A_386, %parallel_loop3A_456 : vector<16xi32>
        %parallel_loop3A_458 = arith.constant 8191 : i32
        %parallel_loop3A_459 = vector.broadcast %parallel_loop3A_458 : i32 to vector<16xi32>
        %parallel_loop3A_460 = arith.subi %parallel_loop3A_459, %parallel_loop3A_454 : vector<16xi32>
        %parallel_loop3A_461 = arith.constant 6144 : i32
        %parallel_loop3A_462 = vector.broadcast %parallel_loop3A_461 : i32 to vector<16xi32>
        %parallel_loop3A_463 = arith.addi %parallel_loop3A_462, %parallel_loop3A_454 : vector<16xi32>
        %parallel_loop3A_464 = arith.select %parallel_loop3A_457, %parallel_loop3A_460, %parallel_loop3A_463 : vector<16xi1>, vector<16xi32>
        %parallel_loop3A_465 = arith.constant 3072 : i32
        %parallel_loop3A_466 = arith.addi %parallel_loop3A_465, %parallel_loop3A_208 : i32
        %parallel_loop3A_467 = arith.index_cast %parallel_loop3A_466 : i32 to index
        %parallel_loop3A_468 = tpu.vector_load %arg9[%parallel_loop3A_467] {strides = array<i32>} : memref<19456xi32, #tpu.memory_space<vmem>>, vector<16xi32>,
        %parallel_loop3A_469 = vector.shape_cast %parallel_loop3A_468 : vector<16xi32> to vector<16xi32>
        %parallel_loop3A_470 = vector.shape_cast %parallel_loop3A_464 : vector<16xi32> to vector<16xi32>
        tpu.vector_store %arg9[%parallel_loop3A_467], %parallel_loop3A_470 {strides = array<i32>} : memref<19456xi32, #tpu.memory_space<vmem>>, vector<16xi32>,
        %parallel_loop3A_471 = arith.mulf %parallel_loop3A_248, %parallel_loop3A_381 : vector<16xf32>
        %parallel_loop3A_472 = arith.constant 1.023000e+03 : f32
        %parallel_loop3A_473 = vector.broadcast %parallel_loop3A_472 : f32 to vector<16xf32>
        %parallel_loop3A_474 = arith.minimumf %parallel_loop3A_471, %parallel_loop3A_473 : vector<16xf32>
        %parallel_loop3A_475 = arith.fptosi %parallel_loop3A_474 : vector<16xf32> to vector<16xi32>
        %parallel_loop3A_476 = arith.constant 4 : i32
        %parallel_loop3A_477 = vector.broadcast %parallel_loop3A_476 : i32 to vector<16xi32>
        %parallel_loop3A_478 = arith.cmpi eq, %parallel_loop3A_386, %parallel_loop3A_477 : vector<16xi32>
        %parallel_loop3A_479 = arith.constant 10239 : i32
        %parallel_loop3A_480 = vector.broadcast %parallel_loop3A_479 : i32 to vector<16xi32>
        %parallel_loop3A_481 = arith.subi %parallel_loop3A_480, %parallel_loop3A_475 : vector<16xi32>
        %parallel_loop3A_482 = arith.constant 8192 : i32
        %parallel_loop3A_483 = vector.broadcast %parallel_loop3A_482 : i32 to vector<16xi32>
        %parallel_loop3A_484 = arith.addi %parallel_loop3A_483, %parallel_loop3A_475 : vector<16xi32>
        %parallel_loop3A_485 = arith.select %parallel_loop3A_478, %parallel_loop3A_481, %parallel_loop3A_484 : vector<16xi1>, vector<16xi32>
        %parallel_loop3A_486 = arith.constant 4096 : i32
        %parallel_loop3A_487 = arith.addi %parallel_loop3A_486, %parallel_loop3A_208 : i32
        %parallel_loop3A_488 = arith.index_cast %parallel_loop3A_487 : i32 to index
        %parallel_loop3A_489 = tpu.vector_load %arg9[%parallel_loop3A_488] {strides = array<i32>} : memref<19456xi32, #tpu.memory_space<vmem>>, vector<16xi32>,
        %parallel_loop3A_490 = vector.shape_cast %parallel_loop3A_489 : vector<16xi32> to vector<16xi32>
        %parallel_loop3A_491 = vector.shape_cast %parallel_loop3A_485 : vector<16xi32> to vector<16xi32>
        tpu.vector_store %arg9[%parallel_loop3A_488], %parallel_loop3A_491 {strides = array<i32>} : memref<19456xi32, #tpu.memory_space<vmem>>, vector<16xi32>,
        %parallel_loop3A_492 = arith.mulf %parallel_loop3A_256, %parallel_loop3A_381 : vector<16xf32>
        %parallel_loop3A_493 = arith.constant 1.023000e+03 : f32
        %parallel_loop3A_494 = vector.broadcast %parallel_loop3A_493 : f32 to vector<16xf32>
        %parallel_loop3A_495 = arith.minimumf %parallel_loop3A_492, %parallel_loop3A_494 : vector<16xf32>
        %parallel_loop3A_496 = arith.fptosi %parallel_loop3A_495 : vector<16xf32> to vector<16xi32>
        %parallel_loop3A_497 = arith.constant 5 : i32
        %parallel_loop3A_498 = vector.broadcast %parallel_loop3A_497 : i32 to vector<16xi32>
        %parallel_loop3A_499 = arith.cmpi eq, %parallel_loop3A_386, %parallel_loop3A_498 : vector<16xi32>
        %parallel_loop3A_500 = arith.constant 12287 : i32
        %parallel_loop3A_501 = vector.broadcast %parallel_loop3A_500 : i32 to vector<16xi32>
        %parallel_loop3A_502 = arith.subi %parallel_loop3A_501, %parallel_loop3A_496 : vector<16xi32>
        %parallel_loop3A_503 = arith.constant 10240 : i32
        %parallel_loop3A_504 = vector.broadcast %parallel_loop3A_503 : i32 to vector<16xi32>
        %parallel_loop3A_505 = arith.addi %parallel_loop3A_504, %parallel_loop3A_496 : vector<16xi32>
        %parallel_loop3A_506 = arith.select %parallel_loop3A_499, %parallel_loop3A_502, %parallel_loop3A_505 : vector<16xi1>, vector<16xi32>
        %parallel_loop3A_507 = arith.constant 5120 : i32
        %parallel_loop3A_508 = arith.addi %parallel_loop3A_507, %parallel_loop3A_208 : i32
        %parallel_loop3A_509 = arith.index_cast %parallel_loop3A_508 : i32 to index
        %parallel_loop3A_510 = tpu.vector_load %arg9[%parallel_loop3A_509] {strides = array<i32>} : memref<19456xi32, #tpu.memory_space<vmem>>, vector<16xi32>,
        %parallel_loop3A_511 = vector.shape_cast %parallel_loop3A_510 : vector<16xi32> to vector<16xi32>
        %parallel_loop3A_512 = vector.shape_cast %parallel_loop3A_506 : vector<16xi32> to vector<16xi32>
        tpu.vector_store %arg9[%parallel_loop3A_509], %parallel_loop3A_512 {strides = array<i32>} : memref<19456xi32, #tpu.memory_space<vmem>>, vector<16xi32>,
        %parallel_loop3A_513 = arith.mulf %parallel_loop3A_264, %parallel_loop3A_381 : vector<16xf32>
        %parallel_loop3A_514 = arith.constant 1.023000e+03 : f32
        %parallel_loop3A_515 = vector.broadcast %parallel_loop3A_514 : f32 to vector<16xf32>
        %parallel_loop3A_516 = arith.minimumf %parallel_loop3A_513, %parallel_loop3A_515 : vector<16xf32>
        %parallel_loop3A_517 = arith.fptosi %parallel_loop3A_516 : vector<16xf32> to vector<16xi32>
        %parallel_loop3A_518 = arith.constant 6 : i32
        %parallel_loop3A_519 = vector.broadcast %parallel_loop3A_518 : i32 to vector<16xi32>
        %parallel_loop3A_520 = arith.cmpi eq, %parallel_loop3A_386, %parallel_loop3A_519 : vector<16xi32>
        %parallel_loop3A_521 = arith.constant 14335 : i32
        %parallel_loop3A_522 = vector.broadcast %parallel_loop3A_521 : i32 to vector<16xi32>
        %parallel_loop3A_523 = arith.subi %parallel_loop3A_522, %parallel_loop3A_517 : vector<16xi32>
        %parallel_loop3A_524 = arith.constant 12288 : i32
        %parallel_loop3A_525 = vector.broadcast %parallel_loop3A_524 : i32 to vector<16xi32>
        %parallel_loop3A_526 = arith.addi %parallel_loop3A_525, %parallel_loop3A_517 : vector<16xi32>
        %parallel_loop3A_527 = arith.select %parallel_loop3A_520, %parallel_loop3A_523, %parallel_loop3A_526 : vector<16xi1>, vector<16xi32>
        %parallel_loop3A_528 = arith.constant 6144 : i32
        %parallel_loop3A_529 = arith.addi %parallel_loop3A_528, %parallel_loop3A_208 : i32
        %parallel_loop3A_530 = arith.index_cast %parallel_loop3A_529 : i32 to index
        %parallel_loop3A_531 = tpu.vector_load %arg9[%parallel_loop3A_530] {strides = array<i32>} : memref<19456xi32, #tpu.memory_space<vmem>>, vector<16xi32>,
        %parallel_loop3A_532 = vector.shape_cast %parallel_loop3A_531 : vector<16xi32> to vector<16xi32>
        %parallel_loop3A_533 = vector.shape_cast %parallel_loop3A_527 : vector<16xi32> to vector<16xi32>
        tpu.vector_store %arg9[%parallel_loop3A_530], %parallel_loop3A_533 {strides = array<i32>} : memref<19456xi32, #tpu.memory_space<vmem>>, vector<16xi32>,
        %parallel_loop3A_534 = arith.mulf %parallel_loop3A_272, %parallel_loop3A_381 : vector<16xf32>
        %parallel_loop3A_535 = arith.constant 1.023000e+03 : f32
        %parallel_loop3A_536 = vector.broadcast %parallel_loop3A_535 : f32 to vector<16xf32>
        %parallel_loop3A_537 = arith.minimumf %parallel_loop3A_534, %parallel_loop3A_536 : vector<16xf32>
        %parallel_loop3A_538 = arith.fptosi %parallel_loop3A_537 : vector<16xf32> to vector<16xi32>
        %parallel_loop3A_539 = arith.constant 7 : i32
        %parallel_loop3A_540 = vector.broadcast %parallel_loop3A_539 : i32 to vector<16xi32>
        %parallel_loop3A_541 = arith.cmpi eq, %parallel_loop3A_386, %parallel_loop3A_540 : vector<16xi32>
        %parallel_loop3A_542 = arith.constant 16383 : i32
        %parallel_loop3A_543 = vector.broadcast %parallel_loop3A_542 : i32 to vector<16xi32>
        %parallel_loop3A_544 = arith.subi %parallel_loop3A_543, %parallel_loop3A_538 : vector<16xi32>
        %parallel_loop3A_545 = arith.constant 14336 : i32
        %parallel_loop3A_546 = vector.broadcast %parallel_loop3A_545 : i32 to vector<16xi32>
        %parallel_loop3A_547 = arith.addi %parallel_loop3A_546, %parallel_loop3A_538 : vector<16xi32>
        %parallel_loop3A_548 = arith.select %parallel_loop3A_541, %parallel_loop3A_544, %parallel_loop3A_547 : vector<16xi1>, vector<16xi32>
        %parallel_loop3A_549 = arith.constant 7168 : i32
        %parallel_loop3A_550 = arith.addi %parallel_loop3A_549, %parallel_loop3A_208 : i32
        %parallel_loop3A_551 = arith.index_cast %parallel_loop3A_550 : i32 to index
        %parallel_loop3A_552 = tpu.vector_load %arg9[%parallel_loop3A_551] {strides = array<i32>} : memref<19456xi32, #tpu.memory_space<vmem>>, vector<16xi32>,
        %parallel_loop3A_553 = vector.shape_cast %parallel_loop3A_552 : vector<16xi32> to vector<16xi32>
        %parallel_loop3A_554 = vector.shape_cast %parallel_loop3A_548 : vector<16xi32> to vector<16xi32>
        tpu.vector_store %arg9[%parallel_loop3A_551], %parallel_loop3A_554 {strides = array<i32>} : memref<19456xi32, #tpu.memory_space<vmem>>, vector<16xi32>,
        %parallel_loop3A_555 = arith.mulf %parallel_loop3A_280, %parallel_loop3A_381 : vector<16xf32>
        %parallel_loop3A_556 = arith.constant 1.023000e+03 : f32
        %parallel_loop3A_557 = vector.broadcast %parallel_loop3A_556 : f32 to vector<16xf32>
        %parallel_loop3A_558 = arith.minimumf %parallel_loop3A_555, %parallel_loop3A_557 : vector<16xf32>
        %parallel_loop3A_559 = arith.fptosi %parallel_loop3A_558 : vector<16xf32> to vector<16xi32>
        %parallel_loop3A_560 = arith.constant 8 : i32
        %parallel_loop3A_561 = vector.broadcast %parallel_loop3A_560 : i32 to vector<16xi32>
        %parallel_loop3A_562 = arith.cmpi eq, %parallel_loop3A_386, %parallel_loop3A_561 : vector<16xi32>
        %parallel_loop3A_563 = arith.constant 18431 : i32
        %parallel_loop3A_564 = vector.broadcast %parallel_loop3A_563 : i32 to vector<16xi32>
        %parallel_loop3A_565 = arith.subi %parallel_loop3A_564, %parallel_loop3A_559 : vector<16xi32>
        %parallel_loop3A_566 = arith.constant 16384 : i32
        %parallel_loop3A_567 = vector.broadcast %parallel_loop3A_566 : i32 to vector<16xi32>
        %parallel_loop3A_568 = arith.addi %parallel_loop3A_567, %parallel_loop3A_559 : vector<16xi32>
        %parallel_loop3A_569 = arith.select %parallel_loop3A_562, %parallel_loop3A_565, %parallel_loop3A_568 : vector<16xi1>, vector<16xi32>
        %parallel_loop3A_570 = arith.constant 8192 : i32
        %parallel_loop3A_571 = arith.addi %parallel_loop3A_570, %parallel_loop3A_208 : i32
        %parallel_loop3A_572 = arith.index_cast %parallel_loop3A_571 : i32 to index
        %parallel_loop3A_573 = tpu.vector_load %arg9[%parallel_loop3A_572] {strides = array<i32>} : memref<19456xi32, #tpu.memory_space<vmem>>, vector<16xi32>,
        %parallel_loop3A_574 = vector.shape_cast %parallel_loop3A_573 : vector<16xi32> to vector<16xi32>
        %parallel_loop3A_575 = vector.shape_cast %parallel_loop3A_569 : vector<16xi32> to vector<16xi32>
        tpu.vector_store %arg9[%parallel_loop3A_572], %parallel_loop3A_575 {strides = array<i32>} : memref<19456xi32, #tpu.memory_space<vmem>>, vector<16xi32>,
        %parallel_loop3A_576 = arith.mulf %parallel_loop3A_288, %parallel_loop3A_381 : vector<16xf32>
        %parallel_loop3A_577 = arith.constant 1.023000e+03 : f32
        %parallel_loop3A_578 = vector.broadcast %parallel_loop3A_577 : f32 to vector<16xf32>
        %parallel_loop3A_579 = arith.minimumf %parallel_loop3A_576, %parallel_loop3A_578 : vector<16xf32>
        %parallel_loop3A_580 = arith.fptosi %parallel_loop3A_579 : vector<16xf32> to vector<16xi32>
        %parallel_loop3A_581 = arith.constant 9 : i32
        %parallel_loop3A_582 = vector.broadcast %parallel_loop3A_581 : i32 to vector<16xi32>
        %parallel_loop3A_583 = arith.cmpi eq, %parallel_loop3A_386, %parallel_loop3A_582 : vector<16xi32>
        %parallel_loop3A_584 = arith.constant 20479 : i32
        %parallel_loop3A_585 = vector.broadcast %parallel_loop3A_584 : i32 to vector<16xi32>
        %parallel_loop3A_586 = arith.subi %parallel_loop3A_585, %parallel_loop3A_580 : vector<16xi32>
        %parallel_loop3A_587 = arith.constant 18432 : i32
        %parallel_loop3A_588 = vector.broadcast %parallel_loop3A_587 : i32 to vector<16xi32>
        %parallel_loop3A_589 = arith.addi %parallel_loop3A_588, %parallel_loop3A_580 : vector<16xi32>
        %parallel_loop3A_590 = arith.select %parallel_loop3A_583, %parallel_loop3A_586, %parallel_loop3A_589 : vector<16xi1>, vector<16xi32>
        %parallel_loop3A_591 = arith.constant 9216 : i32
        %parallel_loop3A_592 = arith.addi %parallel_loop3A_591, %parallel_loop3A_208 : i32
        %parallel_loop3A_593 = arith.index_cast %parallel_loop3A_592 : i32 to index
        %parallel_loop3A_594 = tpu.vector_load %arg9[%parallel_loop3A_593] {strides = array<i32>} : memref<19456xi32, #tpu.memory_space<vmem>>, vector<16xi32>,
        %parallel_loop3A_595 = vector.shape_cast %parallel_loop3A_594 : vector<16xi32> to vector<16xi32>
        %parallel_loop3A_596 = vector.shape_cast %parallel_loop3A_590 : vector<16xi32> to vector<16xi32>
        tpu.vector_store %arg9[%parallel_loop3A_593], %parallel_loop3A_596 {strides = array<i32>} : memref<19456xi32, #tpu.memory_space<vmem>>, vector<16xi32>,
        %parallel_loop3A_597 = arith.mulf %parallel_loop3A_296, %parallel_loop3A_381 : vector<16xf32>
        %parallel_loop3A_598 = arith.constant 1.023000e+03 : f32
        %parallel_loop3A_599 = vector.broadcast %parallel_loop3A_598 : f32 to vector<16xf32>
        %parallel_loop3A_600 = arith.minimumf %parallel_loop3A_597, %parallel_loop3A_599 : vector<16xf32>
        %parallel_loop3A_601 = arith.fptosi %parallel_loop3A_600 : vector<16xf32> to vector<16xi32>
        %parallel_loop3A_602 = arith.constant 10 : i32
        %parallel_loop3A_603 = vector.broadcast %parallel_loop3A_602 : i32 to vector<16xi32>
        %parallel_loop3A_604 = arith.cmpi eq, %parallel_loop3A_386, %parallel_loop3A_603 : vector<16xi32>
        %parallel_loop3A_605 = arith.constant 22527 : i32
        %parallel_loop3A_606 = vector.broadcast %parallel_loop3A_605 : i32 to vector<16xi32>
        %parallel_loop3A_607 = arith.subi %parallel_loop3A_606, %parallel_loop3A_601 : vector<16xi32>
        %parallel_loop3A_608 = arith.constant 20480 : i32
        %parallel_loop3A_609 = vector.broadcast %parallel_loop3A_608 : i32 to vector<16xi32>
        %parallel_loop3A_610 = arith.addi %parallel_loop3A_609, %parallel_loop3A_601 : vector<16xi32>
        %parallel_loop3A_611 = arith.select %parallel_loop3A_604, %parallel_loop3A_607, %parallel_loop3A_610 : vector<16xi1>, vector<16xi32>
        %parallel_loop3A_612 = arith.constant 10240 : i32
        %parallel_loop3A_613 = arith.addi %parallel_loop3A_612, %parallel_loop3A_208 : i32
        %parallel_loop3A_614 = arith.index_cast %parallel_loop3A_613 : i32 to index
        %parallel_loop3A_615 = tpu.vector_load %arg9[%parallel_loop3A_614] {strides = array<i32>} : memref<19456xi32, #tpu.memory_space<vmem>>, vector<16xi32>,
        %parallel_loop3A_616 = vector.shape_cast %parallel_loop3A_615 : vector<16xi32> to vector<16xi32>
        %parallel_loop3A_617 = vector.shape_cast %parallel_loop3A_611 : vector<16xi32> to vector<16xi32>
        tpu.vector_store %arg9[%parallel_loop3A_614], %parallel_loop3A_617 {strides = array<i32>} : memref<19456xi32, #tpu.memory_space<vmem>>, vector<16xi32>,
        %parallel_loop3A_618 = arith.mulf %parallel_loop3A_304, %parallel_loop3A_381 : vector<16xf32>
        %parallel_loop3A_619 = arith.constant 1.023000e+03 : f32
        %parallel_loop3A_620 = vector.broadcast %parallel_loop3A_619 : f32 to vector<16xf32>
        %parallel_loop3A_621 = arith.minimumf %parallel_loop3A_618, %parallel_loop3A_620 : vector<16xf32>
        %parallel_loop3A_622 = arith.fptosi %parallel_loop3A_621 : vector<16xf32> to vector<16xi32>
        %parallel_loop3A_623 = arith.constant 11 : i32
        %parallel_loop3A_624 = vector.broadcast %parallel_loop3A_623 : i32 to vector<16xi32>
        %parallel_loop3A_625 = arith.cmpi eq, %parallel_loop3A_386, %parallel_loop3A_624 : vector<16xi32>
        %parallel_loop3A_626 = arith.constant 24575 : i32
        %parallel_loop3A_627 = vector.broadcast %parallel_loop3A_626 : i32 to vector<16xi32>
        %parallel_loop3A_628 = arith.subi %parallel_loop3A_627, %parallel_loop3A_622 : vector<16xi32>
        %parallel_loop3A_629 = arith.constant 22528 : i32
        %parallel_loop3A_630 = vector.broadcast %parallel_loop3A_629 : i32 to vector<16xi32>
        %parallel_loop3A_631 = arith.addi %parallel_loop3A_630, %parallel_loop3A_622 : vector<16xi32>
        %parallel_loop3A_632 = arith.select %parallel_loop3A_625, %parallel_loop3A_628, %parallel_loop3A_631 : vector<16xi1>, vector<16xi32>
        %parallel_loop3A_633 = arith.constant 11264 : i32
        %parallel_loop3A_634 = arith.addi %parallel_loop3A_633, %parallel_loop3A_208 : i32
        %parallel_loop3A_635 = arith.index_cast %parallel_loop3A_634 : i32 to index
        %parallel_loop3A_636 = tpu.vector_load %arg9[%parallel_loop3A_635] {strides = array<i32>} : memref<19456xi32, #tpu.memory_space<vmem>>, vector<16xi32>,
        %parallel_loop3A_637 = vector.shape_cast %parallel_loop3A_636 : vector<16xi32> to vector<16xi32>
        %parallel_loop3A_638 = vector.shape_cast %parallel_loop3A_632 : vector<16xi32> to vector<16xi32>
        tpu.vector_store %arg9[%parallel_loop3A_635], %parallel_loop3A_638 {strides = array<i32>} : memref<19456xi32, #tpu.memory_space<vmem>>, vector<16xi32>,
        %parallel_loop3A_639 = arith.mulf %parallel_loop3A_312, %parallel_loop3A_381 : vector<16xf32>
        %parallel_loop3A_640 = arith.constant 1.023000e+03 : f32
        %parallel_loop3A_641 = vector.broadcast %parallel_loop3A_640 : f32 to vector<16xf32>
        %parallel_loop3A_642 = arith.minimumf %parallel_loop3A_639, %parallel_loop3A_641 : vector<16xf32>
        %parallel_loop3A_643 = arith.fptosi %parallel_loop3A_642 : vector<16xf32> to vector<16xi32>
        %parallel_loop3A_644 = arith.constant 12 : i32
        %parallel_loop3A_645 = vector.broadcast %parallel_loop3A_644 : i32 to vector<16xi32>
        %parallel_loop3A_646 = arith.cmpi eq, %parallel_loop3A_386, %parallel_loop3A_645 : vector<16xi32>
        %parallel_loop3A_647 = arith.constant 26623 : i32
        %parallel_loop3A_648 = vector.broadcast %parallel_loop3A_647 : i32 to vector<16xi32>
        %parallel_loop3A_649 = arith.subi %parallel_loop3A_648, %parallel_loop3A_643 : vector<16xi32>
        %parallel_loop3A_650 = arith.constant 24576 : i32
        %parallel_loop3A_651 = vector.broadcast %parallel_loop3A_650 : i32 to vector<16xi32>
        %parallel_loop3A_652 = arith.addi %parallel_loop3A_651, %parallel_loop3A_643 : vector<16xi32>
        %parallel_loop3A_653 = arith.select %parallel_loop3A_646, %parallel_loop3A_649, %parallel_loop3A_652 : vector<16xi1>, vector<16xi32>
        %parallel_loop3A_654 = arith.constant 12288 : i32
        %parallel_loop3A_655 = arith.addi %parallel_loop3A_654, %parallel_loop3A_208 : i32
        %parallel_loop3A_656 = arith.index_cast %parallel_loop3A_655 : i32 to index
        %parallel_loop3A_657 = tpu.vector_load %arg9[%parallel_loop3A_656] {strides = array<i32>} : memref<19456xi32, #tpu.memory_space<vmem>>, vector<16xi32>,
        %parallel_loop3A_658 = vector.shape_cast %parallel_loop3A_657 : vector<16xi32> to vector<16xi32>
        %parallel_loop3A_659 = vector.shape_cast %parallel_loop3A_653 : vector<16xi32> to vector<16xi32>
        tpu.vector_store %arg9[%parallel_loop3A_656], %parallel_loop3A_659 {strides = array<i32>} : memref<19456xi32, #tpu.memory_space<vmem>>, vector<16xi32>,
        %parallel_loop3A_660 = arith.mulf %parallel_loop3A_320, %parallel_loop3A_381 : vector<16xf32>
        %parallel_loop3A_661 = arith.constant 1.023000e+03 : f32
        %parallel_loop3A_662 = vector.broadcast %parallel_loop3A_661 : f32 to vector<16xf32>
        %parallel_loop3A_663 = arith.minimumf %parallel_loop3A_660, %parallel_loop3A_662 : vector<16xf32>
        %parallel_loop3A_664 = arith.fptosi %parallel_loop3A_663 : vector<16xf32> to vector<16xi32>
        %parallel_loop3A_665 = arith.constant 13 : i32
        %parallel_loop3A_666 = vector.broadcast %parallel_loop3A_665 : i32 to vector<16xi32>
        %parallel_loop3A_667 = arith.cmpi eq, %parallel_loop3A_386, %parallel_loop3A_666 : vector<16xi32>
        %parallel_loop3A_668 = arith.constant 28671 : i32
        %parallel_loop3A_669 = vector.broadcast %parallel_loop3A_668 : i32 to vector<16xi32>
        %parallel_loop3A_670 = arith.subi %parallel_loop3A_669, %parallel_loop3A_664 : vector<16xi32>
        %parallel_loop3A_671 = arith.constant 26624 : i32
        %parallel_loop3A_672 = vector.broadcast %parallel_loop3A_671 : i32 to vector<16xi32>
        %parallel_loop3A_673 = arith.addi %parallel_loop3A_672, %parallel_loop3A_664 : vector<16xi32>
        %parallel_loop3A_674 = arith.select %parallel_loop3A_667, %parallel_loop3A_670, %parallel_loop3A_673 : vector<16xi1>, vector<16xi32>
        %parallel_loop3A_675 = arith.constant 13312 : i32
        %parallel_loop3A_676 = arith.addi %parallel_loop3A_675, %parallel_loop3A_208 : i32
        %parallel_loop3A_677 = arith.index_cast %parallel_loop3A_676 : i32 to index
        %parallel_loop3A_678 = tpu.vector_load %arg9[%parallel_loop3A_677] {strides = array<i32>} : memref<19456xi32, #tpu.memory_space<vmem>>, vector<16xi32>,
        %parallel_loop3A_679 = vector.shape_cast %parallel_loop3A_678 : vector<16xi32> to vector<16xi32>
        %parallel_loop3A_680 = vector.shape_cast %parallel_loop3A_674 : vector<16xi32> to vector<16xi32>
        tpu.vector_store %arg9[%parallel_loop3A_677], %parallel_loop3A_680 {strides = array<i32>} : memref<19456xi32, #tpu.memory_space<vmem>>, vector<16xi32>,
        %parallel_loop3A_681 = arith.mulf %parallel_loop3A_328, %parallel_loop3A_381 : vector<16xf32>
        %parallel_loop3A_682 = arith.constant 1.023000e+03 : f32
        %parallel_loop3A_683 = vector.broadcast %parallel_loop3A_682 : f32 to vector<16xf32>
        %parallel_loop3A_684 = arith.minimumf %parallel_loop3A_681, %parallel_loop3A_683 : vector<16xf32>
        %parallel_loop3A_685 = arith.fptosi %parallel_loop3A_684 : vector<16xf32> to vector<16xi32>
        %parallel_loop3A_686 = arith.constant 14 : i32
        %parallel_loop3A_687 = vector.broadcast %parallel_loop3A_686 : i32 to vector<16xi32>
        %parallel_loop3A_688 = arith.cmpi eq, %parallel_loop3A_386, %parallel_loop3A_687 : vector<16xi32>
        %parallel_loop3A_689 = arith.constant 30719 : i32
        %parallel_loop3A_690 = vector.broadcast %parallel_loop3A_689 : i32 to vector<16xi32>
        %parallel_loop3A_691 = arith.subi %parallel_loop3A_690, %parallel_loop3A_685 : vector<16xi32>
        %parallel_loop3A_692 = arith.constant 28672 : i32
        %parallel_loop3A_693 = vector.broadcast %parallel_loop3A_692 : i32 to vector<16xi32>
        %parallel_loop3A_694 = arith.addi %parallel_loop3A_693, %parallel_loop3A_685 : vector<16xi32>
        %parallel_loop3A_695 = arith.select %parallel_loop3A_688, %parallel_loop3A_691, %parallel_loop3A_694 : vector<16xi1>, vector<16xi32>
        %parallel_loop3A_696 = arith.constant 14336 : i32
        %parallel_loop3A_697 = arith.addi %parallel_loop3A_696, %parallel_loop3A_208 : i32
        %parallel_loop3A_698 = arith.index_cast %parallel_loop3A_697 : i32 to index
        %parallel_loop3A_699 = tpu.vector_load %arg9[%parallel_loop3A_698] {strides = array<i32>} : memref<19456xi32, #tpu.memory_space<vmem>>, vector<16xi32>,
        %parallel_loop3A_700 = vector.shape_cast %parallel_loop3A_699 : vector<16xi32> to vector<16xi32>
        %parallel_loop3A_701 = vector.shape_cast %parallel_loop3A_695 : vector<16xi32> to vector<16xi32>
        tpu.vector_store %arg9[%parallel_loop3A_698], %parallel_loop3A_701 {strides = array<i32>} : memref<19456xi32, #tpu.memory_space<vmem>>, vector<16xi32>,
        %parallel_loop3A_702 = arith.mulf %parallel_loop3A_336, %parallel_loop3A_381 : vector<16xf32>
        %parallel_loop3A_703 = arith.constant 1.023000e+03 : f32
        %parallel_loop3A_704 = vector.broadcast %parallel_loop3A_703 : f32 to vector<16xf32>
        %parallel_loop3A_705 = arith.minimumf %parallel_loop3A_702, %parallel_loop3A_704 : vector<16xf32>
        %parallel_loop3A_706 = arith.fptosi %parallel_loop3A_705 : vector<16xf32> to vector<16xi32>
        %parallel_loop3A_707 = arith.constant 15 : i32
        %parallel_loop3A_708 = vector.broadcast %parallel_loop3A_707 : i32 to vector<16xi32>
        %parallel_loop3A_709 = arith.cmpi eq, %parallel_loop3A_386, %parallel_loop3A_708 : vector<16xi32>
        %parallel_loop3A_710 = arith.constant 32767 : i32
        %parallel_loop3A_711 = vector.broadcast %parallel_loop3A_710 : i32 to vector<16xi32>
        %parallel_loop3A_712 = arith.subi %parallel_loop3A_711, %parallel_loop3A_706 : vector<16xi32>
        %parallel_loop3A_713 = arith.constant 30720 : i32
        %parallel_loop3A_714 = vector.broadcast %parallel_loop3A_713 : i32 to vector<16xi32>
        %parallel_loop3A_715 = arith.addi %parallel_loop3A_714, %parallel_loop3A_706 : vector<16xi32>
        %parallel_loop3A_716 = arith.select %parallel_loop3A_709, %parallel_loop3A_712, %parallel_loop3A_715 : vector<16xi1>, vector<16xi32>
        %parallel_loop3A_717 = arith.constant 15360 : i32
        %parallel_loop3A_718 = arith.addi %parallel_loop3A_717, %parallel_loop3A_208 : i32
        %parallel_loop3A_719 = arith.index_cast %parallel_loop3A_718 : i32 to index
        %parallel_loop3A_720 = tpu.vector_load %arg9[%parallel_loop3A_719] {strides = array<i32>} : memref<19456xi32, #tpu.memory_space<vmem>>, vector<16xi32>,
        %parallel_loop3A_721 = vector.shape_cast %parallel_loop3A_720 : vector<16xi32> to vector<16xi32>
        %parallel_loop3A_722 = vector.shape_cast %parallel_loop3A_716 : vector<16xi32> to vector<16xi32>
        tpu.vector_store %arg9[%parallel_loop3A_719], %parallel_loop3A_722 {strides = array<i32>} : memref<19456xi32, #tpu.memory_space<vmem>>, vector<16xi32>,
        %parallel_loop3A_723 = arith.mulf %parallel_loop3A_344, %parallel_loop3A_381 : vector<16xf32>
        %parallel_loop3A_724 = arith.constant 1.023000e+03 : f32
        %parallel_loop3A_725 = vector.broadcast %parallel_loop3A_724 : f32 to vector<16xf32>
        %parallel_loop3A_726 = arith.minimumf %parallel_loop3A_723, %parallel_loop3A_725 : vector<16xf32>
        %parallel_loop3A_727 = arith.fptosi %parallel_loop3A_726 : vector<16xf32> to vector<16xi32>
        %parallel_loop3A_728 = arith.constant 16 : i32
        %parallel_loop3A_729 = vector.broadcast %parallel_loop3A_728 : i32 to vector<16xi32>
        %parallel_loop3A_730 = arith.cmpi eq, %parallel_loop3A_386, %parallel_loop3A_729 : vector<16xi32>
        %parallel_loop3A_731 = arith.constant 34815 : i32
        %parallel_loop3A_732 = vector.broadcast %parallel_loop3A_731 : i32 to vector<16xi32>
        %parallel_loop3A_733 = arith.subi %parallel_loop3A_732, %parallel_loop3A_727 : vector<16xi32>
        %parallel_loop3A_734 = arith.constant 32768 : i32
        %parallel_loop3A_735 = vector.broadcast %parallel_loop3A_734 : i32 to vector<16xi32>
        %parallel_loop3A_736 = arith.addi %parallel_loop3A_735, %parallel_loop3A_727 : vector<16xi32>
        %parallel_loop3A_737 = arith.select %parallel_loop3A_730, %parallel_loop3A_733, %parallel_loop3A_736 : vector<16xi1>, vector<16xi32>
        %parallel_loop3A_738 = arith.constant 16384 : i32
        %parallel_loop3A_739 = arith.addi %parallel_loop3A_738, %parallel_loop3A_208 : i32
        %parallel_loop3A_740 = arith.index_cast %parallel_loop3A_739 : i32 to index
        %parallel_loop3A_741 = tpu.vector_load %arg9[%parallel_loop3A_740] {strides = array<i32>} : memref<19456xi32, #tpu.memory_space<vmem>>, vector<16xi32>,
        %parallel_loop3A_742 = vector.shape_cast %parallel_loop3A_741 : vector<16xi32> to vector<16xi32>
        %parallel_loop3A_743 = vector.shape_cast %parallel_loop3A_737 : vector<16xi32> to vector<16xi32>
        tpu.vector_store %arg9[%parallel_loop3A_740], %parallel_loop3A_743 {strides = array<i32>} : memref<19456xi32, #tpu.memory_space<vmem>>, vector<16xi32>,
        %parallel_loop3A_744 = arith.mulf %parallel_loop3A_352, %parallel_loop3A_381 : vector<16xf32>
        %parallel_loop3A_745 = arith.constant 1.023000e+03 : f32
        %parallel_loop3A_746 = vector.broadcast %parallel_loop3A_745 : f32 to vector<16xf32>
        %parallel_loop3A_747 = arith.minimumf %parallel_loop3A_744, %parallel_loop3A_746 : vector<16xf32>
        %parallel_loop3A_748 = arith.fptosi %parallel_loop3A_747 : vector<16xf32> to vector<16xi32>
        %parallel_loop3A_749 = arith.constant 17 : i32
        %parallel_loop3A_750 = vector.broadcast %parallel_loop3A_749 : i32 to vector<16xi32>
        %parallel_loop3A_751 = arith.cmpi eq, %parallel_loop3A_386, %parallel_loop3A_750 : vector<16xi32>
        %parallel_loop3A_752 = arith.constant 36863 : i32
        %parallel_loop3A_753 = vector.broadcast %parallel_loop3A_752 : i32 to vector<16xi32>
        %parallel_loop3A_754 = arith.subi %parallel_loop3A_753, %parallel_loop3A_748 : vector<16xi32>
        %parallel_loop3A_755 = arith.constant 34816 : i32
        %parallel_loop3A_756 = vector.broadcast %parallel_loop3A_755 : i32 to vector<16xi32>
        %parallel_loop3A_757 = arith.addi %parallel_loop3A_756, %parallel_loop3A_748 : vector<16xi32>
        %parallel_loop3A_758 = arith.select %parallel_loop3A_751, %parallel_loop3A_754, %parallel_loop3A_757 : vector<16xi1>, vector<16xi32>
        %parallel_loop3A_759 = arith.constant 17408 : i32
        %parallel_loop3A_760 = arith.addi %parallel_loop3A_759, %parallel_loop3A_208 : i32
        %parallel_loop3A_761 = arith.index_cast %parallel_loop3A_760 : i32 to index
        %parallel_loop3A_762 = tpu.vector_load %arg9[%parallel_loop3A_761] {strides = array<i32>} : memref<19456xi32, #tpu.memory_space<vmem>>, vector<16xi32>,
        %parallel_loop3A_763 = vector.shape_cast %parallel_loop3A_762 : vector<16xi32> to vector<16xi32>
        %parallel_loop3A_764 = vector.shape_cast %parallel_loop3A_758 : vector<16xi32> to vector<16xi32>
        tpu.vector_store %arg9[%parallel_loop3A_761], %parallel_loop3A_764 {strides = array<i32>} : memref<19456xi32, #tpu.memory_space<vmem>>, vector<16xi32>,
        %parallel_loop3A_765 = arith.mulf %parallel_loop3A_360, %parallel_loop3A_381 : vector<16xf32>
        %parallel_loop3A_766 = arith.constant 1.023000e+03 : f32
        %parallel_loop3A_767 = vector.broadcast %parallel_loop3A_766 : f32 to vector<16xf32>
        %parallel_loop3A_768 = arith.minimumf %parallel_loop3A_765, %parallel_loop3A_767 : vector<16xf32>
        %parallel_loop3A_769 = arith.fptosi %parallel_loop3A_768 : vector<16xf32> to vector<16xi32>
        %parallel_loop3A_770 = arith.constant 18 : i32
        %parallel_loop3A_771 = vector.broadcast %parallel_loop3A_770 : i32 to vector<16xi32>
        %parallel_loop3A_772 = arith.cmpi eq, %parallel_loop3A_386, %parallel_loop3A_771 : vector<16xi32>
        %parallel_loop3A_773 = arith.constant 38911 : i32
        %parallel_loop3A_774 = vector.broadcast %parallel_loop3A_773 : i32 to vector<16xi32>
        %parallel_loop3A_775 = arith.subi %parallel_loop3A_774, %parallel_loop3A_769 : vector<16xi32>
        %parallel_loop3A_776 = arith.constant 36864 : i32
        %parallel_loop3A_777 = vector.broadcast %parallel_loop3A_776 : i32 to vector<16xi32>
        %parallel_loop3A_778 = arith.addi %parallel_loop3A_777, %parallel_loop3A_769 : vector<16xi32>
        %parallel_loop3A_779 = arith.select %parallel_loop3A_772, %parallel_loop3A_775, %parallel_loop3A_778 : vector<16xi1>, vector<16xi32>
        %parallel_loop3A_780 = arith.constant 18432 : i32
        %parallel_loop3A_781 = arith.addi %parallel_loop3A_780, %parallel_loop3A_208 : i32
        %parallel_loop3A_782 = arith.index_cast %parallel_loop3A_781 : i32 to index
        %parallel_loop3A_783 = tpu.vector_load %arg9[%parallel_loop3A_782] {strides = array<i32>} : memref<19456xi32, #tpu.memory_space<vmem>>, vector<16xi32>,
        %parallel_loop3A_784 = vector.shape_cast %parallel_loop3A_783 : vector<16xi32> to vector<16xi32>
        %parallel_loop3A_785 = vector.shape_cast %parallel_loop3A_779 : vector<16xi32> to vector<16xi32>
        tpu.vector_store %arg9[%parallel_loop3A_782], %parallel_loop3A_785 {strides = array<i32>} : memref<19456xi32, #tpu.memory_space<vmem>>, vector<16xi32>,
      } {sc.loop_unroll_factor = 4 : i64, sc.parallel_access}
      %dma_start3A_203 = arith.constant 0 : i32
      %dma_start3A_204 = tpu.memref_slice %arg5[%dma_start3A_203] : memref<38912xf32, #tpu.memory_space<vmem_shared>> -> memref<38912xf32, #tpu.memory_space<vmem_shared>>
      tpu.enqueue_indirect_dma source(%arg10 : memref<19456xf32, #tpu.memory_space<vmem>>) target(%dma_start3A_204 : memref<38912xf32, #tpu.memory_space<vmem_shared>>) offsets(%arg9 : memref<19456xi32, #tpu.memory_space<vmem>>) semaphore(%arg17 : memref<!tpu.dma_semaphore, #tpu.memory_space<semaphore_mem>>) {add = true}
      %scan3A_205 = arith.constant 0 : i32
      scf.yield %scan3A_205 : i32
    }
    %scan3A_56 = arith.constant 16 : i32
    %dma_wait3A = arith.constant 0 : i32
    %dma_wait3A_57 = tpu.memref_slice %arg5[%dma_wait3A] : memref<38912xf32, #tpu.memory_space<vmem_shared>> -> memref<38912xf32, #tpu.memory_space<vmem_shared>>
    tpu.wait_indirect_dma semaphore(%arg16 : memref<!tpu.dma_semaphore, #tpu.memory_space<semaphore_mem>>) src(%arg10 : memref<19456xf32, #tpu.memory_space<vmem>>) dst(%dma_wait3A_57 : memref<38912xf32, #tpu.memory_space<vmem_shared>>)
    %dma_wait3A_58 = arith.constant 0 : i32
    %dma_wait3A_59 = tpu.memref_slice %arg5[%dma_wait3A_58] : memref<38912xf32, #tpu.memory_space<vmem_shared>> -> memref<38912xf32, #tpu.memory_space<vmem_shared>>
    tpu.wait_indirect_dma semaphore(%arg17 : memref<!tpu.dma_semaphore, #tpu.memory_space<semaphore_mem>>) src(%arg10 : memref<19456xf32, #tpu.memory_space<vmem>>) dst(%dma_wait3A_59 : memref<38912xf32, #tpu.memory_space<vmem_shared>>)
    %barrier3A_60 = arith.constant 0 : index
    tpu.barrier barrier_id(%barrier3A_60)
    %eq3A = arith.constant 0 : i32
    %eq3A_61 = arith.cmpi eq, %arg1, %eq3A : i32
    %convert_element_type3A = arith.extui %eq3A_61 : i1 to i32
    %cond3A = arith.constant 0 : i32
    %cond3A_62 = arith.cmpi ne, %convert_element_type3A, %cond3A : i32
    scf.if %cond3A_62 {
      "tpu.region"() ({
        %run_scoped3A = tpu.sem_alloc : memref<!tpu.dma_semaphore, #tpu.memory_space<semaphore_mem>>
        %dma_start3A_63 = arith.constant 0 : i32
        %dma_start3A_64 = tpu.memref_slice %arg4[%arg0, %dma_start3A_63] : memref<2x38912xf32, #tpu.memory_space<hbm>> -> memref<1x38912xf32, #tpu.memory_space<hbm>>
        %dma_start3A_65 = tpu.memref_squeeze %dma_start3A_64 : memref<1x38912xf32, #tpu.memory_space<hbm>> -> memref<38912xf32, #tpu.memory_space<hbm>>
        tpu.enqueue_dma source(%arg5 : memref<38912xf32, #tpu.memory_space<vmem_shared>>) target(%dma_start3A_65 : memref<38912xf32, #tpu.memory_space<hbm>>) target_semaphore(%run_scoped3A : memref<!tpu.dma_semaphore, #tpu.memory_space<semaphore_mem>>)
        %dma_wait3A_66 = arith.constant 0 : i32
        %dma_wait3A_67 = tpu.memref_slice %arg4[%arg0, %dma_wait3A_66] : memref<2x38912xf32, #tpu.memory_space<hbm>> -> memref<1x38912xf32, #tpu.memory_space<hbm>>
        %dma_wait3A_68 = tpu.memref_squeeze %dma_wait3A_67 : memref<1x38912xf32, #tpu.memory_space<hbm>> -> memref<38912xf32, #tpu.memory_space<hbm>>
        tpu.wait_dma2 semaphore(%run_scoped3A : memref<!tpu.dma_semaphore, #tpu.memory_space<semaphore_mem>>) src(%arg5 : memref<38912xf32, #tpu.memory_space<vmem_shared>>) dst(%dma_wait3A_68 : memref<38912xf32, #tpu.memory_space<hbm>>)
        tpu.yield
      }) : () -> ()
    } else {
    }
    return
  }
}

module attributes {stable_mosaic.version = 14 : i64} {
  func.func @_tc_scan(%arg0: memref<2x19x1024xf32, #tpu.memory_space<vmem>>, %arg1: memref<2x19x1024xf32, #tpu.memory_space<vmem>>, %arg2: memref<1x1xf32, #tpu.memory_space<vmem>>) attributes {dimension_semantics = [], scalar_prefetch = 0 : i64, scratch_operands = 0 : i64, tpu.core_type = #tpu.core_type<tc>} {
    %get3A = arith.constant 0 : index
    %get3A_0 = arith.constant 0 : index
    %get3A_1 = arith.constant 0 : index
    %get3A_2 = vector.load %arg0[%get3A, %get3A_0, %get3A_1] : memref<2x19x1024xf32, #tpu.memory_space<vmem>>, vector<1x19x1024xf32>
    %get3A_3 = vector.shape_cast %get3A_2 : vector<1x19x1024xf32> to vector<19x1024xf32>
    %get3A_4 = arith.constant 1 : index
    %get3A_5 = arith.constant 0 : index
    %get3A_6 = arith.constant 0 : index
    %get3A_7 = vector.load %arg0[%get3A_4, %get3A_5, %get3A_6] : memref<2x19x1024xf32, #tpu.memory_space<vmem>>, vector<1x19x1024xf32>
    %get3A_8 = vector.shape_cast %get3A_7 : vector<1x19x1024xf32> to vector<19x1024xf32>
    %add3A = arith.addf %get3A_3, %get3A_8 : vector<19x1024xf32>
    %get3A_9 = arith.constant 0 : index
    %get3A_10 = arith.constant 0 : index
    %get3A_11 = arith.constant 0 : index
    %get3A_12 = vector.load %arg1[%get3A_9, %get3A_10, %get3A_11] : memref<2x19x1024xf32, #tpu.memory_space<vmem>>, vector<1x19x1024xf32>
    %get3A_13 = vector.shape_cast %get3A_12 : vector<1x19x1024xf32> to vector<19x1024xf32>
    %get3A_14 = arith.constant 1 : index
    %get3A_15 = arith.constant 0 : index
    %get3A_16 = arith.constant 0 : index
    %get3A_17 = vector.load %arg1[%get3A_14, %get3A_15, %get3A_16] : memref<2x19x1024xf32, #tpu.memory_space<vmem>>, vector<1x19x1024xf32>
    %get3A_18 = vector.shape_cast %get3A_17 : vector<1x19x1024xf32> to vector<19x1024xf32>
    %add3A_19 = arith.addf %get3A_13, %get3A_18 : vector<19x1024xf32>
    %iota3A = tpu.iota {dimensions = array<i32: 0>} : vector<1024x1024xi32>
    %iota3A_20 = tpu.iota {dimensions = array<i32: 1>} : vector<1024x1024xi32>
    %le3A = arith.cmpi sle, %iota3A, %iota3A_20 : vector<1024x1024xi32>
    %convert_element_type3A = arith.extui %le3A : vector<1024x1024xi1> to vector<1024x1024xi32>
    %convert_element_type3A_21 = arith.sitofp %convert_element_type3A : vector<1024x1024xi32> to vector<1024x1024xf32>
    %dot_general3A = arith.constant dense<0.000000e+00> : vector<19x1024xf32>
    %dot_general3A_22 = tpu.matmul %add3A, %convert_element_type3A_21, %dot_general3A {dimension_numbers = #tpu.dot_dimension_numbers<[1], [0], [0], [1], [0, 0, 1, 1], [], []>, transpose_lhs_hint = false} : vector<19x1024xf32>, vector<1024x1024xf32>, vector<19x1024xf32> -> vector<19x1024xf32>
    %dot_general3A_23 = arith.constant dense<0.000000e+00> : vector<19x1024xf32>
    %dot_general3A_24 = tpu.matmul %add3A_19, %convert_element_type3A_21, %dot_general3A_23 {dimension_numbers = #tpu.dot_dimension_numbers<[1], [0], [0], [1], [0, 0, 1, 1], [], []>, transpose_lhs_hint = false} : vector<19x1024xf32>, vector<1024x1024xf32>, vector<19x1024xf32> -> vector<19x1024xf32>
    %sub3A = arith.constant 0x49800000 : f32
    %sub3A_25 = vector.broadcast %sub3A : f32 to vector<19x1024xf32>
    %sub3A_26 = arith.subf %sub3A_25, %dot_general3A_22 : vector<19x1024xf32>
    %add3A_27 = arith.addf %sub3A_26, %add3A : vector<19x1024xf32>
    %max3A = arith.constant 1.000000e+00 : f32
    %max3A_28 = vector.broadcast %max3A : f32 to vector<19x1024xf32>
    %max3A_29 = arith.maximumf %sub3A_26, %max3A_28 : vector<19x1024xf32>
    %max3A_30 = arith.constant 1.000000e+00 : f32
    %max3A_31 = vector.broadcast %max3A_30 : f32 to vector<19x1024xf32>
    %max3A_32 = arith.maximumf %add3A_27, %max3A_31 : vector<19x1024xf32>
    %iota3A_33 = tpu.iota {dimensions = array<i32: 1>} : vector<19x1024xi32>
    %convert_element_type3A_34 = arith.sitofp %iota3A_33 : vector<19x1024xi32> to vector<19x1024xf32>
    %add3A_35 = arith.constant 5.000000e-01 : f32
    %add3A_36 = vector.broadcast %add3A_35 : f32 to vector<19x1024xf32>
    %add3A_37 = arith.addf %convert_element_type3A_34, %add3A_36 : vector<19x1024xf32>
    %div3A = arith.constant 1.024000e+03 : f32
    %div3A_38 = vector.broadcast %div3A : f32 to vector<19x1024xf32>
    %div3A_39 = arith.divf %add3A_37, %div3A_38 : vector<19x1024xf32>
    %div3A_40 = arith.divf %add3A_19, %max3A_29 : vector<19x1024xf32>
    %sub3A_41 = arith.subf %dot_general3A_24, %add3A_19 : vector<19x1024xf32>
    %mul3A = arith.mulf %sub3A_41, %add3A : vector<19x1024xf32>
    %mul3A_42 = arith.mulf %max3A_29, %max3A_32 : vector<19x1024xf32>
    %div3A_43 = arith.divf %mul3A, %mul3A_42 : vector<19x1024xf32>
    %add3A_44 = arith.addf %div3A_40, %div3A_43 : vector<19x1024xf32>
    %mul3A_45 = arith.mulf %div3A_39, %add3A_44 : vector<19x1024xf32>
    %reduce_sum3A = arith.constant dense<0.000000e+00> : vector<19xf32>
    %reduce_sum3A_46 = vector.multi_reduction <add>, %mul3A_45, %reduce_sum3A [1] : vector<19x1024xf32> to vector<19xf32>
    %slice3A = vector.extract_strided_slice %dot_general3A_24 {offsets = [0, 1023], sizes = [19, 1], strides = [1, 1]} : vector<19x1024xf32> to vector<19x1xf32>
    %squeeze3A = vector.shape_cast %slice3A : vector<19x1xf32> to vector<19xf32>
    %gt3A = arith.constant 0.000000e+00 : f32
    %gt3A_47 = vector.broadcast %gt3A : f32 to vector<19xf32>
    %gt3A_48 = arith.cmpf ogt, %squeeze3A, %gt3A_47 : vector<19xf32>
    %convert_element_type3A_49 = arith.extui %gt3A_48 : vector<19xi1> to vector<19xi32>
    %convert_element_type3A_50 = arith.sitofp %convert_element_type3A_49 : vector<19xi32> to vector<19xf32>
    %mul3A_51 = arith.mulf %reduce_sum3A_46, %convert_element_type3A_50 : vector<19xf32>
    %reduce_sum3A_52 = vector.shape_cast %mul3A_51 : vector<19xf32> to vector<1x19xf32>
    %reduce_sum3A_53 = arith.constant dense<0.000000e+00> : vector<1xf32>
    %reduce_sum3A_54 = vector.multi_reduction <add>, %reduce_sum3A_52, %reduce_sum3A_53 [1] : vector<1x19xf32> to vector<1xf32>
    %reduce_sum3A_55 = vector.shape_cast %reduce_sum3A_54 : vector<1xf32> to vector<1x1xf32>
    %reduce_sum3A_56 = vector.extract %reduce_sum3A_55[0, 0] : f32 from vector<1x1xf32>
    %reduce_sum3A_57 = vector.shape_cast %convert_element_type3A_50 : vector<19xf32> to vector<1x19xf32>
    %reduce_sum3A_58 = arith.constant dense<0.000000e+00> : vector<1xf32>
    %reduce_sum3A_59 = vector.multi_reduction <add>, %reduce_sum3A_57, %reduce_sum3A_58 [1] : vector<1x19xf32> to vector<1xf32>
    %reduce_sum3A_60 = vector.shape_cast %reduce_sum3A_59 : vector<1xf32> to vector<1x1xf32>
    %reduce_sum3A_61 = vector.extract %reduce_sum3A_60[0, 0] : f32 from vector<1x1xf32>
    %max3A_62 = arith.constant 1.000000e+00 : f32
    %max3A_63 = arith.maximumf %reduce_sum3A_61, %max3A_62 : f32
    %div3A_64 = arith.divf %reduce_sum3A_56, %max3A_63 : f32
    %broadcast_in_dim3A = vector.broadcast %div3A_64 : f32 to vector<1x1xf32>
    %swap3A = arith.constant 0 : index
    %swap3A_65 = arith.constant 0 : index
    %swap3A_66 = vector.load %arg2[%swap3A, %swap3A_65] : memref<1x1xf32, #tpu.memory_space<vmem>>, vector<1x1xf32>
    tpu.vector_store %arg2[%swap3A, %swap3A_65], %broadcast_in_dim3A {strides = array<i32>} : memref<1x1xf32, #tpu.memory_space<vmem>>, vector<1x1xf32>,
    return
  }
}

</mosaic_0001>

<sc_bundles>
// kernel: kernel.4.cloned.1.call-start
scs
__scs_entry_jumppad:
0x0: {  	(pc) =	sbr.rel $0x88, $3  }
0x1: {  	(tag) =	ssettag $0x0;
	lr =	simm.s32 $0x1  }
0x2: {  	[smem:$0x3F9F] =	sst lr;
	_ =	strace $0xD0000000  }
0x3: {  	_ = 	snop  }
0x4: {  	_ = 	snop  }
0x5: {  	_ = 	snop  }
0x6: {  	_ = 	snop  }
0x7: {  	_ = 	snop  }
__scs_overlays_trampoline_lowered:
0x8: {  	[smem:$0x3FAE] =	sst s0  }
0x9: {  	[smem:$0x3FAF] =	sst s1  }
0xa: {  	[smem:$0x3FB0] =	sst s2  }
0xb: {  	[smem:$0x3FB1] =	sst s3  }
0xc: {  	[smem:$0x3FB2] =	sst s4  }
0xd: {  	[smem:$0x3FB3] =	sst s5  }
0xe: {  	[smem:$0x3FB4] =	sst s6  }
0xf: {  	[smem:$0x3FB5] =	sst s7  }
0x10: {  	[smem:$0x3FB6] =	sst s8  }
0x11: {  	[smem:$0x3FB7] =	sst s9;
	s0 =	simm.s32 @!p0 $0x0  }
0x12: {  	s1 =	sld [smem:$0x3F9D];
	s0 =	simm.s32 @p0 $0x1  }
0x13: {  	[smem:$0x3FB8] =	sst s0;
	s0 =	simm.s32 @!p1 $0x0  }
0x14: {  	s2 =	sld [smem:$0x3F9C];
	s0 =	simm.s32 @p1 $0x1  }
0x15: {  	[smem:$0x3FB9] =	sst s0;
	s0 =	simm.s32 @!p2 $0x0  }
0x16: {  	s3 =	sld [smem:$0x3FDB];
	s0 =	simm.s32 @p2 $0x1  }
0x17: {  	s4 =	simm.s32 $0x1BF5;
	[smem:$0x3FBB] =	sst s0  }
0x18: {  	s0 =	sld [smem:$0x3F9E];
	_ =	swait.ge [sflag:s4], $0x0  }
0x19: {  	s7 =	sld [smem:$0x3F9F]  }
0x1a: {  	s8 =	sadd.s32 $0xFFFFE003, lr  }
0x1b: {  	s9 =	sadd.s32 $0xFFFFFEF7, lr;
	s5 =	simm.s32 $0xFFFFFFFF;
	p2 =	slt.u32 s8, $0xFFFFF086  }
0x1c: {  	p1 =	slt.u32 s9, $0xF7A;
	s5 =	simm.s32 @!p2 $0x0  }
0x1d: {  	s5 =	simm.s32 @p1 $0x1;
	p0 =	seq.s32 s7, s2  }
0x1e: {  	s7 =	smul.u32 @!p0 $0xF7A, s2;
	p2 =	seq.s32 @!p0 s5, $0x0  }
0x1f: {  	s9 =	smul.u32 $0xF7A, s1;
	s8 =	simm.s32 @!p0 $0x1BF5;
	p2 =	por !p2, p0  }
0x20: {  	[sflag:s8] =	ssyncset.s32 @!p0 $0xFFFFF086;
	s6 =	sadd.s32 @!p0 s3, s7;
	s7 =	simm.s32 @!p0 $0x108  }
0x21: {  	s3 =	sadd.s32 s3, s9;
	s6 =	sadd.s32 @!p0 $0x88, s6;
	s7 =	simm.s32 @p2 $0x1082  }
0x22: {  	[simem:s7], [sflag:s8] =	dma.local @!p0 [hbm:s6], $0xF7A  }
0x23: {  	s9 =	sor.u32 $0xD0000000, s2;
	s6 =	simm.s32 $0x108;
	_ =	swait.ge @!p0 [sflag:s8], $0x0  }
0x24: {  	s3 =	sadd.s32 $0x88, s3;
	s6 =	simm.s32 @!p1 $0x1082;
	[sflag:s4] =	ssyncset.s32 $0xFFFFF086  }
0x25: {  	[simem:s6], [sflag:s4] =	dma.local [hbm:s3], $0xF7A  }
0x26: {  	[smem:$0x3F9F] =	sst s1;
	(tag) =	ssettag s2;
	_ =	strace s9  }
0x27: {  	s1 =	sld [smem:$0x3FAF]  }
0x28: {  	s2 =	sld [smem:$0x3FB0]  }
0x29: {  	s4 =	sld [smem:$0x3FB2]  }
0x2a: {  	p0 =	seq.s32 s5, $0x0;
	s5 =	sld [smem:$0x3FB3]  }
0x2b: {  	s6 =	sld [smem:$0x3FB4]  }
0x2c: {  	s7 =	sld [smem:$0x3FB5]  }
0x2d: {  	s3 =	simm.s32 $0x108;
	s8 =	sld [smem:$0x3FB6]  }
0x2e: {  	s3 =	simm.s32 @!p0 $0x1082;
	s9 =	sld [smem:$0x3FB7]  }
0x2f: {  	lr =	sadd.s32 s0, s3;
	s0 =	sld [smem:$0x3FAE]  }
0x30: {  	s3 =	sld [smem:$0x3FB1]  }
0x31: {  	[smem:$0x3FBA] =	sst s10  }
0x32: {  	s10 =	sld [smem:$0x3FB8];
	_ =	sdelay $0x3  }
0x33: {  	p0 =	seq.s32 s10, $0x1;
	s10 =	sld [smem:$0x3FBA];
	_ =	sdelay $0x3  }
0x34: {  	[smem:$0x3FBA] =	sst s10  }
0x35: {  	s10 =	sld [smem:$0x3FB9];
	_ =	sdelay $0x3  }
0x36: {  	p1 =	seq.s32 s10, $0x1;
	s10 =	sld [smem:$0x3FBA];
	_ =	sdelay $0x3  }
0x37: {  	[smem:$0x3FBA] =	sst s10  }
0x38: {  	s10 =	sld [smem:$0x3FBB]  }
0x39: {  	_ = 	snop;
	(pc) =	sbr.ind lr, $3  }
0x3a: {  	_ = 	snop  }
0x3b: {  	_ = 	snop  }
0x3c: {  	p2 =	seq.s32 s10, $0x1;
	s10 =	sld [smem:$0x3FBA]  }
0x3d: {  	_ =	shalt  }
0x3e: {  	_ =	shalt  }
0x3f: {  	_ =	shalt  }
0x40: {  	_ =	shalt  }
0x41: {  	_ =	shalt  }
0x42: {  	_ =	shalt  }
0x43: {  	_ =	shalt  }
0x44: {  	_ =	shalt  }
0x45: {  	_ =	shalt  }
0x46: {  	_ =	shalt  }
0x47: {  	_ =	shalt  }
0x48: {  	_ =	shalt  }
0x49: {  	_ =	shalt  }
0x4a: {  	_ =	shalt  }
0x4b: {  	_ =	shalt  }
0x4c: {  	_ =	shalt  }
0x4d: {  	_ =	shalt  }
0x4e: {  	_ =	shalt  }
0x4f: {  	_ =	shalt  }
0x50: {  	_ =	shalt  }
0x51: {  	_ =	shalt  }
0x52: {  	_ =	shalt  }
0x53: {  	_ =	shalt  }
0x54: {  	_ =	shalt  }
0x55: {  	_ =	shalt  }
0x56: {  	_ =	shalt  }
0x57: {  	_ =	shalt  }
0x58: {  	_ =	shalt  }
0x59: {  	_ =	shalt  }
0x5a: {  	_ =	shalt  }
0x5b: {  	_ =	shalt  }
0x5c: {  	_ =	shalt  }
0x5d: {  	_ =	shalt  }
0x5e: {  	_ =	shalt  }
0x5f: {  	_ =	shalt  }
0x60: {  	_ =	shalt  }
0x61: {  	_ =	shalt  }
0x62: {  	_ =	shalt  }
0x63: {  	_ =	shalt  }
0x64: {  	_ =	shalt  }
0x65: {  	_ =	shalt  }
0x66: {  	_ =	shalt  }
0x67: {  	_ =	shalt  }
0x68: {  	_ =	shalt  }
0x69: {  	_ =	shalt  }
0x6a: {  	_ =	shalt  }
0x6b: {  	_ =	shalt  }
0x6c: {  	_ =	shalt  }
0x6d: {  	_ =	shalt  }
0x6e: {  	_ =	shalt  }
0x6f: {  	_ =	shalt  }
0x70: {  	_ =	shalt  }
0x71: {  	_ =	shalt  }
0x72: {  	_ =	shalt  }
0x73: {  	_ =	shalt  }
0x74: {  	_ =	shalt  }
0x75: {  	_ =	shalt  }
0x76: {  	_ =	shalt  }
0x77: {  	_ =	shalt  }
0x78: {  	_ =	shalt  }
0x79: {  	_ =	shalt  }
0x7a: {  	_ =	shalt  }
0x7b: {  	_ =	shalt  }
0x7c: {  	_ =	shalt  }
0x7d: {  	_ =	shalt  }
0x7e: {  	_ =	shalt  }
0x7f: {  	_ =	shalt  }
0x80: {  	_ =	shalt  }
0x81: {  	_ =	shalt  }
0x82: {  	_ =	shalt  }
0x83: {  	_ =	shalt  }
0x84: {  	_ =	shalt  }
0x85: {  	_ =	shalt  }
0x86: {  	_ =	shalt  }
0x87: {  	_ =	shalt  }
.Lfunc_end0:
.L_simem_size_0:
called_computation_lowered:
.L_overlay_start_0:
0x88: {  	s2 =	sld [smem:$0x3FD9]  }
0x89: {  	s3 =	sld [smem:$0x3FFE];
	_ =	sdelay $0x1  }
0x8a: {  	s1 =	srdreg.scid  }
0x8b: {  	s0 =	sand.u32 $0x1, s1  }
0x8c: {  	s16 =	sshll.u32 s0, $0xA;
	s2 =	sadd.s32 s3, s2  }
0x8d: {  	s2 =	sadd.s32 s2, s16  }
0x8e: {  	[smem:$0x3FC6] =	sst s2  }
0x8f: {  	_ = 	snop  }
0x90: {  	(tm) =	ssettm $0x1  }
0x91: {  	s17 =	sld [smem:$0x3FFB];
	_ =	sdelay $0x3  }
0x92: {  	_ =	strace s17  }
0x93: {  	s2 =	sld [smem:$0x3FFC];
	_ =	sdelay $0x3  }
0x94: {  	_ =	strace s2  }
0x95: {  	s2 =	sld [smem:$0x3FFD];
	_ =	sdelay $0x3  }
0x96: {  	_ =	strace s2  }
0x97: {  	_ =	strace $0x8FFFFFFF  }
0x98: {  	s18 =	sld [smem:$0x3FDB];
	_ =	sdelay $0x1  }
0x99: {  	s19 =	simm.s32 $_scs_section_size  }
0x9a: {  	s4 =	simm.s32 $_size__tile_overlayer_lowered;
	s5 =	simm.s32 $_tile_overlayer_lowered  }
0x9b: {  	s22 =	simm.s32 $0x1BFF;
	s21 =	sshll.u32 s5, $0x1;
	s2 =	sadd.s32 s19, s18  }
0x9c: {  	s6 =	simm.s32 $0x0;
	s20 =	sshll.u32 s4, $0x1;
	s4 =	sadd.s32 s21, s2  }
0x9d: {  	[timem:s6], [sflag:s22] =	dma.local [hbm:s4], s20  }
0x9e: {  	_ =	swait.ge [sflag:s22], s20  }
0x9f: {  	s3 =	ssub.s32 $0x0, s20;
	[sflag:s22] =	ssyncset.done $0x0  }
0xa0: {  	[sflag:s22] =	ssyncadd.s32 s3;
	_ =	sdelay $0x1  }
0xa1: {  	s23 =	simm.s32 $0x1B8B  }
0xa2: {  	_ =	swait.ge [sflag:s23], $0x1  }
0xa3: {  	[sflag:s23] =	ssyncset.done $0x0  }
0xa4: {  	s25 =	simm.s32 $0x1B8E;
	s24 =	sld [smem:$0x3FFE];
	[sflag:s23] =	ssyncadd.s32 $0xFFFFFFFF  }
0xa5: {  	s26 =	simm.s32 $execute0_lowered;
	[smem:$0x3FD2] =	sst s25  }
0xa6: {  	s4 =	sshll.u32 s26, $0x1;
	_ =	strace $0x80000046;
	[dreg:$0x1] =	wrdreg $0xFFFFFFFF  }
0xa7: {  	s28 =	simm.s32 $_size_execute0_lowered;
	s2 =	sadd.s32 s2, s4;
	[dreg:$0x0] =	wrdreg $0x0  }
0xa8: {  	s4 =	sshll.u32 s28, $0x1;
	[dreg:$0x2] =	wrdreg s2  }
0xa9: {  	[dreg:$0x3] =	wrdreg s4  }
0xaa: {  	[dreg:$0x4] =	wrdreg $0xC0  }
0xab: {  	_ =	task [dreg:s6], $0x5FFFF  }
0xac: {  	[dreg:$0x1] =	wrdreg $0xFFFFFFFF  }
0xad: {  	[dreg:$0x0] =	wrdreg $0x60  }
0xae: {  	[dreg:$0x2] =	wrdreg s24  }
0xaf: {  	[dreg:$0x3] =	wrdreg $0x0  }
0xb0: {  	[dreg:$0x4] =	wrdreg $0x9  }
0xb1: {  	_ =	task.clear_ibuf [dreg:s6], $0x5FFFF;
	_ =	strace $0x90000046  }
0xb2: {  	s29 =	simm.s32 $0x9;
	_ =	strace $0x80000048  }
0xb3: {  	_ =	swait.ge [sflag:s29], $0x1  }
0xb4: {  	[sflag:s29] =	ssyncadd.s32 $0xFFFFFFFF  }
0xb5: {  	_ =	strace $0x90000048  }
0xb6: {  	_ =	sfence  }
0xb7: {  	s30 =	sld [smem:$0x0];
	_ =	sdelay $0x2  }
0xb8: {  	s31 =	sshll.u32 s1, $0xD;
	s1 =	sshrl.u32 s1, $0x2  }
0xb9: {  	s3 =	sand.u32 $0x4000, s31;
	s1 =	sadd.s32 s1, s30  }
0xba: {  	s0 =	sor.u32 s3, s0;
	s1 =	sshll.u32 s1, $0x11  }
0xbb: {  	s0 =	sor.u32 s1, s0  }
0xbc: {  	s0 =	sadd.s32 $0x8F2B, s0  }
0xbd: {  	[sflag:s0] =	ssyncadd.remote.s32 $0x1  }
0xbe: {  	_ =	sfence.sel $0xFFFF  }
0xbf: {  	[dreg:$0x0] =	wrdreg $0xFFFFFFFF;
	(pc) =	sbr.abs _section_cstart, $3  }
0xc0: {  	[dreg:$0x1] =	wrdreg $0xFFFFFFFF  }
0xc1: {  	_ =	task.clear_ibuf [dreg:s6], $0x2FFFF;
	_ =	strace $0x9FFFFFFF  }
0xc2: {  	(tm) =	ssettm $0x7FFFFFFF  }
0xc3: {  	_ =	shalt  }
tec
execute0_lowered:
.L_overlay_start_1:
0x0: {  	(tag) =	ssettag $0x1  }
0x1: {  	s0 =	rddreg [dreg:$0x0]  }
0x2: {  	s23 =	rddreg [dreg:$0x1];
	s1 =	simm.s32 $0x0;
	s18 =	srdreg.scid  }
0x3: {  	s5 =	stileid.u32;
	[smem:$0x7FF] =	sst s1  }
0x4: {  	s1 =	sand.u32 $0x1, s18;
	s3 =	sadd.s32 $0x20800, s0;
	s24 =	sadd.s32 $0x800, s0  }
0x5: {  	s19 =	sshll.u32 s5, $0x1;
	s7 =	sshll.u32 s5, $0xE;
	s9 =	smul.u32 $0x2600, s5  }
0x6: {  	_ =	strace $0x80000047;
	s4 =	sshll.u32 s1, $0x4;
	s6 =	ssub.s32 $0x2, s1  }
0x7: {  	s7 =	sand.u32 $0x38000, s7;
	s0 =	sadd.s32 s4, s0;
	s4 =	sand.u32 $0x2, s19  }
0x8: {  	s8 =	sshrl.u32 s6, $0x1;
	s10 =	sshll.u32 s7, $0x2;
	s9 =	sshrl.u32 s9, $0x2  }
0x9: {  	s21 =	sadd.s32 s3, s7;
	s29 =	sor.u32 $0x800, s7;
	s31 =	sor.u32 $0x400, s7  }
0xa: {  	s1 =	sor.u32 s1, s4;
	s6 =	ssub.s32 s6, s8;
	[dreg:$0x7] =	wrdreg s29  }
0xb: {  	s2 =	sadd.s32 s9, s23;
	s0 =	sadd.s32 $0x320800, s0;
	[dreg:$0xa] =	wrdreg s31  }
0xc: {  	s25 =	sshll.u32 s1, $0x7;
	s1 =	smul.u32 $0xC0000, s1;
	[dreg:$0x3] =	wrdreg s2  }
0xd: {  	[dreg:$0x8] =	wrdreg s0;
	s30 =	smax.u32 s6, $0x1;
	s20 =	sor.u32 s10, s25  }
0xe: {  	[dreg:$0x9] =	wrdreg s30;
	s8 =	sshrl.u32 s20, $0x3;
	s22 =	sadd.s32 s1, s21  }
0xf: {  	s28 =	simm.s32 $0x16980;
	[dreg:$0x4] =	wrdreg s22;
	s26 =	sadd.s32 s24, s8  }
0x10: {  	p0 =	sne.s32 s5, $0x0;
	s8 =	sadd.s32 s3, s1;
	[dreg:$0x5] =	wrdreg s26  }
0x11: {  	v0 =	vimm.f32 $0.0e+00;
	v1 =	vimm.f32 $1.000000000e+00;
	s2 =	simm.s32 $0x0;
	s26 =	simm.s32 $0x4C00;
	[dreg:$0x6] =	wrdreg s8  }
.LBB2_1:
0x12: {  	s0 =	simm.s32 $0x0  }
.LBB2_2:
0x13: {  	p1 =	sne.s32 s0, $0x25C0  }
.Ltmp0:
0x14: {  	_ = 	snop;
	(pc) =	sbr.rel @p1 .LBB2_2-.Ltmp0, $3  }
0x15: {  	_ =	sdelay $0x1  }
0x16: {  	s1 =	sshra.s32 s0, $0x2  }
0x17: {  	s0 =	sadd.s32 $0x40, s0;
	[tilespmem:s1+$0x1B580] =	vst v0  }
0x18: {  	[dreg:$0xb] =	wrdreg s2;
	s0 =	simm.s32 $0x40;
	s1 =	simm.s32 $0x0  }
.LBB2_4:
0x19: {  	p1 =	sne.s32 s0, $0x12FC0;
	[tilespmem:s1+$0x16980] =	vst v1;
	s1 =	smov.u32 s0;
	s0 =	sadd.s32 $0x40, s0  }
.Ltmp1:
0x1a: {  	(pc) =	sbr.rel @p1 .LBB2_4-.Ltmp1, $2  }
0x1b: {  	_ =	sdelay $0x2  }
0x1c: {  	s1 =	sshra.s32 s1, $0x2  }
0x1d: {  	[tilespmem:s1+$0x16980] =	vst v1;
	s0 =	rddreg [dreg:$0x3];
	s4 =	simm.s32 $0x1B580;
	s5 =	simm.s32 $0x7  }
0x1e: {  	[spmem:s0] =	stream.linear.scatter [tilespmem:s4], [sflag:$0x7], $0x980, $0x38;
	[tilespmem:$0x1BF00] =	vst v63  }
0x1f: {  	_ =	swait.ge [sflag:s5], $0x980  }
0x20: {  	[sflag:s5] =	ssyncset.done $0x0  }
0x21: {  	[sflag:s5] =	ssyncadd.s32 $0xFFFFF680  }
0x22: {  	s7 =	simm.s32 $0x2000;
	[bflag:$0x0] =	sbarrier.arrive $0xFFFF  }
0x23: {  	s2 =	simm.s32 $0x200000;
	s3 =	simm.s32 $0x980;
	s6 =	rddreg [dreg:$0x4]  }
0x24: {  	[tilespmem:s3], [sflag:$0x1] =	stream.strided.gather [hbm4b:s6+s7], $0x6000, s2, s7, $0x38;
	[tilespmem:$0x1BF00] =	vst v63  }
0x25: {  	s14 =	simm.s32 $0x0;
	s10 =	simm.s32 $0xC980;
	s9 =	rddreg [dreg:$0x5]  }
0x26: {  	[tilespmem:s10], [sflag:$0x3] =	stream.linear.gather [hbm4b:s9+s14], $0x80, $0x38;
	[tilespmem:$0x1BF00] =	vst v63  }
0x27: {  	s12 =	simm.s32 $0xCA80;
	s11 =	sadd.s32 $0x40, s9  }
0x28: {  	[tilespmem:s12], [sflag:$0x3] =	stream.linear.gather [hbm4b:s11+s14], $0x80, $0x38;
	[tilespmem:$0x1BF00] =	vst v63  }
0x29: {  	s15 =	simm.s32 $0xCB80;
	s13 =	sadd.s32 $0x80, s9  }
0x2a: {  	[tilespmem:s15], [sflag:$0x3] =	stream.linear.gather [hbm4b:s13+s14], $0x80, $0x38;
	[tilespmem:$0x1BF00] =	vst v63  }
0x2b: {  	s17 =	simm.s32 $0xCC80;
	s16 =	sadd.s32 $0xC0, s9  }
0x2c: {  	[tilespmem:s17], [sflag:$0x3] =	stream.linear.gather [hbm4b:s16+s14], $0x80, $0x38;
	[tilespmem:$0x1BF00] =	vst v63  }
0x2d: {  	s19 =	simm.s32 $0xCD80;
	s18 =	sadd.s32 $0x100, s9  }
0x2e: {  	[tilespmem:s19], [sflag:$0x3] =	stream.linear.gather [hbm4b:s18+s14], $0x80, $0x38;
	[tilespmem:$0x1BF00] =	vst v63  }
0x2f: {  	s21 =	simm.s32 $0xCE80;
	s20 =	sadd.s32 $0x140, s9  }
0x30: {  	[tilespmem:s21], [sflag:$0x3] =	stream.linear.gather [hbm4b:s20+s14], $0x80, $0x38;
	[tilespmem:$0x1BF00] =	vst v63  }
0x31: {  	s29 =	simm.s32 $0xCF80;
	s22 =	sadd.s32 $0x180, s9  }
0x32: {  	[tilespmem:s29], [sflag:$0x3] =	stream.linear.gather [hbm4b:s22+s14], $0x80, $0x38;
	[tilespmem:$0x1BF00] =	vst v63  }
0x33: {  	s31 =	simm.s32 $0xD080;
	s30 =	sadd.s32 $0x1C0, s9  }
0x34: {  	[tilespmem:s31], [sflag:$0x3] =	stream.linear.gather [hbm4b:s30+s14], $0x80, $0x38;
	[tilespmem:$0x1BF00] =	vst v63  }
.LBB2_6:
0x35: {  	s0 =	simm.s32 $0x1  }
0x36: {  	_ =	swait.ge [sflag:s0], $0x6000  }
0x37: {  	[sflag:s0] =	ssyncset.done $0x0  }
0x38: {  	s1 =	simm.s32 $0x3;
	[sflag:s0] =	ssyncadd.s32 $0xFFFFA000  }
0x39: {  	s6 =	sshll.u32 s14, $0xB;
	_ =	swait.ge [sflag:s1], $0x400  }
0x3a: {  	s2 =	simm.s32 $0x2000;
	[sflag:s1] =	ssyncset.done $0x0;
	s4 =	rddreg [dreg:$0xa]  }
0x3b: {  	s3 =	simm.s32 $0x200000;
	s0 =	sor.u32 s4, s6;
	[sflag:s1] =	ssyncadd.s32 $0xFFFFFC00  }
0x3c: {  	s4 =	simm.s32 $0x6980;
	s5 =	sadd.s32 s0, s8;
	s0 =	sshll.u32 s0, $0x2  }
0x3d: {  	[tilespmem:s4], [sflag:$0x2] =	stream.strided.gather [hbm4b:s5+s2], $0x6000, s3, s2, $0x38;
	[tilespmem:$0x1BF00] =	vst v63  }
0x3e: {  	s0 =	sor.u32 s25, s0  }
0x3f: {  	s0 =	sshrl.u32 s0, $0x3  }
0x40: {  	s7 =	simm.s32 $0x0;
	s9 =	simm.s32 $0xCA00;
	s0 =	sadd.s32 s24, s0  }
0x41: {  	[tilespmem:s9], [sflag:$0x4] =	stream.linear.gather [hbm4b:s0+s7], $0x80, $0x38;
	[tilespmem:$0x1BF00] =	vst v63  }
0x42: {  	s11 =	simm.s32 $0xCB00;
	s10 =	sadd.s32 $0x40, s0  }
0x43: {  	[tilespmem:s11], [sflag:$0x4] =	stream.linear.gather [hbm4b:s10+s7], $0x80, $0x38;
	[tilespmem:$0x1BF00] =	vst v63  }
0x44: {  	s13 =	simm.s32 $0xCC00;
	s12 =	sadd.s32 $0x80, s0  }
0x45: {  	[tilespmem:s13], [sflag:$0x4] =	stream.linear.gather [hbm4b:s12+s7], $0x80, $0x38;
	[tilespmem:$0x1BF00] =	vst v63  }
0x46: {  	s16 =	simm.s32 $0xCD00;
	s15 =	sadd.s32 $0xC0, s0  }
0x47: {  	[tilespmem:s16], [sflag:$0x4] =	stream.linear.gather [hbm4b:s15+s7], $0x80, $0x38;
	[tilespmem:$0x1BF00] =	vst v63  }
0x48: {  	s18 =	simm.s32 $0xCE00;
	s17 =	sadd.s32 $0x100, s0  }
0x49: {  	[tilespmem:s18], [sflag:$0x4] =	stream.linear.gather [hbm4b:s17+s7], $0x80, $0x38;
	[tilespmem:$0x1BF00] =	vst v63  }
0x4a: {  	s20 =	simm.s32 $0xCF00;
	s19 =	sadd.s32 $0x140, s0  }
0x4b: {  	[tilespmem:s20], [sflag:$0x4] =	stream.linear.gather [hbm4b:s19+s7], $0x80, $0x38;
	[tilespmem:$0x1BF00] =	vst v63  }
0x4c: {  	s22 =	simm.s32 $0xD000;
	s21 =	sadd.s32 $0x180, s0  }
0x4d: {  	[tilespmem:s22], [sflag:$0x4] =	stream.linear.gather [hbm4b:s21+s7], $0x80, $0x38;
	[tilespmem:$0x1BF00] =	vst v63  }
0x4e: {  	s31 =	simm.s32 $0xD100;
	p1 =	seq.s32 s14, $0x0;
	s0 =	sadd.s32 $0x1C0, s0  }
0x4f: {  	[tilespmem:s31], [sflag:$0x4] =	stream.linear.gather [hbm4b:s0+s7], $0x80, $0x38;
	[tilespmem:$0x1BF00] =	vst v63  }
0x50: {  	s0 =	simm.s32 @!p1 $0x5  }
0x51: {  	_ =	swait.ge @!p1 [sflag:s0], $0x4C00  }
0x52: {  	s29 =	simm.s32 $0xD180;
	s30 =	simm.s32 $0x0;
	[sflag:s0] =	ssyncset.done @!p1 $0x0  }
0x53: {  	s11 =	simm.s32 $0x30;
	s7 =	simm.s32 $0xFFFFFFFC;
	[sflag:s0] =	ssyncadd.s32 @!p1 $0xFFFFB400  }
.LBB2_7:
0x54: {  	s31 =	sadd.s32 $0xFFFFFFD0, s11;
	s0 =	sand.u32 $0x1C00, s30  }
0x55: {  	s3 =	sand.u32 $0x40, s31;
	s20 =	sadd.s32 $0x980, s0  }
0x56: {  	s1 =	sor.u32 s3, s20  }
0x57: {  	v0 =	vld [tilespmem:s1+$0x0]  }
0x58: {  	v1 =	vld [tilespmem:s1+$0x80];
	_ =	sdelay $0x1  }
0x59: {  	v2 =	vld [tilespmem:s1+$0x100];
	_ =	sdelay $0x1  }
0x5a: {  	v3 =	vld [tilespmem:s1+$0x180];
	v0 =	vmul.f32 $1.442695020e+00, v0  }
0x5b: {  	v1 =	vmul.f32 $1.442695020e+00, v1  }
0x5c: {  	v28 =	vld [tilespmem:s1+$0x200];
	(erf) = vpow2.f32 v0  }
0x5d: {  	v29 =	vmul.f32 $1.442695020e+00, v2;
	(erf) = vpow2.f32 v1  }
0x5e: {  	v30 =	vld [tilespmem:s1+$0x280]  }
0x5f: {  	v31 =	vmul.f32 $1.442695020e+00, v3;
	(erf) = vpow2.f32 v29  }
0x60: {  	v32 =	vld [tilespmem:s1+$0x300]  }
0x61: {  	v0 =	vmul.f32 $1.442695020e+00, v28;
	(erf) = vpow2.f32 v31  }
0x62: {  	v33 =	vld [tilespmem:s1+$0x380];
	s1 =	sadd.s32 $0x2980, s0  }
0x63: {  	s5 =	sor.u32 s3, s1;
	v34 =	vmul.f32 $1.442695020e+00, v30;
	(erf) = vpow2.f32 v0  }
0x64: {  	s15 =	sadd.s32 $0x2A00, s0;
	v35 =	vld [tilespmem:s5+$0x0]  }
0x65: {  	s13 =	sor.u32 s3, s15;
	v36 =	vmul.f32 $1.442695020e+00, v32;
	(erf) = vpow2.f32 v34;
	v10 =	vpop (erf)  }
0x66: {  	s9 =	sadd.s32 $0x2A80, s0;
	v37 =	vld [tilespmem:s13+$0x0];
	v11 =	vpop (erf)  }
0x67: {  	s16 =	sor.u32 s3, s9;
	v38 =	vmul.f32 $1.442695020e+00, v33;
	(erf) = vpow2.f32 v36;
	v39 =	vadd.f32 v11, v10  }
0x68: {  	s12 =	sadd.s32 $0x2B00, s0;
	v4 =	vld [tilespmem:s16+$0x0];
	v12 =	vpop (erf)  }
0x69: {  	s17 =	sor.u32 s3, s12;
	v40 =	vmul.f32 $1.442695020e+00, v35;
	(erf) = vpow2.f32 v38;
	v1 =	vadd.f32 v12, v39  }
0x6a: {  	v41 =	vld [tilespmem:s17+$0x0];
	s16 =	sadd.s32 $0x2B80, s0;
	v13 =	vpop (erf)  }
0x6b: {  	s18 =	sor.u32 s3, s16;
	v42 =	vmul.f32 $1.442695020e+00, v37;
	(erf) = vpow2.f32 v40;
	v1 =	vadd.f32 v13, v1  }
0x6c: {  	v43 =	vld [tilespmem:s18+$0x0];
	v15 =	vpop (erf)  }
0x6d: {  	s10 =	sadd.s32 $0x2C00, s0;
	v44 =	vmul.f32 $1.442695020e+00, v4;
	(erf) = vpow2.f32 v42;
	v1 =	vadd.f32 v15, v1  }
0x6e: {  	s19 =	sor.u32 s3, s10;
	v7 =	vpop (erf)  }
0x6f: {  	v5 =	vld [tilespmem:s19+$0x0];
	s5 =	sadd.s32 $0x2C80, s0;
	v45 =	vmul.f32 $1.442695020e+00, v41;
	(erf) = vpow2.f32 v44;
	v1 =	vadd.f32 v7, v1  }
0x70: {  	s13 =	sor.u32 s3, s5;
	v4 =	vpop (erf)  }
0x71: {  	s19 =	sadd.s32 $0x2D00, s0;
	v46 =	vld [tilespmem:s13+$0x0];
	v3 =	vmul.f32 $1.442695020e+00, v43;
	(erf) = vpow2.f32 v45;
	v1 =	vadd.f32 v4, v1  }
0x72: {  	s21 =	sor.u32 s3, s19;
	v0 =	vpop (erf)  }
0x73: {  	v6 =	vld [tilespmem:s21+$0x0];
	s18 =	sadd.s32 $0x4980, s0;
	(erf) = vpow2.f32 v3;
	v1 =	vadd.f32 v0, v1  }
0x74: {  	s22 =	sor.u32 s3, s18;
	v47 =	vmul.f32 $1.442695020e+00, v5;
	v16 =	vpop (erf)  }
0x75: {  	s17 =	sadd.s32 $0x4A00, s0;
	v48 =	vld [tilespmem:s22+$0x0];
	v1 =	vadd.f32 v16, v1  }
0x76: {  	s2 =	sor.u32 s3, s17;
	v2 =	vmul.f32 $1.442695020e+00, v46;
	(erf) = vpow2.f32 v47;
	v14 =	vpop (erf)  }
0x77: {  	v49 =	vld [tilespmem:s2+$0x0];
	s13 =	sadd.s32 $0x4A80, s0;
	v1 =	vadd.f32 v14, v1  }
0x78: {  	s21 =	sor.u32 s3, s13;
	v50 =	vmul.f32 $1.442695020e+00, v6;
	(erf) = vpow2.f32 v2;
	v8 =	vpop (erf)  }
0x79: {  	v9 =	vld [tilespmem:s21+$0x0];
	v1 =	vadd.f32 v8, v1  }
0x7a: {  	v51 =	vmul.f32 $1.442695020e+00, v48;
	(erf) = vpow2.f32 v50;
	v6 =	vpop (erf)  }
0x7b: {  	v1 =	vadd.f32 v6, v1  }
0x7c: {  	v52 =	vmul.f32 $1.442695020e+00, v49;
	(erf) = vpow2.f32 v51;
	v5 =	vpop (erf)  }
0x7d: {  	v1 =	vadd.f32 v5, v1  }
0x7e: {  	v53 =	vmul.f32 $1.442695020e+00, v9;
	(erf) = vpow2.f32 v52  }
0x7f: {  	v3 =	vpop (erf)  }
0x80: {  	(erf) = vpow2.f32 v53;
	v54 =	vadd.f32 v3, v1  }
0x81: {  	s0 =	sshrl.u32 s0, $0x2;
	v1 =	vpop (erf)  }
0x82: {  	s4 =	sadd.s32 $0xFFFFFFE0, s11;
	s0 =	sadd.s32 $0xC980, s0;
	v2 =	vadd.f32 v1, v54  }
0x83: {  	s22 =	sor.u32 s3, s0;
	s3 =	sand.u32 $0x50, s4;
	v40 =	vpop (erf)  }
0x84: {  	v17 =	vld [tilespmem:s22+$0x0];
	s21 =	sor.u32 s3, s20;
	v2 =	vadd.f32 v40, v2  }
0x85: {  	v20 =	vld [tilespmem:s21+$0x0];
	v18 =	vpop (erf)  }
0x86: {  	v21 =	vld [tilespmem:s21+$0x80];
	v2 =	vadd.f32 v18, v2  }
0x87: {  	v23 =	vld [tilespmem:s21+$0x100];
	v19 =	vpop (erf)  }
0x88: {  	v25 =	vld [tilespmem:s21+$0x180];
	v2 =	vadd.f32 v19, v2  }
0x89: {  	v58 =	vld [tilespmem:s21+$0x200];
	v9 =	vpop (erf)  }
0x8a: {  	s2 =	sor.u32 s3, s1;
	v61 =	vld [tilespmem:s21+$0x280];
	v2 =	vadd.f32 v9, v2  }
0x8b: {  	s22 =	sor.u32 s3, s9;
	v37 =	vld [tilespmem:s2+$0x0]  }
0x8c: {  	v27 =	vld [tilespmem:s22+$0x0];
	(erf) = vrcp.f32 v2  }
0x8d: {  	s4 =	sor.u32 s3, s15;
	v28 =	vld [tilespmem:s21+$0x300];
	v20 =	vmul.f32 $1.442695020e+00, v20  }
0x8e: {  	v57 =	vmul.f32 $1.442695020e+00, v21;
	v60 =	vmul.f32 $1.442695020e+00, v23;
	v39 =	vld [tilespmem:s4+$0x0];
	s4 =	sor.u32 s3, s16  }
0x8f: {  	s2 =	sor.u32 s3, s12;
	v62 =	vmul.f32 $1.442695020e+00, v25;
	v29 =	vmul.f32 $1.442695020e+00, v58;
	v48 =	vld [tilespmem:s4+$0x0]  }
0x90: {  	v35 =	vmul.f32 $1.442695020e+00, v61;
	v23 =	vmul.f32 $1.442695020e+00, v37;
	v45 =	vld [tilespmem:s2+$0x0]  }
0x91: {  	s22 =	sor.u32 s3, s10;
	v49 =	vmul.f32 $1.442695020e+00, v27;
	(erf) = vpow2.f32 v20  }
0x92: {  	v38 =	vmul.f32 $1.442695020e+00, v28;
	v51 =	vld [tilespmem:s22+$0x0];
	(erf) = vpow2.f32 v57  }
0x93: {  	vm0 =	veq.s32 v17, $0x0;
	v46 =	vmul.f32 $1.442695020e+00, v39;
	(erf) = vpow2.f32 v60  }
0x94: {  	vm14 =	veq.s32 v17, $0x1;
	v54 =	vmul.f32 $1.442695020e+00, v48;
	(erf) = vpow2.f32 v62  }
0x95: {  	vm1 =	veq.s32 v17, $0x2;
	v20 =	vmul.f32 $1.442695020e+00, v45;
	(erf) = vpow2.f32 v29;
	v2 =	vpop (erf)  }
0x96: {  	vm15 =	veq.s32 v17, $0x3;
	(erf) = vpow2.f32 v35;
	v22 =	vmul.f32 $1.024000000e+03, v2  }
0x97: {  	vm4 =	veq.s32 v17, $0x4;
	v57 =	vmul.f32 $1.442695020e+00, v51;
	(erf) = vpow2.f32 v38  }
0x98: {  	vm5 =	veq.s32 v17, $0x5;
	v10 =	vmul.f32 v22, v10;
	v11 =	vmul.f32 v22, v11  }
0x99: {  	vm6 =	veq.s32 v17, $0x6;
	v12 =	vmul.f32 v22, v12;
	v13 =	vmul.f32 v22, v13  }
0x9a: {  	vm7 =	veq.s32 v17, $0x7;
	v15 =	vmul.f32 v22, v15;
	v7 =	vmul.f32 v22, v7  }
0x9b: {  	vm8 =	veq.s32 v17, $0x8;
	v4 =	vmul.f32 v22, v4;
	v0 =	vmul.f32 v22, v0  }
0x9c: {  	vm9 =	veq.s32 v17, $0x9;
	v16 =	vmul.f32 v22, v16;
	v14 =	vmul.f32 v22, v14  }
0x9d: {  	vm10 =	veq.s32 v17, $0xA;
	v8 =	vmul.f32 v22, v8;
	v6 =	vmul.f32 v22, v6  }
0x9e: {  	v5 =	vmul.f32 v22, v5;
	v3 =	vmul.f32 v22, v3;
	v10 =	vmin.f32 v10, $1.023000000e+03  }
0x9f: {  	v11 =	vmin.f32 v11, $1.023000000e+03;
	v13 =	vmin.f32 v13, $1.023000000e+03;
	v10 =	vtrunc.f32 v10  }
0xa0: {  	v33 =	vld [tilespmem:s21+$0x380];
	v34 =	vmin.f32 v15, $1.023000000e+03;
	v11 =	vtrunc.f32 v11;
	v13 =	vtrunc.f32 v13  }
0xa1: {  	v12 =	vmin.f32 v12, $1.023000000e+03;
	v15 =	vtrunc.f32 v34;
	v10 =	vcvt.f32.s32 v10  }
0xa2: {  	v7 =	vmin.f32 v7, $1.023000000e+03;
	v11 =	vcvt.f32.s32 v11;
	v15 =	vcvt.f32.s32 v15  }
0xa3: {  	v56 =	vtrunc.f32 v12;
	v32 =	vcvt.f32.s32 v13;
	v24 =	vsub.s32 $0x7FF, v10;
	v13 =	vpop (erf)  }
0xa4: {  	v59 =	vsub.s32 $0xFFF, v11;
	v11 =	vadd.s32 $0x800, v11;
	v42 =	vsub.s32 $0x27FF, v15;
	v21 =	vpop (erf)  }
0xa5: {  	v30 =	vsel vm14, v59, v11;
	v11 =	vmul.f32 $1.442695020e+00, v33;
	v41 =	vadd.f32 v21, v13  }
0xa6: {  	v26 =	vadd.s32 $0x2000, v15;
	v55 =	vsel vm0, v24, v10;
	v10 =	vcvt.f32.s32 v56;
	v15 =	vpop (erf)  }
0xa7: {  	v1 =	vmul.f32 v22, v1;
	v7 =	vtrunc.f32 v7;
	v12 =	vadd.f32 v15, v41  }
0xa8: {  	v63 =	vsub.s32 $0x17FF, v10;
	v10 =	vadd.s32 $0x1000, v10;
	(erf) = vpow2.f32 v11  }
0xa9: {  	v19 =	vmul.f32 v22, v19;
	v7 =	vcvt.f32.s32 v7;
	v31 =	vsel vm1, v63, v10;
	v11 =	vpop (erf)  }
0xaa: {  	v10 =	vadd.s32 $0x1800, v32;
	(erf) = vpow2.f32 v23;
	v47 =	vadd.f32 v11, v12  }
0xab: {  	v4 =	vmin.f32 v4, $1.023000000e+03;
	v36 =	vsub.s32 $0x1FFF, v32;
	v50 =	vsub.s32 $0x2FFF, v7;
	v12 =	vpop (erf)  }
0xac: {  	v7 =	vadd.s32 $0x2800, v7;
	(erf) = vpow2.f32 v46;
	v23 =	vadd.f32 v12, v47  }
0xad: {  	v0 =	vmin.f32 v0, $1.023000000e+03;
	v16 =	vmin.f32 v16, $1.023000000e+03;
	v43 =	vsel vm15, v36, v10;
	v10 =	vpop (erf)  }
0xae: {  	s2 =	sor.u32 s3, s5;
	v4 =	vtrunc.f32 v4;
	(erf) = vpow2.f32 v49;
	v23 =	vadd.f32 v10, v23  }
0xaf: {  	v53 =	vld [tilespmem:s2+$0x0];
	v14 =	vmin.f32 v14, $1.023000000e+03;
	v8 =	vmin.f32 v8, $1.023000000e+03;
	v52 =	vsel vm5, v50, v7;
	v7 =	vpop (erf)  }
0xb0: {  	s4 =	sor.u32 s3, s19;
	v6 =	vmin.f32 v6, $1.023000000e+03;
	(erf) = vpow2.f32 v20;
	v23 =	vadd.f32 v7, v23  }
0xb1: {  	v5 =	vmin.f32 v5, $1.023000000e+03;
	v28 =	vtrunc.f32 v0;
	v56 =	vld [tilespmem:s4+$0x0];
	[tilespmem:$0x1FEE0] =	vst v55;
	v55 =	vcvt.f32.s32 v4;
	v4 =	vpop (erf)  }
0xb2: {  	s22 =	sor.u32 s3, s18;
	v16 =	vtrunc.f32 v16;
	(erf) = vpow2.f32 v54;
	v23 =	vadd.f32 v4, v23  }
0xb3: {  	v29 =	vld [tilespmem:s22+$0x0];
	v3 =	vmin.f32 v3, $1.023000000e+03;
	v14 =	vtrunc.f32 v14;
	v8 =	vtrunc.f32 v8;
	v0 =	vpop (erf)  }
0xb4: {  	s2 =	sor.u32 s3, s17;
	v59 =	vmul.f32 $1.442695020e+00, v53;
	(erf) = vpow2.f32 v57;
	v23 =	vadd.f32 v0, v23  }
0xb5: {  	v62 =	vld [tilespmem:s2+$0x0];
	v1 =	vmin.f32 v1, $1.023000000e+03;
	v6 =	vtrunc.f32 v6;
	v5 =	vtrunc.f32 v5;
	[tilespmem:$0x1FF00] =	vst v31;
	v31 =	vpop (erf)  }
0xb6: {  	s4 =	sor.u32 s3, s13;
	v63 =	vmul.f32 $1.442695020e+00, v56;
	(erf) = vpow2.f32 v59;
	v23 =	vadd.f32 v31, v23  }
0xb7: {  	v3 =	vtrunc.f32 v3;
	v1 =	vtrunc.f32 v1;
	v44 =	vsel vm4, v42, v26;
	[tilespmem:$0x1FEF0] =	vst v30;
	v42 =	vld [tilespmem:s4+$0x0];
	v30 =	vpop (erf)  }
0xb8: {  	[tilespmem:$0x1FF10] =	vst v43;
	v43 =	vmul.f32 $1.442695020e+00, v29;
	(erf) = vpow2.f32 v63;
	v23 =	vadd.f32 v30, v23  }
0xb9: {  	vm11 =	veq.s32 v17, $0xB;
	v61 =	vcvt.f32.s32 v28;
	v16 =	vcvt.f32.s32 v16;
	v32 =	vpop (erf)  }
0xba: {  	[tilespmem:$0x1FF20] =	vst v44;
	v44 =	vmul.f32 $1.442695020e+00, v62;
	(erf) = vpow2.f32 v43;
	v23 =	vadd.f32 v32, v23  }
0xbb: {  	vm12 =	veq.s32 v17, $0xC;
	v14 =	vcvt.f32.s32 v14;
	v8 =	vcvt.f32.s32 v8;
	v39 =	vpop (erf)  }
0xbc: {  	v45 =	vmul.f32 $1.442695020e+00, v42;
	(erf) = vpow2.f32 v44;
	v23 =	vadd.f32 v39, v23  }
0xbd: {  	vm13 =	veq.s32 v17, $0xD;
	v6 =	vcvt.f32.s32 v6;
	v5 =	vcvt.f32.s32 v5;
	v34 =	vpop (erf)  }
0xbe: {  	v3 =	vcvt.f32.s32 v3;
	(erf) = vpow2.f32 v45;
	v47 =	vadd.f32 v34, v23  }
0xbf: {  	v1 =	vcvt.f32.s32 v1;
	v2 =	vsub.s32 $0x3FFF, v61;
	v51 =	vsub.s32 $0x4FFF, v14;
	v33 =	vpop (erf)  }
0xc0: {  	v14 =	vadd.s32 $0x4800, v14;
	v53 =	vsub.s32 $0x57FF, v8;
	v50 =	vadd.f32 v33, v47  }
0xc1: {  	v8 =	vadd.s32 $0x5000, v8;
	v46 =	vsub.s32 $0x47FF, v16;
	v16 =	vadd.s32 $0x4000, v16;
	v36 =	vpop (erf)  }
0xc2: {  	vm14 =	veq.s32 v17, $0xE;
	v49 =	vsel vm8, v46, v16;
	v16 =	vadd.f32 v36, v50  }
0xc3: {  	vm4 =	veq.s32 v17, $0x10;
	v58 =	vsub.s32 $0x37FF, v55;
	v24 =	vadd.s32 $0x3000, v55;
	v35 =	vpop (erf)  }
0xc4: {  	s3 =	sor.u32 s3, s0;
	vm5 =	veq.s32 v17, $0x11;
	[tilespmem:$0x1FF30] =	vst v52;
	v60 =	vsel vm6, v58, v24;
	v16 =	vadd.f32 v35, v16  }
0xc5: {  	s22 =	sadd.s32 $0xFFFFFFF0, s11;
	v52 =	vsel vm9, v51, v14;
	v14 =	vmul.f32 v22, v18;
	[tilespmem:$0x1FF40] =	vst v60;
	v60 =	vmul.f32 v22, v40;
	v40 =	vld [tilespmem:s3+$0x0];
	v37 =	vpop (erf)  }
0xc6: {  	v24 =	vadd.s32 $0x3800, v61;
	v58 =	vsub.s32 $0x67FF, v5;
	s3 =	sand.u32 $0x60, s22;
	v55 =	vadd.f32 v37, v16  }
0xc7: {  	v5 =	vadd.s32 $0x6000, v5;
	v61 =	vsub.s32 $0x6FFF, v3;
	v3 =	vadd.s32 $0x6800, v3;
	s2 =	sor.u32 s3, s20;
	v38 =	vpop (erf)  }
0xc8: {  	vm15 =	veq.s32 v17, $0xF;
	v51 =	vld [tilespmem:s2+$0x100];
	v54 =	vsel vm10, v53, v8;
	v8 =	vadd.f32 v38, v55  }
0xc9: {  	v48 =	vsel vm7, v2, v24;
	v56 =	vsub.s32 $0x5FFF, v6;
	v6 =	vadd.s32 $0x5800, v6  }
0xca: {  	v62 =	vsel vm13, v61, v3;
	vm6 =	veq.s32 v40, $0x0;
	(erf) = vrcp.f32 v8  }
0xcb: {  	vm7 =	veq.s32 v40, $0x1;
	vm8 =	veq.s32 v40, $0x2;
	vm9 =	veq.s32 v40, $0x3  }
0xcc: {  	vm10 =	veq.s32 v40, $0x4;
	vm13 =	veq.s32 v40, $0x7;
	v57 =	vsel vm11, v56, v6  }
0xcd: {  	[tilespmem:$0x1FF80] =	vst v54;
	v54 =	vld [tilespmem:s2+$0x180];
	v59 =	vsel vm12, v58, v5;
	v5 =	vmin.f32 v14, $1.023000000e+03;
	v58 =	vmul.f32 $1.442695020e+00, v51  }
0xce: {  	v63 =	vmin.f32 v60, $1.023000000e+03;
	v18 =	vtrunc.f32 v5;
	v5 =	vmin.f32 v19, $1.023000000e+03  }
0xcf: {  	[tilespmem:$0x1FF60] =	vst v49;
	v49 =	vld [tilespmem:s2+$0x80];
	vm11 =	veq.s32 v40, $0x5;
	v3 =	vtrunc.f32 v63;
	v5 =	vtrunc.f32 v5  }
0xd0: {  	s4 =	sor.u32 s3, s1;
	v63 =	vld [tilespmem:s2+$0x300];
	v3 =	vcvt.f32.s32 v3;
	v16 =	vsub.s32 $0x77FF, v1;
	v1 =	vadd.s32 $0x7000, v1  }
0xd1: {  	vm12 =	veq.s32 v40, $0x6;
	v5 =	vcvt.f32.s32 v5;
	v1 =	vsel vm14, v16, v1;
	v16 =	vld [tilespmem:s4+$0x0]  }
0xd2: {  	v6 =	vmul.f32 $1.442695020e+00, v54;
	v20 =	vsub.s32 $0x7FFF, v3;
	v3 =	vadd.s32 $0x7800, v3  }
0xd3: {  	v24 =	vsub.s32 $0x8FFF, v5;
	v5 =	vadd.s32 $0x8800, v5;
	v44 =	vmul.f32 v22, v9;
	v8 =	vpop (erf)  }
0xd4: {  	v14 =	vsel vm15, v20, v3;
	[tilespmem:$0x1FFC0] =	vst v1;
	v1 =	vcvt.f32.s32 v18;
	v43 =	vmul.f32 $1.024000000e+03, v8  }
0xd5: {  	vm15 =	veq.s32 v40, $0x9;
	v55 =	vmul.f32 $1.442695020e+00, v49;
	v18 =	vmul.f32 $1.442695020e+00, v63  }
0xd6: {  	[tilespmem:$0x1FFF0] =	vst v44;
	v23 =	vsub.s32 $0x87FF, v1;
	v44 =	vmul.f32 $1.442695020e+00, v16;
	v13 =	vmul.f32 v43, v13  }
0xd7: {  	v1 =	vadd.s32 $0x8000, v1;
	v26 =	vmul.f32 v43, v21;
	v27 =	vmul.f32 v43, v15  }
0xd8: {  	[tilespmem:$0x1FF50] =	vst v48;
	v1 =	vsel vm4, v23, v1;
	v48 =	vmul.f32 v43, v11;
	v12 =	vmul.f32 v43, v12  }
0xd9: {  	[tilespmem:$0x1FFD0] =	vst v1;
	v1 =	vsel vm5, v24, v5;
	v10 =	vmul.f32 v43, v10;
	v7 =	vmul.f32 v43, v7  }
0xda: {  	v21 =	vmul.f32 v43, v4;
	v0 =	vmul.f32 v43, v0;
	v25 =	vmin.f32 v13, $1.023000000e+03  }
0xdb: {  	v46 =	vld [tilespmem:s2+$0x0];
	v41 =	vmin.f32 v27, $1.023000000e+03;
	v8 =	vmin.f32 v48, $1.023000000e+03;
	v61 =	vmin.f32 v10, $1.023000000e+03  }
0xdc: {  	v7 =	vmin.f32 v7, $1.023000000e+03;
	v3 =	vtrunc.f32 v25;
	v5 =	vtrunc.f32 v41  }
0xdd: {  	[tilespmem:$0x1FF70] =	vst v52;
	v0 =	vmin.f32 v0, $1.023000000e+03;
	v52 =	vtrunc.f32 v8;
	v9 =	vtrunc.f32 v61  }
0xde: {  	v29 =	vmin.f32 v26, $1.023000000e+03;
	v7 =	vtrunc.f32 v7;
	v0 =	vtrunc.f32 v0  }
0xdf: {  	vm14 =	veq.s32 v40, $0x8;
	v28 =	vcvt.f32.s32 v3;
	v3 =	vtrunc.f32 v29  }
0xe0: {  	[tilespmem:$0x1FF90] =	vst v57;
	v57 =	vld [tilespmem:s2+$0x200];
	vm4 =	veq.s32 v40, $0xA;
	v45 =	vcvt.f32.s32 v5;
	v5 =	vmul.f32 $1.442695020e+00, v46  }
0xe1: {  	v53 =	vmin.f32 v12, $1.023000000e+03;
	v12 =	vcvt.f32.s32 v9;
	v19 =	vcvt.f32.s32 v7  }
0xe2: {  	v7 =	vmin.f32 v21, $1.023000000e+03;
	v0 =	vcvt.f32.s32 v0;
	v21 =	vmul.f32 v43, v30  }
0xe3: {  	vm5 =	veq.s32 v40, $0xB;
	v3 =	vcvt.f32.s32 v3;
	v7 =	vtrunc.f32 v7  }
0xe4: {  	[tilespmem:$0x1FFE0] =	vst v1;
	v42 =	vsub.s32 $0x7FF, v28;
	v50 =	vsub.s32 $0x17FF, v45;
	v1 =	vadd.s32 $0x1000, v45  }
0xe5: {  	(erf) = vpow2.f32 v5;
	v5 =	vmul.f32 $1.442695020e+00, v57;
	v15 =	vsub.s32 $0x2FFF, v12  }
0xe6: {  	v41 =	vsub.s32 $0x37FF, v19;
	v7 =	vcvt.f32.s32 v7;
	(erf) = vpow2.f32 v55  }
0xe7: {  	v60 =	vld [tilespmem:s2+$0x280];
	v63 =	vsub.s32 $0x47FF, v0;
	v0 =	vadd.s32 $0x4000, v0;
	v20 =	vsel vm6, v42, v28  }
0xe8: {  	v47 =	vsub.s32 $0xFFF, v3;
	v3 =	vadd.s32 $0x800, v3;
	(erf) = vpow2.f32 v58  }
0xe9: {  	v23 =	vsel vm8, v50, v1;
	v1 =	vcvt.f32.s32 v52;
	v55 =	vmul.f32 v43, v31  }
0xea: {  	v13 =	vld [tilespmem:s2+$0x380];
	v24 =	vsel vm7, v47, v3;
	v3 =	vtrunc.f32 v53;
	(erf) = vpow2.f32 v6  }
0xeb: {  	s22 =	sor.u32 s3, s15;
	[tilespmem:$0x1FFA0] =	vst v59;
	v31 =	vmin.f32 v21, $1.023000000e+03;
	v56 =	vsub.s32 $0x1FFF, v1;
	v59 =	vcvt.f32.s32 v3  }
0xec: {  	v22 =	vld [tilespmem:s22+$0x0];
	v1 =	vadd.s32 $0x1800, v1;
	v3 =	vmul.f32 $1.442695020e+00, v60;
	(erf) = vpow2.f32 v5  }
0xed: {  	[tilespmem:$0x1FFB0] =	vst v62;
	v25 =	vsel vm9, v56, v1;
	v62 =	vsub.s32 $0x27FF, v59;
	v1 =	vadd.s32 $0x2000, v59  }
0xee: {  	(erf) = vpow2.f32 v3;
	v26 =	vsel vm10, v62, v1;
	v1 =	vadd.s32 $0x2800, v12;
	v5 =	vpop (erf)  }
0xef: {  	s4 =	sor.u32 s3, s12;
	vm6 =	veq.s32 v40, $0xC;
	v21 =	vmul.f32 v43, v33;
	v6 =	vmul.f32 $1.442695020e+00, v13;
	v4 =	vpop (erf)  }
0xf0: {  	s2 =	sor.u32 s3, s9;
	v46 =	vld [tilespmem:s4+$0x0];
	v3 =	vadd.s32 $0x3000, v19;
	(erf) = vpow2.f32 v18;
	v29 =	vadd.f32 v4, v5  }
0xf1: {  	s4 =	sor.u32 s3, s5;
	v42 =	vld [tilespmem:s2+$0x0];
	vm8 =	veq.s32 v40, $0xE;
	v47 =	vmul.f32 $1.442695020e+00, v22;
	v27 =	vsel vm11, v15, v1;
	v1 =	vpop (erf)  }
0xf2: {  	v61 =	vld [tilespmem:s4+$0x0];
	v52 =	vsub.s32 $0x3FFF, v7;
	(erf) = vpow2.f32 v6;
	v45 =	vadd.f32 v1, v29  }
0xf3: {  	s22 =	sor.u32 s3, s16;
	v10 =	vtrunc.f32 v31;
	v31 =	vsel vm14, v63, v0;
	v28 =	vsel vm12, v41, v3;
	v3 =	vpop (erf)  }
0xf4: {  	v49 =	vld [tilespmem:s22+$0x0];
	s2 =	sor.u32 s3, s10;
	v63 =	vmul.f32 v43, v39;
	(erf) = vpow2.f32 v44;
	v8 =	vadd.f32 v3, v45  }
0xf5: {  	v7 =	vadd.s32 $0x3800, v7;
	v53 =	vld [tilespmem:s2+$0x0];
	s2 =	sor.u32 s3, s18;
	v39 =	vmul.f32 v43, v38;
	v54 =	vmul.f32 $1.442695020e+00, v46;
	v50 =	vpop (erf)  }
0xf6: {  	v22 =	vld [tilespmem:s2+$0x0];
	v51 =	vmul.f32 $1.442695020e+00, v42;
	(erf) = vpow2.f32 v47;
	v8 =	vadd.f32 v50, v8  }
0xf7: {  	s22 =	sor.u32 s3, s19;
	vm7 =	veq.s32 v40, $0xD;
	v30 =	vmul.f32 $1.442695020e+00, v61;
	v61 =	vmul.f32 v43, v32;
	v60 =	vpop (erf)  }
0xf8: {  	s21 =	sand.u32 $0x70, s11;
	vm9 =	veq.s32 v40, $0xF;
	v18 =	vld [tilespmem:s22+$0x0];
	(erf) = vpow2.f32 v51;
	v8 =	vadd.f32 v60, v8  }
0xf9: {  	s20 =	sor.u32 s21, s20;
	v62 =	vmul.f32 $1.442695020e+00, v49;
	v9 =	vmin.f32 v61, $1.023000000e+03;
	vm10 =	veq.s32 v40, $0x10;
	v59 =	vpop (erf)  }
0xfa: {  	v61 =	vld [tilespmem:s20+$0x0];
	v19 =	vmul.f32 $1.442695020e+00, v53;
	(erf) = vpow2.f32 v54;
	v8 =	vadd.f32 v59, v8  }
0xfb: {  	s4 =	sor.u32 s3, s17;
	v9 =	vtrunc.f32 v9;
	v15 =	vmin.f32 v63, $1.023000000e+03;
	v46 =	vmul.f32 $1.442695020e+00, v22;
	v57 =	vpop (erf)  }
0xfc: {  	v41 =	vld [tilespmem:s4+$0x0];
	v13 =	vcvt.f32.s32 v9;
	(erf) = vpow2.f32 v62;
	v8 =	vadd.f32 v57, v8  }
0xfd: {  	v42 =	vmul.f32 $1.442695020e+00, v18;
	v29 =	vsel vm13, v52, v7;
	v7 =	vmin.f32 v55, $1.023000000e+03;
	v55 =	vpop (erf)  }
0xfe: {  	v18 =	vmul.f32 v43, v34;
	(erf) = vpow2.f32 v19;
	v8 =	vadd.f32 v55, v8  }
0xff: {  	v16 =	vsub.s32 $0x5FFF, v13;
	v11 =	vmul.f32 $1.442695020e+00, v61;
	v47 =	vcvt.f32.s32 v10;
	v51 =	vpop (erf)  }
0x100: {  	s22 =	sor.u32 s3, s13;
	v7 =	vtrunc.f32 v7;
	(erf) = vpow2.f32 v30;
	v8 =	vadd.f32 v51, v8  }
0x101: {  	v9 =	vmin.f32 v18, $1.023000000e+03;
	v54 =	vmul.f32 $1.442695020e+00, v41;
	v7 =	vcvt.f32.s32 v7;
	v45 =	vld [tilespmem:s22+$0x0];
	v53 =	vpop (erf)  }
0x102: {  	v58 =	vsub.s32 $0x57FF, v47;
	(erf) = vpow2.f32 v42;
	v8 =	vadd.f32 v53, v8  }
0x103: {  	v0 =	vadd.s32 $0x5000, v47;
	v9 =	vtrunc.f32 v9;
	v44 =	vsub.s32 $0x4FFF, v7;
	v52 =	vpop (erf)  }
0x104: {  	v7 =	vadd.s32 $0x4800, v7;
	(erf) = vpow2.f32 v46;
	v56 =	vadd.f32 v52, v8  }
0x105: {  	v32 =	vsel vm4, v58, v0;
	v0 =	vadd.s32 $0x5800, v13;
	v30 =	vsel vm15, v44, v7;
	v49 =	vpop (erf)  }
0x106: {  	v62 =	vmul.f32 $1.442695020e+00, v45;
	(erf) = vpow2.f32 v54;
	v7 =	vadd.f32 v49, v56  }
0x107: {  	v22 =	vcvt.f32.s32 v9;
	v58 =	vmul.f32 v43, v35;
	v46 =	vmin.f32 v21, $1.023000000e+03;
	v48 =	vpop (erf)  }
0x108: {  	v21 =	vmul.f32 v43, v37;
	(erf) = vpow2.f32 v62;
	v12 =	vadd.f32 v48, v7  }
0x109: {  	v34 =	vsel vm5, v16, v0;
	v0 =	vadd.s32 $0x6800, v22;
	v10 =	vmin.f32 v58, $1.023000000e+03;
	v47 =	vpop (erf)  }
0x10a: {  	v16 =	vtrunc.f32 v10;
	v10 =	vmin.f32 v21, $1.023000000e+03;
	v6 =	vadd.f32 v47, v12  }
0x10b: {  	v54 =	vsub.s32 $0x6FFF, v22;
	v10 =	vtrunc.f32 v10;
	v45 =	vpop (erf);
	v56 =	vmul.f32 v43, v36  }
0x10c: {  	v22 =	vld [tilespmem:s20+$0x180];
	v10 =	vcvt.f32.s32 v10;
	v7 =	vtrunc.f32 v15;
	v6 =	vadd.f32 v45, v6  }
0x10d: {  	v44 =	vpop (erf);
	v36 =	vsel vm7, v54, v0;
	v9 =	vmin.f32 v56, $1.023000000e+03;
	v7 =	vcvt.f32.s32 v7  }
0x10e: {  	v63 =	vld [tilespmem:s20+$0x80];
	v0 =	vcvt.f32.s32 v16;
	v9 =	vtrunc.f32 v9;
	v6 =	vadd.f32 v44, v6  }
0x10f: {  	v42 =	vpop (erf);
	v43 =	vld [tilespmem:s20+$0x200];
	v9 =	vcvt.f32.s32 v9;
	v19 =	vsub.s32 $0x67FF, v7;
	v7 =	vadd.s32 $0x6000, v7  }
0x110: {  	v33 =	vsel vm6, v19, v7;
	v7 =	vtrunc.f32 v46;
	v19 =	vld [tilespmem:s20+$0x100];
	v6 =	vadd.f32 v42, v6  }
0x111: {  	vm12 =	veq.s32 v40, $0x12;
	v13 =	vld [tilespmem:s20+$0x380];
	v41 =	vpop (erf);
	v12 =	vmul.f32 $1.442695020e+00, v22;
	v7 =	vcvt.f32.s32 v7  }
0x112: {  	s2 =	sor.u32 s21, s15;
	v54 =	vld [tilespmem:s20+$0x280];
	v18 =	vsub.s32 $0x7FFF, v9;
	v9 =	vadd.s32 $0x7800, v9;
	v6 =	vadd.f32 v41, v6  }
0x113: {  	s4 =	sor.u32 s21, s12;
	v37 =	vsel vm9, v18, v9;
	v18 =	vld [tilespmem:s2+$0x0];
	v62 =	vsub.s32 $0x77FF, v7;
	v7 =	vadd.s32 $0x7000, v7  }
0x114: {  	s1 =	sor.u32 s21, s1;
	v21 =	vld [tilespmem:s4+$0x0];
	v35 =	vsel vm8, v62, v7;
	v62 =	vmul.f32 $1.442695020e+00, v43;
	(erf) = vrcp.f32 v6  }
0x115: {  	v15 =	vld [tilespmem:s1+$0x0];
	v7 =	vmin.f32 v39, $1.023000000e+03;
	v8 =	vmul.f32 $1.442695020e+00, v19;
	v6 =	vmul.f32 $1.442695020e+00, v63  }
0x116: {  	s3 =	sor.u32 s3, s0;
	vm11 =	veq.s32 v40, $0x11;
	v7 =	vtrunc.f32 v7;
	v63 =	vld [tilespmem:s20+$0x300];
	(erf) = vpow2.f32 v11  }
0x117: {  	v46 =	vsub.s32 $0x87FF, v0;
	(erf) = vpow2.f32 v6;
	v6 =	vmul.f32 $1.442695020e+00, v54;
	v54 =	vld [tilespmem:s3+$0x0];
	s3 =	sor.u32 s21, s9;
	s9 =	sor.u32 s21, s16  }
0x118: {  	v0 =	vadd.s32 $0x8000, v0;
	v7 =	vcvt.f32.s32 v7;
	v22 =	vmul.f32 $1.442695020e+00, v18;
	v56 =	vld [tilespmem:s9+$0x0]  }
0x119: {  	v38 =	vsel vm10, v46, v0;
	v11 =	vmul.f32 $1.442695020e+00, v21;
	(erf) = vpow2.f32 v8  }
0x11a: {  	s12 =	sor.u32 s21, s10;
	v16 =	vsub.s32 $0x97FF, v7;
	v8 =	vmul.f32 $1.442695020e+00, v13;
	v19 =	vld [tilespmem:s3+$0x0];
	(erf) = vpow2.f32 v12  }
0x11b: {  	v12 =	vsub.s32 $0x8FFF, v10;
	(erf) = vpow2.f32 v62;
	v0 =	vmul.f32 $1.442695020e+00, v63;
	v62 =	vld [tilespmem:s12+$0x0]  }
0x11c: {  	v10 =	vadd.s32 $0x8800, v10;
	(erf) = vpow2.f32 v6;
	v6 =	vmul.f32 $1.442695020e+00, v15  }
0x11d: {  	v39 =	vsel vm11, v12, v10;
	v12 =	vmul.f32 $1.442695020e+00, v56;
	v61 =	vpop (erf);
	(erf) = vpow2.f32 v0  }
0x11e: {  	v7 =	vadd.s32 $0x9000, v7;
	v58 =	vmul.f32 $1.024000000e+03, v61;
	(erf) = vpow2.f32 v8  }
0x11f: {  	v40 =	vsel vm12, v16, v7;
	v0 =	vmul.f32 $1.442695020e+00, v19;
	(erf) = vpow2.f32 v6  }
0x120: {  	vm13 =	veq.s32 v54, $0x0;
	v6 =	vmul.f32 $1.442695020e+00, v62;
	v5 =	vmul.f32 v58, v5  }
0x121: {  	vm14 =	veq.s32 v54, $0x1;
	v4 =	vmul.f32 v58, v4;
	v1 =	vmul.f32 v58, v1  }
0x122: {  	vm15 =	veq.s32 v54, $0x2;
	(erf) = vpow2.f32 v22;
	v3 =	vmul.f32 v58, v3  }
0x123: {  	v18 =	vpop (erf);
	(erf) = vpow2.f32 v0;
	v5 =	vmin.f32 v5, $1.023000000e+03;
	v4 =	vmin.f32 v4, $1.023000000e+03  }
0x124: {  	v19 =	vpop (erf);
	v1 =	vmin.f32 v1, $1.023000000e+03;
	(erf) = vpow2.f32 v11;
	v5 =	vtrunc.f32 v5  }
0x125: {  	v16 =	vadd.f32 v19, v18;
	v4 =	vtrunc.f32 v4;
	v1 =	vtrunc.f32 v1  }
0x126: {  	s15 =	sor.u32 s21, s5;
	v21 =	vpop (erf);
	v56 =	vmin.f32 v3, $1.023000000e+03;
	v5 =	vcvt.f32.s32 v5;
	v4 =	vcvt.f32.s32 v4  }
0x127: {  	v15 =	vld [tilespmem:s15+$0x0];
	v62 =	vadd.f32 v21, v16;
	v9 =	vtrunc.f32 v56;
	v63 =	vcvt.f32.s32 v1  }
0x128: {  	v46 =	vsub.s32 $0x7FF, v5;
	v61 =	vsub.s32 $0xFFF, v4;
	v4 =	vadd.s32 $0x800, v4  }
0x129: {  	s16 =	sor.u32 s21, s19;
	v13 =	vsub.s32 $0x17FF, v63;
	v8 =	vadd.s32 $0x1000, v63;
	v63 =	vcvt.f32.s32 v9  }
0x12a: {  	v2 =	vld [tilespmem:s16+$0x0];
	vm4 =	veq.s32 v54, $0x3;
	(erf) = vpow2.f32 v12;
	v43 =	vsel vm13, v46, v5;
	v5 =	vpop (erf)  }
0x12b: {  	(erf) = vpow2.f32 v6;
	v6 =	vadd.s32 $0x1800, v63;
	v1 =	vadd.f32 v5, v62  }
0x12c: {  	v7 =	vmul.f32 $1.442695020e+00, v15;
	v46 =	vsel vm14, v61, v4;
	v61 =	vmul.f32 v58, v50;
	v4 =	vpop (erf)  }
0x12d: {  	v50 =	vsel vm15, v13, v8;
	v16 =	vsub.s32 $0x1FFF, v63;
	v8 =	vadd.f32 v4, v1  }
0x12e: {  	v22 =	vmul.f32 v58, v60;
	v56 =	vsel vm4, v16, v6;
	v6 =	vpop (erf)  }
0x12f: {  	v9 =	vmul.f32 $1.442695020e+00, v2;
	v0 =	vmin.f32 v61, $1.023000000e+03;
	v8 =	vadd.f32 v6, v8  }
0x130: {  	(erf) = vpow2.f32 v7;
	v62 =	vmin.f32 v22, $1.023000000e+03;
	v10 =	vtrunc.f32 v0  }
0x131: {  	v13 =	vtrunc.f32 v62;
	v10 =	vcvt.f32.s32 v10;
	v7 =	vpop (erf)  }
0x132: {  	vm5 =	veq.s32 v54, $0x4;
	v1 =	vcvt.f32.s32 v13;
	v0 =	vadd.f32 v7, v8  }
0x133: {  	s19 =	sor.u32 s21, s18;
	v63 =	vmul.f32 v58, v59;
	v60 =	vsub.s32 $0x27FF, v10;
	v10 =	vadd.s32 $0x2000, v10;
	v8 =	vpop (erf)  }
0x134: {  	s20 =	sor.u32 s21, s17;
	v61 =	vld [tilespmem:s19+$0x0];
	v59 =	vsel vm5, v60, v10;
	v10 =	vadd.s32 $0x2800, v1;
	v3 =	vadd.f32 v8, v0  }
0x135: {  	vm6 =	veq.s32 v54, $0x5;
	v22 =	vld [tilespmem:s20+$0x0];
	v2 =	vmin.f32 v63, $1.023000000e+03;
	(erf) = vpow2.f32 v9;
	v9 =	vpop (erf)  }
0x136: {  	v15 =	vtrunc.f32 v2;
	v0 =	vsub.s32 $0x2FFF, v1;
	v11 =	vadd.f32 v9, v3  }
0x137: {  	vm7 =	veq.s32 v54, $0x6;
	v15 =	vcvt.f32.s32 v15;
	v62 =	vsel vm6, v0, v10;
	v10 =	vpop (erf)  }
0x138: {  	vm8 =	veq.s32 v54, $0x7;
	v55 =	vmul.f32 v58, v55;
	v11 =	vadd.f32 v10, v11  }
0x139: {  	s22 =	sor.u32 s21, s13;
	v53 =	vmul.f32 v58, v53;
	v12 =	vmul.f32 $1.442695020e+00, v61;
	v2 =	vsub.s32 $0x37FF, v15;
	v63 =	vpop (erf)  }
0x13a: {  	v15 =	vadd.s32 $0x3000, v15;
	v13 =	vmul.f32 $1.442695020e+00, v22;
	v3 =	vld [tilespmem:s22+$0x0];
	v11 =	vadd.f32 v63, v11  }
0x13b: {  	v60 =	vmin.f32 v55, $1.023000000e+03;
	v22 =	vsel vm7, v2, v15;
	v1 =	vmul.f32 v58, v57;
	v61 =	vpop (erf)  }
0x13c: {  	v2 =	vmul.f32 v58, v51;
	(erf) = vpow2.f32 v12;
	v11 =	vadd.f32 v61, v11  }
0x13d: {  	(erf) = vpow2.f32 v13;
	v13 =	vtrunc.f32 v60;
	v12 =	vmin.f32 v1, $1.023000000e+03;
	v57 =	vpop (erf)  }
0x13e: {  	v13 =	vcvt.f32.s32 v13;
	v12 =	vtrunc.f32 v12;
	v11 =	vadd.f32 v57, v11  }
0x13f: {  	vm9 =	veq.s32 v54, $0x8;
	v12 =	vcvt.f32.s32 v12;
	v60 =	vpop (erf);
	v0 =	vmul.f32 $1.442695020e+00, v3  }
0x140: {  	v3 =	vsub.s32 $0x47FF, v13;
	v13 =	vadd.s32 $0x4000, v13;
	v11 =	vadd.f32 v60, v11  }
0x141: {  	v1 =	vsub.s32 $0x3FFF, v12;
	v55 =	vpop (erf);
	v15 =	vsel vm9, v3, v13;
	v13 =	vmin.f32 v53, $1.023000000e+03  }
0x142: {  	v12 =	vadd.s32 $0x3800, v12;
	v51 =	vtrunc.f32 v13;
	v11 =	vadd.f32 v55, v11  }
0x143: {  	v16 =	vsel vm8, v1, v12;
	v12 =	vmin.f32 v2, $1.023000000e+03;
	v53 =	vpop (erf);
	v51 =	vcvt.f32.s32 v51  }
0x144: {  	v12 =	vtrunc.f32 v12;
	v11 =	vadd.f32 v53, v11  }
0x145: {  	(erf) = vpow2.f32 v0;
	v0 =	vmul.f32 v58, v52;
	v52 =	vpop (erf)  }
0x146: {  	vm10 =	veq.s32 v54, $0x9;
	v12 =	vcvt.f32.s32 v12;
	v11 =	vadd.f32 v52, v11  }
0x147: {  	vm11 =	veq.s32 v54, $0xA;
	v2 =	vsub.s32 $0x57FF, v51;
	v1 =	vadd.s32 $0x5000, v51;
	v51 =	vpop (erf)  }
0x148: {  	v13 =	vsub.s32 $0x4FFF, v12;
	v12 =	vadd.s32 $0x4800, v12;
	v3 =	vadd.f32 v51, v11;
	v11 =	vld [tilespmem:$0x1FEE0]  }
0x149: {  	v12 =	vsel vm10, v13, v12;
	v13 =	vsel vm11, v2, v1;
	v1 =	vld [tilespmem:$0x1FEF0];
	_ =	sdelay $0x2  }
0x14a: {  	v49 =	vmul.f32 v58, v49  }
0x14b: {  	s31 =	sand.u32 $0x3C0, s31;
	[tilespmem:s29+$0x0] =	vst v11  }
0x14c: {  	[tilespmem:s31+$0xD580] =	vst v1;
	v1 =	vmin.f32 v49, $1.023000000e+03;
	v49 =	vld [tilespmem:$0x1FF00];
	_ =	sdelay $0x4  }
0x14d: {  	v0 =	vmin.f32 v0, $1.023000000e+03;
	[tilespmem:s31+$0xD980] =	vst v49;
	v49 =	vmul.f32 v58, v48;
	v48 =	vld [tilespmem:$0x1FF10]  }
0x14e: {  	v0 =	vtrunc.f32 v0  }
0x14f: {  	v0 =	vcvt.f32.s32 v0;
	v11 =	vpop (erf)  }
0x150: {  	vm12 =	veq.s32 v54, $0xB;
	v2 =	vadd.f32 v11, v3  }
0x151: {  	v3 =	vsub.s32 $0x5FFF, v0;
	v0 =	vadd.s32 $0x5800, v0;
	v1 =	vtrunc.f32 v1  }
0x152: {  	[tilespmem:s31+$0xDD80] =	vst v48;
	v48 =	vsel vm12, v3, v0;
	v0 =	vcvt.f32.s32 v1;
	v1 =	vld [tilespmem:$0x1FF20];
	_ =	sdelay $0x3  }
0x153: {  	v49 =	vmin.f32 v49, $1.023000000e+03  }
0x154: {  	(erf) = vrcp.f32 v2;
	[tilespmem:s31+$0xE180] =	vst v1;
	v1 =	vtrunc.f32 v49;
	v49 =	vld [tilespmem:$0x1FF40]  }
0x155: {  	[tilespmem:s29+$0x1420] =	vst v62;
	v62 =	vld [tilespmem:$0x1FFF0];
	_ =	sdelay $0x2  }
0x156: {  	[tilespmem:s29+$0x1010] =	vst v26;
	v2 =	vmul.f32 v58, v47;
	v47 =	vld [tilespmem:$0x1FF30]  }
0x157: {  	[tilespmem:s31+$0xE980] =	vst v49;
	v49 =	vld [tilespmem:$0x1FF50]  }
0x158: {  	[tilespmem:s29+$0x2020] =	vst v15;
	v15 =	vmin.f32 v62, $1.023000000e+03  }
0x159: {  	[tilespmem:s29+$0x3010] =	vst v33;
	v42 =	vmul.f32 v58, v42;
	v26 =	vtrunc.f32 v15  }
0x15a: {  	v41 =	vmul.f32 v58, v41;
	vm13 =	veq.s32 v54, $0xC;
	v33 =	vcvt.f32.s32 v26;
	[tilespmem:s31+$0x10D80] =	vst v14  }
0x15b: {  	[tilespmem:s31+$0xE580] =	vst v47;
	v47 =	vmul.f32 v58, v45;
	v14 =	vpop (erf);
	v3 =	vsub.s32 $0x67FF, v0;
	v0 =	vadd.s32 $0x6000, v0  }
0x15c: {  	v2 =	vmin.f32 v2, $1.023000000e+03;
	v14 =	vmul.f32 $1.024000000e+03, v14;
	v45 =	vsel vm13, v3, v0;
	[tilespmem:s31+$0xED80] =	vst v49;
	v49 =	vld [tilespmem:$0x1FF60]  }
0x15d: {  	v0 =	vtrunc.f32 v2;
	v2 =	vmin.f32 v47, $1.023000000e+03;
	v47 =	vmul.f32 v58, v44  }
0x15e: {  	v0 =	vcvt.f32.s32 v0;
	v2 =	vtrunc.f32 v2  }
0x15f: {  	[tilespmem:s29+$0x2810] =	vst v32;
	v18 =	vmul.f32 v14, v18;
	v19 =	vmul.f32 v14, v19  }
0x160: {  	[tilespmem:s29+$0x2410] =	vst v30;
	v21 =	vmul.f32 v14, v21;
	v5 =	vmul.f32 v14, v5  }
0x161: {  	v4 =	vmul.f32 v14, v4;
	v6 =	vmul.f32 v14, v6;
	[tilespmem:s31+$0xF180] =	vst v49;
	v49 =	vld [tilespmem:$0x1FF70]  }
0x162: {  	[tilespmem:s29+$0x4010] =	vst v38;
	v7 =	vmul.f32 v14, v7;
	v8 =	vmul.f32 v14, v8  }
0x163: {  	[tilespmem:s29+$0x20] =	vst v43;
	v9 =	vmul.f32 v14, v9;
	v10 =	vmul.f32 v14, v10  }
0x164: {  	[tilespmem:s29+$0x1020] =	vst v59;
	v59 =	vmul.f32 v14, v63;
	v30 =	vmul.f32 v14, v57  }
0x165: {  	vm14 =	veq.s32 v54, $0xD;
	[tilespmem:s29+$0x820] =	vst v50;
	v32 =	vmul.f32 v14, v60;
	v38 =	vmul.f32 v14, v55  }
0x166: {  	vm15 =	veq.s32 v54, $0xE;
	v43 =	vmul.f32 v14, v53;
	v50 =	vmul.f32 v14, v51;
	[tilespmem:s31+$0xF580] =	vst v49;
	v49 =	vld [tilespmem:$0x1FF80]  }
0x167: {  	vm4 =	veq.s32 v54, $0xF;
	v11 =	vmul.f32 v14, v11;
	v1 =	vcvt.f32.s32 v1  }
0x168: {  	v18 =	vmin.f32 v18, $1.023000000e+03;
	v19 =	vmin.f32 v19, $1.023000000e+03;
	v21 =	vmin.f32 v21, $1.023000000e+03  }
0x169: {  	v5 =	vmin.f32 v5, $1.023000000e+03;
	v4 =	vmin.f32 v4, $1.023000000e+03;
	v6 =	vmin.f32 v6, $1.023000000e+03  }
0x16a: {  	v7 =	vmin.f32 v7, $1.023000000e+03;
	v8 =	vmin.f32 v8, $1.023000000e+03;
	v18 =	vtrunc.f32 v18  }
0x16b: {  	v9 =	vmin.f32 v9, $1.023000000e+03;
	v19 =	vtrunc.f32 v19;
	v21 =	vtrunc.f32 v21;
	[tilespmem:s31+$0xF980] =	vst v49;
	v49 =	vld [tilespmem:$0x1FF90]  }
0x16c: {  	[tilespmem:s29+$0x10] =	vst v20;
	v10 =	vmin.f32 v10, $1.023000000e+03;
	v5 =	vtrunc.f32 v5;
	v4 =	vtrunc.f32 v4  }
0x16d: {  	[tilespmem:s29+$0x1C20] =	vst v16;
	v16 =	vmin.f32 v59, $1.023000000e+03;
	v6 =	vtrunc.f32 v6;
	v7 =	vtrunc.f32 v7  }
0x16e: {  	[tilespmem:s29+$0x2C10] =	vst v34;
	v34 =	vmin.f32 v30, $1.023000000e+03;
	v8 =	vtrunc.f32 v8;
	v9 =	vtrunc.f32 v9  }
0x16f: {  	[tilespmem:s29+$0x2420] =	vst v12;
	v55 =	vmin.f32 v11, $1.023000000e+03;
	v10 =	vtrunc.f32 v10;
	v16 =	vtrunc.f32 v16  }
0x170: {  	vm5 =	veq.s32 v54, $0x10;
	v12 =	vtrunc.f32 v34;
	v57 =	vtrunc.f32 v55;
	[tilespmem:s31+$0xFD80] =	vst v49;
	v49 =	vld [tilespmem:$0x1FFA0]  }
0x171: {  	[tilespmem:s29+$0x810] =	vst v23;
	vm7 =	veq.s32 v54, $0x12;
	v18 =	vcvt.f32.s32 v18;
	v19 =	vcvt.f32.s32 v19  }
0x172: {  	[tilespmem:s29+$0x410] =	vst v24;
	vm6 =	veq.s32 v54, $0x11;
	v21 =	vcvt.f32.s32 v21;
	v5 =	vcvt.f32.s32 v5  }
0x173: {  	[tilespmem:s29+$0x420] =	vst v46;
	v46 =	vmin.f32 v43, $1.023000000e+03;
	v4 =	vcvt.f32.s32 v4;
	v6 =	vcvt.f32.s32 v6  }
0x174: {  	[tilespmem:s29+$0x2010] =	vst v31;
	v53 =	vmin.f32 v50, $1.023000000e+03;
	v7 =	vcvt.f32.s32 v7;
	v8 =	vcvt.f32.s32 v8  }
0x175: {  	v3 =	vsub.s32 $0x6FFF, v1;
	v9 =	vcvt.f32.s32 v9;
	v10 =	vcvt.f32.s32 v10;
	[tilespmem:s31+$0x10180] =	vst v49;
	v49 =	vld [tilespmem:$0x1FFB0]  }
0x176: {  	[tilespmem:s29+$0xC10] =	vst v25;
	v1 =	vadd.s32 $0x6800, v1;
	v16 =	vcvt.f32.s32 v16;
	v12 =	vcvt.f32.s32 v12  }
0x177: {  	[tilespmem:s29+$0x1810] =	vst v28;
	v44 =	vsel vm14, v3, v1;
	v1 =	vcvt.f32.s32 v2;
	v3 =	vmin.f32 v47, $1.023000000e+03  }
0x178: {  	[tilespmem:s29+$0x1410] =	vst v27;
	v2 =	vsub.s32 $0x77FF, v0;
	v0 =	vadd.s32 $0x7000, v0;
	v3 =	vtrunc.f32 v3  }
0x179: {  	[tilespmem:s29+$0x1C10] =	vst v29;
	v28 =	vsub.s32 $0x7FF, v18;
	v31 =	vsub.s32 $0xFFF, v19;
	v19 =	vadd.s32 $0x800, v19  }
0x17a: {  	v54 =	vsub.s32 $0x2FFF, v6;
	v47 =	vsub.s32 $0x7FFF, v1;
	[tilespmem:s31+$0x10580] =	vst v49;
	v49 =	vadd.s32 $0x7800, v1;
	v1 =	vld [tilespmem:$0x1FFC0]  }
0x17b: {  	[tilespmem:s29+$0xC20] =	vst v56;
	v6 =	vadd.s32 $0x2800, v6;
	v56 =	vsub.s32 $0x37FF, v7;
	v47 =	vsel vm4, v47, v49;
	v49 =	vld [tilespmem:$0x1FFD0]  }
0x17c: {  	[tilespmem:s29+$0x3410] =	vst v36;
	v7 =	vadd.s32 $0x3000, v7;
	v63 =	vsub.s32 $0x47FF, v9;
	v9 =	vadd.s32 $0x4000, v9  }
0x17d: {  	[tilespmem:s29+$0x3C10] =	vst v37;
	v24 =	vsub.s32 $0x4FFF, v10;
	v10 =	vadd.s32 $0x4800, v10;
	v3 =	vcvt.f32.s32 v3  }
0x17e: {  	[tilespmem:s29+$0x4410] =	vst v39;
	v27 =	vsub.s32 $0x57FF, v16;
	v29 =	vadd.s32 $0x5000, v16;
	v39 =	vsub.s32 $0x67FF, v12  }
0x17f: {  	v12 =	vadd.s32 $0x6000, v12;
	[tilespmem:s31+$0x10980] =	vst v1;
	v1 =	vsel vm15, v2, v0;
	v0 =	vsub.s32 $0x87FF, v3  }
0x180: {  	s0 =	sor.u32 s21, s0;
	v2 =	vmin.f32 v42, $1.023000000e+03;
	v3 =	vadd.s32 $0x8000, v3;
	v42 =	vmin.f32 v41, $1.023000000e+03;
	[tilespmem:s31+$0x11180] =	vst v49;
	v49 =	vld [tilespmem:$0x1FFE0]  }
0x181: {  	[tilespmem:s29+$0x3810] =	vst v35;
	v58 =	vtrunc.f32 v2;
	v2 =	vsel vm5, v0, v3;
	v3 =	vtrunc.f32 v42;
	v0 =	vld [tilespmem:s0+$0x0]  }
0x182: {  	[tilespmem:s29+$0x3C20] =	vst v47;
	v47 =	vmul.f32 v14, v52;
	v41 =	vsub.s32 $0x17FF, v21;
	v3 =	vcvt.f32.s32 v3  }
0x183: {  	[tilespmem:s29+$0x4810] =	vst v40;
	v21 =	vadd.s32 $0x1000, v21;
	v42 =	vsub.s32 $0x1FFF, v5;
	v5 =	vadd.s32 $0x1800, v5  }
0x184: {  	[tilespmem:s29+$0x1820] =	vst v22;
	v58 =	vcvt.f32.s32 v58;
	v25 =	vsub.s32 $0x97FF, v3;
	v3 =	vadd.s32 $0x9000, v3  }
0x185: {  	[tilespmem:s29+$0x4020] =	vst v2;
	v2 =	vadd.s32 $0x9000, v33;
	v3 =	vsel vm7, v25, v3;
	v25 =	vmul.f32 v14, v61  }
0x186: {  	[tilespmem:s31+$0x11580] =	vst v49;
	v49 =	vsub.s32 $0x8FFF, v58;
	v58 =	vadd.s32 $0x8800, v58;
	vm8 =	veq.s32 v0, $0x0  }
0x187: {  	[tilespmem:s29+$0x2820] =	vst v13;
	vm9 =	veq.s32 v0, $0x1;
	vm10 =	veq.s32 v0, $0x2;
	vm11 =	veq.s32 v0, $0x3  }
0x188: {  	[tilespmem:s29+$0x2C20] =	vst v48;
	vm12 =	veq.s32 v0, $0x4;
	vm13 =	veq.s32 v0, $0x5;
	vm14 =	veq.s32 v0, $0x6  }
0x189: {  	[tilespmem:s29+$0x3020] =	vst v45;
	vm15 =	veq.s32 v0, $0x7;
	vm4 =	veq.s32 v0, $0x8;
	vm5 =	veq.s32 v0, $0x9  }
0x18a: {  	[tilespmem:s29+$0x3420] =	vst v44;
	vm7 =	veq.s32 v0, $0xB;
	v20 =	vsel vm6, v49, v58;
	v18 =	vsel vm8, v28, v18  }
0x18b: {  	[tilespmem:s29+$0x3820] =	vst v1;
	v19 =	vsel vm9, v31, v19;
	v21 =	vsel vm10, v41, v21;
	v49 =	vsub.s32 $0x27FF, v4  }
0x18c: {  	[tilespmem:s29+$0x4820] =	vst v3;
	v4 =	vadd.s32 $0x2000, v4;
	v5 =	vsel vm11, v42, v5;
	v6 =	vsel vm13, v54, v6  }
0x18d: {  	v7 =	vsel vm14, v56, v7;
	v58 =	vsub.s32 $0x3FFF, v8;
	v8 =	vadd.s32 $0x3800, v8;
	[tilespmem:s29+$0x4420] =	vst v20  }
0x18e: {  	v9 =	vsel vm4, v63, v9;
	v10 =	vsel vm5, v24, v10;
	vm6 =	veq.s32 v0, $0xA;
	[tilespmem:s29+$0x30] =	vst v18  }
0x18f: {  	v28 =	vmin.f32 v25, $1.023000000e+03;
	vm8 =	veq.s32 v0, $0xC;
	vm9 =	veq.s32 v0, $0xD;
	[tilespmem:s29+$0x430] =	vst v19  }
0x190: {  	vm10 =	veq.s32 v0, $0xE;
	vm11 =	veq.s32 v0, $0xF;
	vm13 =	veq.s32 v0, $0x11;
	[tilespmem:s29+$0x830] =	vst v21  }
0x191: {  	vm14 =	veq.s32 v0, $0x12;
	v63 =	vsub.s32 $0x97FF, v33;
	v4 =	vsel vm12, v49, v4;
	[tilespmem:s29+$0xC30] =	vst v5  }
0x192: {  	v8 =	vsel vm15, v58, v8;
	v15 =	vtrunc.f32 v28;
	v1 =	vsel vm6, v27, v29;
	[tilespmem:s29+$0x1430] =	vst v6  }
0x193: {  	v44 =	vsel vm8, v39, v12;
	[tilespmem:s29+$0x1830] =	vst v7;
	v6 =	vtrunc.f32 v46;
	v49 =	vmin.f32 v47, $1.023000000e+03  }
0x194: {  	[tilespmem:s29+$0x2030] =	vst v9;
	vm12 =	veq.s32 v0, $0x10;
	v58 =	vcvt.f32.s32 v57;
	vm15 =	veq.s32 v17, $0x12  }
0x195: {  	[tilespmem:s29+$0x2430] =	vst v10;
	v31 =	vcvt.f32.s32 v15;
	v15 =	vmin.f32 v32, $1.023000000e+03;
	v6 =	vcvt.f32.s32 v6  }
0x196: {  	[tilespmem:s29+$0x1C30] =	vst v8;
	v8 =	vtrunc.f32 v49;
	v37 =	vtrunc.f32 v15;
	v15 =	vmin.f32 v38, $1.023000000e+03  }
0x197: {  	[tilespmem:s29+$0x1030] =	vst v4;
	v8 =	vcvt.f32.s32 v8;
	v60 =	vsub.s32 $0x97FF, v58;
	v61 =	vadd.s32 $0x9000, v58  }
0x198: {  	[tilespmem:s29+$0x2830] =	vst v1;
	v35 =	vsub.s32 $0x5FFF, v31;
	v36 =	vadd.s32 $0x5800, v31;
	v13 =	vcvt.f32.s32 v37  }
0x199: {  	[tilespmem:s29+$0x3030] =	vst v44;
	v42 =	vtrunc.f32 v15;
	v51 =	vsub.s32 $0x7FFF, v6;
	v0 =	vsel vm14, v60, v61  }
0x19a: {  	v52 =	vadd.s32 $0x7800, v6;
	v6 =	vtrunc.f32 v53;
	v3 =	vsel vm7, v35, v36;
	[tilespmem:s29+$0x4830] =	vst v0  }
0x19b: {  	s7 =	sadd.s32 $0x4, s7;
	v54 =	vsub.s32 $0x87FF, v8;
	v56 =	vadd.s32 $0x8000, v8;
	v1 =	vsel vm11, v51, v52;
	[tilespmem:s29+$0x2C30] =	vst v3  }
0x19c: {  	p1 =	slt.u32 s7, $0x3C;
	v45 =	vcvt.f32.s32 v42;
	v6 =	vcvt.f32.s32 v6;
	v3 =	vsel vm12, v54, v56;
	[tilespmem:s29+$0x3C30] =	vst v1  }
.Ltmp2:
0x19d: {  	v40 =	vsub.s32 $0x6FFF, v13;
	v41 =	vadd.s32 $0x6800, v13;
	v1 =	vsel vm15, v63, v2;
	[tilespmem:s29+$0x4030] =	vst v3;
	(pc) =	sbr.rel @p1 .LBB2_7-.Ltmp2, $4  }
0x19e: {  	v5 =	vsel vm9, v40, v41;
	v48 =	vsub.s32 $0x77FF, v45;
	v12 =	vadd.s32 $0x7000, v45;
	[tilespmem:s31+$0x11980] =	vst v1  }
0x19f: {  	v59 =	vsub.s32 $0x8FFF, v6;
	v6 =	vadd.s32 $0x8800, v6;
	v7 =	vsel vm10, v48, v12;
	[tilespmem:s29+$0x3430] =	vst v5  }
0x1a0: {  	v62 =	vsel vm13, v59, v6;
	[tilespmem:s29+$0x3830] =	vst v7  }
0x1a1: {  	s30 =	sadd.s32 $0x200, s30;
	s11 =	sadd.s32 $0x40, s11;
	[tilespmem:s29+$0x4430] =	vst v62;
	s29 =	sadd.s32 $0x40, s29  }
0x1a2: {  	s0 =	simm.s32 $0xD180;
	s31 =	simm.s32 $0x2  }
0x1a3: {  	[spmem:s23] =	stream.indirect.scatter.add.f32 [tilespmem:s28], [sflag:$0x5], $0x1, s0, s26, $0xb8;
	[tilespmem:$0x1BF00] =	vst v63  }
0x1a4: {  	_ =	swait.ge [sflag:s31], $0x6000  }
0x1a5: {  	[sflag:s31] =	ssyncset.done $0x0  }
0x1a6: {  	s1 =	simm.s32 $0x4;
	[sflag:s31] =	ssyncadd.s32 $0xFFFFA000  }
0x1a7: {  	p1 =	seq.s32 s14, $0xF;
	_ =	swait.ge [sflag:s1], $0x400  }
0x1a8: {  	s3 =	simm.s32 @!p1 $0x2000;
	[sflag:s1] =	ssyncset.done $0x0;
	s0 =	rddreg [dreg:$0x7]  }
0x1a9: {  	s5 =	simm.s32 @!p1 $0x200000;
	s0 =	sadd.s32 @!p1 s6, s0;
	[sflag:s1] =	ssyncadd.s32 $0xFFFFFC00  }
0x1aa: {  	s6 =	simm.s32 @!p1 $0x980;
	s1 =	sadd.s32 @!p1 s0, s8;
	s0 =	sshll.u32 @!p1 s0, $0x2  }
0x1ab: {  	[tilespmem:s6], [sflag:$0x1] =	stream.strided.gather @!p1 [hbm4b:s1+s3], $0x6000, s5, s3, $0x38;
	[tilespmem:$0x1BF00] =	vst v63  }
0x1ac: {  	s0 =	sor.u32 @!p1 s25, s0  }
0x1ad: {  	s0 =	sshrl.u32 @!p1 s0, $0x3  }
0x1ae: {  	s1 =	simm.s32 @!p1 $0x0;
	s3 =	simm.s32 @!p1 $0xC980;
	s0 =	sadd.s32 @!p1 s24, s0  }
0x1af: {  	[tilespmem:s3], [sflag:$0x3] =	stream.linear.gather @!p1 [hbm4b:s0+s1], $0x80, $0x38;
	[tilespmem:$0x1BF00] =	vst v63  }
0x1b0: {  	s5 =	simm.s32 @!p1 $0xCA80;
	s3 =	sadd.s32 @!p1 $0x40, s0  }
0x1b1: {  	[tilespmem:s5], [sflag:$0x3] =	stream.linear.gather @!p1 [hbm4b:s3+s1], $0x80, $0x38;
	[tilespmem:$0x1BF00] =	vst v63  }
0x1b2: {  	s3 =	sadd.s32 @!p1 $0x80, s0;
	s5 =	simm.s32 @!p1 $0xCB80  }
0x1b3: {  	[tilespmem:s5], [sflag:$0x3] =	stream.linear.gather @!p1 [hbm4b:s3+s1], $0x80, $0x38;
	[tilespmem:$0x1BF00] =	vst v63  }
0x1b4: {  	s3 =	sadd.s32 @!p1 $0xC0, s0;
	s5 =	simm.s32 @!p1 $0xCC80  }
0x1b5: {  	[tilespmem:s5], [sflag:$0x3] =	stream.linear.gather @!p1 [hbm4b:s3+s1], $0x80, $0x38;
	[tilespmem:$0x1BF00] =	vst v63  }
0x1b6: {  	s3 =	sadd.s32 @!p1 $0x100, s0;
	s5 =	simm.s32 @!p1 $0xCD80  }
0x1b7: {  	[tilespmem:s5], [sflag:$0x3] =	stream.linear.gather @!p1 [hbm4b:s3+s1], $0x80, $0x38;
	[tilespmem:$0x1BF00] =	vst v63  }
0x1b8: {  	s3 =	sadd.s32 @!p1 $0x140, s0;
	s5 =	simm.s32 @!p1 $0xCE80  }
0x1b9: {  	[tilespmem:s5], [sflag:$0x3] =	stream.linear.gather @!p1 [hbm4b:s3+s1], $0x80, $0x38;
	[tilespmem:$0x1BF00] =	vst v63  }
0x1ba: {  	s3 =	sadd.s32 @!p1 $0x180, s0;
	s5 =	simm.s32 @!p1 $0xCF80  }
0x1bb: {  	[tilespmem:s5], [sflag:$0x3] =	stream.linear.gather @!p1 [hbm4b:s3+s1], $0x80, $0x38;
	[tilespmem:$0x1BF00] =	vst v63  }
0x1bc: {  	p2 =	seq.s32 @!p1 s14, $0x0;
	s0 =	sadd.s32 @!p1 $0x1C0, s0;
	s3 =	simm.s32 @!p1 $0xD080  }
0x1bd: {  	[tilespmem:s3], [sflag:$0x3] =	stream.linear.gather @!p1 [hbm4b:s0+s1], $0x80, $0x38;
	[tilespmem:$0x1BF00] =	vst v63  }
0x1be: {  	p1 =	por p1, !p2  }
0x1bf: {  	s0 =	simm.s32 @p1 $0x6  }
0x1c0: {  	s2 =	smov.u32 s24;
	s11 =	simm.s32 $0x0;
	_ =	swait.ge @p1 [sflag:s0], $0x4C00  }
0x1c1: {  	s7 =	simm.s32 $0x30;
	s29 =	simm.s32 $0x11D80;
	[sflag:s0] =	ssyncset.done @p1 $0x0  }
0x1c2: {  	s8 =	smov.u32 s25;
	s6 =	simm.s32 $0xFFFFFFFC;
	[sflag:s0] =	ssyncadd.s32 @p1 $0xFFFFB400  }
.LBB2_9:
0x1c3: {  	s30 =	sadd.s32 $0xFFFFFFD0, s7;
	s25 =	sand.u32 $0x1C00, s11  }
0x1c4: {  	s3 =	sand.u32 $0x40, s30;
	s24 =	sadd.s32 $0x6980, s25  }
0x1c5: {  	s28 =	sadd.s32 $0x6A00, s25;
	s0 =	sor.u32 s3, s24  }
0x1c6: {  	s5 =	sor.u32 s3, s28;
	v0 =	vld [tilespmem:s0+$0x0]  }
0x1c7: {  	s26 =	sadd.s32 $0x6A80, s25;
	v1 =	vld [tilespmem:s5+$0x0]  }
0x1c8: {  	s9 =	sor.u32 s3, s26  }
0x1c9: {  	s23 =	sadd.s32 $0x6B00, s25;
	v2 =	vld [tilespmem:s9+$0x0]  }
0x1ca: {  	s10 =	sor.u32 s3, s23  }
0x1cb: {  	s1 =	sadd.s32 $0x6B80, s25;
	v3 =	vld [tilespmem:s10+$0x0];
	v0 =	vmul.f32 $1.442695020e+00, v0  }
0x1cc: {  	s12 =	sor.u32 s3, s1;
	v1 =	vmul.f32 $1.442695020e+00, v1  }
0x1cd: {  	s21 =	sadd.s32 $0x6C00, s25;
	v50 =	vld [tilespmem:s12+$0x0];
	(erf) = vpow2.f32 v0  }
0x1ce: {  	s13 =	sor.u32 s3, s21;
	v51 =	vmul.f32 $1.442695020e+00, v2;
	(erf) = vpow2.f32 v1  }
0x1cf: {  	v52 =	vld [tilespmem:s13+$0x0]  }
0x1d0: {  	s9 =	sadd.s32 $0x6C80, s25;
	v53 =	vmul.f32 $1.442695020e+00, v3;
	(erf) = vpow2.f32 v51  }
0x1d1: {  	s15 =	sor.u32 s3, s9  }
0x1d2: {  	s12 =	sadd.s32 $0x6D00, s25;
	v54 =	vld [tilespmem:s15+$0x0];
	v0 =	vmul.f32 $1.442695020e+00, v50;
	(erf) = vpow2.f32 v53  }
0x1d3: {  	s16 =	sor.u32 s3, s12  }
0x1d4: {  	v55 =	vld [tilespmem:s16+$0x0];
	s16 =	sadd.s32 $0x8980, s25;
	v56 =	vmul.f32 $1.442695020e+00, v52;
	(erf) = vpow2.f32 v0  }
0x1d5: {  	s17 =	sor.u32 s3, s16  }
0x1d6: {  	s10 =	sadd.s32 $0x8A00, s25;
	v57 =	vld [tilespmem:s17+$0x0];
	(erf) = vpow2.f32 v56;
	v10 =	vpop (erf)  }
0x1d7: {  	s18 =	sor.u32 s3, s10;
	v58 =	vmul.f32 $1.442695020e+00, v54;
	v11 =	vpop (erf)  }
0x1d8: {  	s22 =	sadd.s32 $0x8A80, s25;
	v59 =	vld [tilespmem:s18+$0x0];
	v61 =	vadd.f32 v11, v10  }
0x1d9: {  	s19 =	sor.u32 s3, s22;
	v60 =	vmul.f32 $1.442695020e+00, v55;
	(erf) = vpow2.f32 v58;
	v12 =	vpop (erf)  }
0x1da: {  	v4 =	vld [tilespmem:s19+$0x0];
	s15 =	sadd.s32 $0x8B00, s25;
	v1 =	vadd.f32 v12, v61  }
0x1db: {  	s20 =	sor.u32 s3, s15;
	v62 =	vmul.f32 $1.442695020e+00, v57;
	(erf) = vpow2.f32 v60;
	v13 =	vpop (erf)  }
0x1dc: {  	s5 =	sadd.s32 $0x8B80, s25;
	v63 =	vld [tilespmem:s20+$0x0];
	v1 =	vadd.f32 v13, v1  }
0x1dd: {  	s31 =	sor.u32 s3, s5;
	v9 =	vmul.f32 $1.442695020e+00, v59;
	(erf) = vpow2.f32 v62;
	v15 =	vpop (erf)  }
0x1de: {  	v16 =	vld [tilespmem:s31+$0x0];
	s20 =	sadd.s32 $0x8C00, s25;
	v1 =	vadd.f32 v15, v1  }
0x1df: {  	v17 =	vmul.f32 $1.442695020e+00, v4;
	s4 =	sor.u32 s3, s20;
	(erf) = vpow2.f32 v9;
	v7 =	vpop (erf)  }
0x1e0: {  	s19 =	sadd.s32 $0x8C80, s25;
	v18 =	vld [tilespmem:s4+$0x0];
	v1 =	vadd.f32 v7, v1  }
0x1e1: {  	s13 =	sor.u32 s3, s19;
	v19 =	vmul.f32 $1.442695020e+00, v63;
	(erf) = vpow2.f32 v17  }
0x1e2: {  	v20 =	vld [tilespmem:s13+$0x0];
	s18 =	sadd.s32 $0x8D00, s25;
	v5 =	vpop (erf)  }
0x1e3: {  	s17 =	sor.u32 s3, s18;
	v21 =	vmul.f32 $1.442695020e+00, v16;
	(erf) = vpow2.f32 v19;
	v22 =	vadd.f32 v5, v1  }
0x1e4: {  	v6 =	vld [tilespmem:s17+$0x0];
	s17 =	sadd.s32 $0xA980, s25;
	v1 =	vpop (erf)  }
0x1e5: {  	s31 =	sor.u32 s3, s17;
	v23 =	vmul.f32 $1.442695020e+00, v18;
	(erf) = vpow2.f32 v21;
	v3 =	vadd.f32 v1, v22  }
0x1e6: {  	s13 =	sadd.s32 $0xAA00, s25;
	v24 =	vld [tilespmem:s31+$0x0];
	v14 =	vpop (erf)  }
0x1e7: {  	s4 =	sor.u32 s3, s13;
	v25 =	vmul.f32 $1.442695020e+00, v20;
	(erf) = vpow2.f32 v23;
	v26 =	vadd.f32 v14, v3  }
0x1e8: {  	s0 =	sadd.s32 $0xAA80, s25;
	v27 =	vld [tilespmem:s4+$0x0];
	v8 =	vpop (erf)  }
0x1e9: {  	s31 =	sor.u32 s3, s0;
	v28 =	vmul.f32 $1.442695020e+00, v6;
	(erf) = vpow2.f32 v25;
	v2 =	vadd.f32 v8, v26  }
0x1ea: {  	v9 =	vld [tilespmem:s31+$0x0];
	v6 =	vpop (erf)  }
0x1eb: {  	v29 =	vmul.f32 $1.442695020e+00, v24;
	(erf) = vpow2.f32 v28;
	v2 =	vadd.f32 v6, v2  }
0x1ec: {  	v4 =	vpop (erf)  }
0x1ed: {  	v30 =	vmul.f32 $1.442695020e+00, v27;
	(erf) = vpow2.f32 v29;
	v2 =	vadd.f32 v4, v2  }
0x1ee: {  	v3 =	vpop (erf)  }
0x1ef: {  	v9 =	vmul.f32 $1.442695020e+00, v9;
	(erf) = vpow2.f32 v30;
	v2 =	vadd.f32 v3, v2  }
0x1f0: {  	s25 =	sshrl.u32 s25, $0x2;
	v0 =	vpop (erf)  }
0x1f1: {  	s31 =	sadd.s32 $0xC980, s25;
	s25 =	sadd.s32 $0xFFFFFFE0, s7;
	(erf) = vpow2.f32 v9;
	v2 =	vadd.f32 v0, v2  }
0x1f2: {  	s4 =	sor.u32 s3, s31;
	s3 =	sand.u32 $0x50, s25;
	v16 =	vpop (erf)  }
0x1f3: {  	v17 =	vld [tilespmem:s4+$0x80];
	s25 =	sor.u32 s3, s24;
	v2 =	vadd.f32 v16, v2  }
0x1f4: {  	v20 =	vld [tilespmem:s25+$0x0];
	s25 =	sor.u32 s3, s28;
	v40 =	vpop (erf)  }
0x1f5: {  	v21 =	vld [tilespmem:s25+$0x0];
	s25 =	sor.u32 s3, s26;
	v2 =	vadd.f32 v40, v2  }
0x1f6: {  	v23 =	vld [tilespmem:s25+$0x0];
	s25 =	sor.u32 s3, s23;
	v18 =	vpop (erf)  }
0x1f7: {  	v25 =	vld [tilespmem:s25+$0x0];
	s25 =	sor.u32 s3, s1;
	v2 =	vadd.f32 v18, v2  }
0x1f8: {  	v34 =	vld [tilespmem:s25+$0x0];
	s25 =	sor.u32 s3, s21;
	v19 =	vpop (erf)  }
0x1f9: {  	v37 =	vld [tilespmem:s25+$0x0];
	s25 =	sor.u32 s3, s9;
	v2 =	vadd.f32 v19, v2  }
0x1fa: {  	v41 =	vld [tilespmem:s25+$0x0];
	s25 =	sor.u32 s3, s12;
	v9 =	vpop (erf)  }
0x1fb: {  	v46 =	vld [tilespmem:s25+$0x0];
	s25 =	sor.u32 s3, s16;
	v2 =	vadd.f32 v9, v2  }
0x1fc: {  	v50 =	vld [tilespmem:s25+$0x0];
	s25 =	sor.u32 s3, s10  }
0x1fd: {  	v53 =	vld [tilespmem:s25+$0x0];
	s25 =	sor.u32 s3, s22;
	(erf) = vrcp.f32 v2  }
0x1fe: {  	v20 =	vmul.f32 $1.442695020e+00, v20;
	v27 =	vld [tilespmem:s25+$0x0];
	s25 =	sor.u32 s3, s15  }
0x1ff: {  	v33 =	vmul.f32 $1.442695020e+00, v21;
	v36 =	vmul.f32 $1.442695020e+00, v23;
	v59 =	vld [tilespmem:s25+$0x0];
	s25 =	sor.u32 s3, s5  }
0x200: {  	v38 =	vmul.f32 $1.442695020e+00, v25;
	v42 =	vmul.f32 $1.442695020e+00, v34;
	v61 =	vld [tilespmem:s25+$0x0];
	s25 =	sor.u32 s3, s20  }
0x201: {  	v48 =	vmul.f32 $1.442695020e+00, v37;
	v51 =	vmul.f32 $1.442695020e+00, v41;
	v30 =	vld [tilespmem:s25+$0x0]  }
0x202: {  	vm0 =	veq.s32 v17, $0x0;
	v55 =	vmul.f32 $1.442695020e+00, v50;
	(erf) = vpow2.f32 v20  }
0x203: {  	vm14 =	veq.s32 v17, $0x1;
	v60 =	vmul.f32 $1.442695020e+00, v53;
	(erf) = vpow2.f32 v33  }
0x204: {  	vm1 =	veq.s32 v17, $0x2;
	v62 =	vmul.f32 $1.442695020e+00, v27;
	(erf) = vpow2.f32 v36  }
0x205: {  	vm15 =	veq.s32 v17, $0x3;
	v34 =	vmul.f32 $1.442695020e+00, v61;
	(erf) = vpow2.f32 v38  }
0x206: {  	vm4 =	veq.s32 v17, $0x4;
	v37 =	vmul.f32 $1.442695020e+00, v30;
	(erf) = vpow2.f32 v42;
	v2 =	vpop (erf)  }
0x207: {  	vm5 =	veq.s32 v17, $0x5;
	(erf) = vpow2.f32 v48;
	v22 =	vmul.f32 $1.024000000e+03, v2  }
0x208: {  	vm6 =	veq.s32 v17, $0x6;
	v20 =	vmul.f32 $1.442695020e+00, v59;
	(erf) = vpow2.f32 v51  }
0x209: {  	vm7 =	veq.s32 v17, $0x7;
	v10 =	vmul.f32 v22, v10;
	v11 =	vmul.f32 v22, v11  }
0x20a: {  	vm8 =	veq.s32 v17, $0x8;
	v12 =	vmul.f32 v22, v12;
	v13 =	vmul.f32 v22, v13  }
0x20b: {  	vm9 =	veq.s32 v17, $0x9;
	v15 =	vmul.f32 v22, v15;
	v7 =	vmul.f32 v22, v7  }
0x20c: {  	vm10 =	veq.s32 v17, $0xA;
	v5 =	vmul.f32 v22, v5;
	v1 =	vmul.f32 v22, v1  }
0x20d: {  	v14 =	vmul.f32 v22, v14;
	v8 =	vmul.f32 v22, v8;
	v10 =	vmin.f32 v10, $1.023000000e+03  }
0x20e: {  	v11 =	vmin.f32 v11, $1.023000000e+03;
	v13 =	vmin.f32 v13, $1.023000000e+03;
	v10 =	vtrunc.f32 v10  }
0x20f: {  	vm11 =	veq.s32 v17, $0xB;
	v11 =	vtrunc.f32 v11;
	v13 =	vtrunc.f32 v13  }
0x210: {  	v12 =	vmin.f32 v12, $1.023000000e+03;
	v10 =	vcvt.f32.s32 v10;
	v11 =	vcvt.f32.s32 v11  }
0x211: {  	v47 =	vmin.f32 v15, $1.023000000e+03;
	v32 =	vtrunc.f32 v12;
	v45 =	vcvt.f32.s32 v13  }
0x212: {  	v13 =	vtrunc.f32 v47;
	v24 =	vsub.s32 $0x7FF, v10;
	v35 =	vsub.s32 $0xFFF, v11  }
0x213: {  	v11 =	vadd.s32 $0x800, v11;
	v31 =	vsel vm0, v24, v10;
	v10 =	vcvt.f32.s32 v32  }
0x214: {  	v7 =	vmin.f32 v7, $1.023000000e+03;
	v12 =	vpop (erf);
	v52 =	vcvt.f32.s32 v13;
	v43 =	vsel vm14, v35, v11  }
0x215: {  	v13 =	vpop (erf);
	v11 =	vmul.f32 $1.442695020e+00, v46;
	v39 =	vsub.s32 $0x17FF, v10;
	v10 =	vadd.s32 $0x1000, v10  }
0x216: {  	v54 =	vadd.f32 v13, v12;
	v44 =	vsel vm1, v39, v10;
	v10 =	vadd.s32 $0x1800, v45  }
0x217: {  	vm12 =	veq.s32 v17, $0xC;
	v6 =	vmul.f32 v22, v6;
	v7 =	vtrunc.f32 v7;
	v15 =	vpop (erf)  }
0x218: {  	v49 =	vsub.s32 $0x1FFF, v45;
	(erf) = vpow2.f32 v11;
	v56 =	vadd.f32 v15, v54  }
0x219: {  	v4 =	vmul.f32 v22, v4;
	v7 =	vcvt.f32.s32 v7;
	v57 =	vsel vm15, v49, v10;
	v10 =	vpop (erf)  }
0x21a: {  	v3 =	vmul.f32 v22, v3;
	(erf) = vpow2.f32 v55;
	v21 =	vadd.f32 v10, v56  }
0x21b: {  	v0 =	vmul.f32 v22, v0;
	v27 =	vmul.f32 v22, v19;
	v5 =	vmin.f32 v5, $1.023000000e+03;
	v11 =	vpop (erf)  }
0x21c: {  	v14 =	vmin.f32 v14, $1.023000000e+03;
	(erf) = vpow2.f32 v60;
	v21 =	vadd.f32 v11, v21  }
0x21d: {  	s25 =	sor.u32 s3, s19;
	v8 =	vmin.f32 v8, $1.023000000e+03;
	v63 =	vsub.s32 $0x2FFF, v7;
	v2 =	vadd.s32 $0x2800, v7;
	v7 =	vpop (erf)  }
0x21e: {  	v33 =	vld [tilespmem:s25+$0x0];
	s25 =	sor.u32 s3, s18;
	v6 =	vmin.f32 v6, $1.023000000e+03;
	(erf) = vpow2.f32 v62;
	v21 =	vadd.f32 v7, v21  }
0x21f: {  	v36 =	vld [tilespmem:s25+$0x0];
	s25 =	sor.u32 s3, s17;
	v4 =	vmin.f32 v4, $1.023000000e+03;
	v3 =	vmin.f32 v3, $1.023000000e+03;
	v32 =	vtrunc.f32 v5;
	v5 =	vpop (erf)  }
0x220: {  	v28 =	vld [tilespmem:s25+$0x0];
	v14 =	vtrunc.f32 v14;
	(erf) = vpow2.f32 v20;
	v21 =	vadd.f32 v5, v21  }
0x221: {  	v8 =	vtrunc.f32 v8;
	v6 =	vtrunc.f32 v6;
	v35 =	vmin.f32 v1, $1.023000000e+03;
	v1 =	vpop (erf)  }
0x222: {  	[tilespmem:$0x1FDC0] =	vst v31;
	v31 =	vsel vm5, v63, v2;
	(erf) = vpow2.f32 v34;
	v21 =	vadd.f32 v1, v21  }
0x223: {  	v0 =	vmin.f32 v0, $1.023000000e+03;
	v4 =	vtrunc.f32 v4;
	v3 =	vtrunc.f32 v3;
	v29 =	vpop (erf)  }
0x224: {  	s25 =	sor.u32 s3, s13;
	[tilespmem:$0x1FDD0] =	vst v43;
	v39 =	vmul.f32 $1.442695020e+00, v33;
	(erf) = vpow2.f32 v37;
	v21 =	vadd.f32 v29, v21  }
0x225: {  	vm13 =	veq.s32 v17, $0xD;
	v0 =	vtrunc.f32 v0;
	v47 =	vmul.f32 $1.442695020e+00, v28;
	v43 =	vld [tilespmem:s25+$0x0];
	[tilespmem:$0x1FE10] =	vst v31;
	v31 =	vpop (erf)  }
0x226: {  	s25 =	sor.u32 s3, s0;
	[tilespmem:$0x1FDE0] =	vst v44;
	v44 =	vmul.f32 $1.442695020e+00, v36;
	(erf) = vpow2.f32 v39;
	v21 =	vadd.f32 v31, v21  }
0x227: {  	v14 =	vcvt.f32.s32 v14;
	v8 =	vcvt.f32.s32 v8;
	v26 =	vsub.s32 $0x27FF, v52;
	v46 =	vld [tilespmem:s25+$0x0];
	v30 =	vpop (erf)  }
0x228: {  	v23 =	vadd.s32 $0x2000, v52;
	(erf) = vpow2.f32 v44;
	v21 =	vadd.f32 v30, v21  }
0x229: {  	v6 =	vcvt.f32.s32 v6;
	v58 =	vsel vm4, v26, v23;
	v23 =	vcvt.f32.s32 v32;
	v32 =	vpop (erf)  }
0x22a: {  	v48 =	vmul.f32 $1.442695020e+00, v43;
	(erf) = vpow2.f32 v47;
	v21 =	vadd.f32 v32, v21  }
0x22b: {  	v4 =	vcvt.f32.s32 v4;
	v50 =	vsub.s32 $0x47FF, v14;
	v14 =	vadd.s32 $0x4000, v14;
	v37 =	vpop (erf)  }
0x22c: {  	v49 =	vmul.f32 $1.442695020e+00, v46;
	(erf) = vpow2.f32 v48;
	v21 =	vadd.f32 v37, v21  }
0x22d: {  	v3 =	vcvt.f32.s32 v3;
	v0 =	vcvt.f32.s32 v0;
	v53 =	vsel vm8, v50, v14;
	v34 =	vpop (erf)  }
0x22e: {  	vm14 =	veq.s32 v17, $0xE;
	(erf) = vpow2.f32 v49;
	v51 =	vadd.f32 v34, v21  }
0x22f: {  	v24 =	vtrunc.f32 v35;
	v63 =	vsub.s32 $0x67FF, v3;
	v3 =	vadd.s32 $0x6000, v3;
	v33 =	vpop (erf)  }
0x230: {  	vm4 =	veq.s32 v17, $0x10;
	vm5 =	veq.s32 v17, $0x11;
	v54 =	vadd.f32 v33, v51  }
0x231: {  	v42 =	vcvt.f32.s32 v24;
	v38 =	vsub.s32 $0x37FF, v23;
	v23 =	vadd.s32 $0x3000, v23;
	v35 =	vpop (erf)  }
0x232: {  	v55 =	vsub.s32 $0x4FFF, v8;
	v8 =	vadd.s32 $0x4800, v8;
	v14 =	vadd.f32 v35, v54  }
0x233: {  	v41 =	vsel vm6, v38, v23;
	v45 =	vsub.s32 $0x3FFF, v42;
	v23 =	vadd.s32 $0x3800, v42;
	v36 =	vpop (erf)  }
0x234: {  	v60 =	vsub.s32 $0x5FFF, v4;
	v4 =	vadd.s32 $0x5800, v4;
	v14 =	vadd.f32 v36, v14  }
0x235: {  	vm15 =	veq.s32 v17, $0xF;
	[tilespmem:$0x1FDF0] =	vst v57;
	v52 =	vsel vm7, v45, v23;
	v57 =	vsub.s32 $0x57FF, v6;
	v38 =	vpop (erf)  }
0x236: {  	s3 =	sor.u32 s3, s31;
	v6 =	vadd.s32 $0x5000, v6;
	v23 =	vmul.f32 v22, v18;
	v59 =	vadd.f32 v38, v14  }
0x237: {  	s4 =	sadd.s32 $0xFFFFFFF0, s7;
	v61 =	vsel vm11, v60, v4;
	v62 =	vmul.f32 v22, v16;
	v16 =	vmul.f32 v22, v40;
	v40 =	vld [tilespmem:s3+$0x80];
	v39 =	vpop (erf)  }
0x238: {  	[tilespmem:$0x1FE00] =	vst v58;
	v58 =	vsel vm10, v57, v6;
	s3 =	sand.u32 $0x60, s4;
	v56 =	vsel vm9, v55, v8;
	v6 =	vadd.f32 v39, v59  }
0x239: {  	v8 =	vsel vm12, v63, v3;
	v20 =	vsub.s32 $0x6FFF, v0;
	v4 =	vmin.f32 v23, $1.023000000e+03;
	s25 =	sor.u32 s3, s24  }
0x23a: {  	v26 =	vtrunc.f32 v4;
	v4 =	vmin.f32 v27, $1.023000000e+03;
	v60 =	vld [tilespmem:s25+$0x0];
	s25 =	sor.u32 s3, s28;
	(erf) = vrcp.f32 v6  }
0x23b: {  	[tilespmem:$0x1FE60] =	vst v58;
	v0 =	vadd.s32 $0x6800, v0;
	v58 =	vmul.f32 v22, v9;
	v4 =	vtrunc.f32 v4;
	v63 =	vld [tilespmem:s25+$0x0];
	s25 =	sor.u32 s3, s26  }
0x23c: {  	v0 =	vsel vm13, v20, v0;
	v4 =	vcvt.f32.s32 v4;
	v18 =	vld [tilespmem:s25+$0x0];
	vm6 =	veq.s32 v40, $0x0  }
0x23d: {  	vm7 =	veq.s32 v40, $0x1;
	vm8 =	veq.s32 v40, $0x2;
	vm9 =	veq.s32 v40, $0x3  }
0x23e: {  	vm10 =	veq.s32 v40, $0x4;
	vm11 =	veq.s32 v40, $0x5;
	v21 =	vmin.f32 v16, $1.023000000e+03  }
0x23f: {  	[tilespmem:$0x1FE90] =	vst v0;
	s25 =	sor.u32 s3, s23;
	vm12 =	veq.s32 v40, $0x6;
	vm13 =	veq.s32 v40, $0x7;
	v0 =	vtrunc.f32 v21  }
0x240: {  	v22 =	vld [tilespmem:s25+$0x0];
	v50 =	vsub.s32 $0x8FFF, v4;
	v0 =	vcvt.f32.s32 v0;
	v14 =	vmin.f32 v62, $1.023000000e+03  }
0x241: {  	v4 =	vadd.s32 $0x8800, v4;
	v43 =	vmul.f32 $1.442695020e+00, v18;
	v3 =	vtrunc.f32 v14  }
0x242: {  	v28 =	vsub.s32 $0x7FFF, v0;
	v0 =	vadd.s32 $0x7800, v0;
	v3 =	vcvt.f32.s32 v3  }
0x243: {  	v14 =	vsel vm15, v28, v0;
	v0 =	vsel vm5, v50, v4;
	v28 =	vmul.f32 $1.442695020e+00, v63;
	v47 =	vpop (erf)  }
0x244: {  	v24 =	vsub.s32 $0x77FF, v3;
	v3 =	vadd.s32 $0x7000, v3;
	v47 =	vmul.f32 $1.024000000e+03, v47  }
0x245: {  	v6 =	vmul.f32 $1.442695020e+00, v22;
	v25 =	vsel vm14, v24, v3;
	v3 =	vcvt.f32.s32 v26  }
0x246: {  	[tilespmem:$0x1FE30] =	vst v52;
	s25 =	sor.u32 s3, s1;
	vm15 =	veq.s32 v40, $0x9;
	v12 =	vmul.f32 v47, v12;
	v52 =	vmul.f32 v47, v13  }
0x247: {  	[tilespmem:$0x1FE40] =	vst v53;
	v42 =	vld [tilespmem:s25+$0x0];
	s25 =	sor.u32 s3, s21;
	v48 =	vsub.s32 $0x87FF, v3;
	v53 =	vmul.f32 v47, v15;
	v62 =	vmul.f32 v47, v10  }
0x248: {  	v45 =	vld [tilespmem:s25+$0x0];
	s25 =	sor.u32 s3, s9;
	v3 =	vadd.s32 $0x8000, v3;
	v11 =	vmul.f32 v47, v11;
	v7 =	vmul.f32 v47, v7  }
0x249: {  	v49 =	vsel vm4, v48, v3;
	v48 =	vld [tilespmem:s25+$0x0];
	s25 =	sor.u32 s3, s12;
	v5 =	vmul.f32 v47, v5;
	v1 =	vmul.f32 v47, v1  }
0x24a: {  	[tilespmem:$0x1FE50] =	vst v56;
	vm5 =	veq.s32 v40, $0xB;
	v50 =	vld [tilespmem:s25+$0x0];
	v63 =	vmul.f32 v47, v29;
	v22 =	vmul.f32 v47, v31  }
0x24b: {  	[tilespmem:$0x1FE80] =	vst v8;
	v51 =	vmin.f32 v12, $1.023000000e+03;
	v56 =	vmin.f32 v53, $1.023000000e+03;
	v8 =	vmin.f32 v62, $1.023000000e+03  }
0x24c: {  	v7 =	vmin.f32 v7, $1.023000000e+03;
	v3 =	vtrunc.f32 v51;
	v4 =	vtrunc.f32 v56  }
0x24d: {  	v5 =	vmin.f32 v5, $1.023000000e+03;
	v19 =	vtrunc.f32 v8;
	v7 =	vtrunc.f32 v7  }
0x24e: {  	vm14 =	veq.s32 v40, $0x8;
	v51 =	vmul.f32 $1.442695020e+00, v45;
	v5 =	vtrunc.f32 v5  }
0x24f: {  	v55 =	vmin.f32 v52, $1.023000000e+03;
	v56 =	vmul.f32 $1.442695020e+00, v50;
	v45 =	vmul.f32 v47, v30  }
0x250: {  	vm4 =	veq.s32 v40, $0xA;
	v54 =	vcvt.f32.s32 v3;
	v3 =	vtrunc.f32 v55  }
0x251: {  	v21 =	vmin.f32 v11, $1.023000000e+03;
	v59 =	vcvt.f32.s32 v4;
	v4 =	vmul.f32 $1.442695020e+00, v60  }
0x252: {  	[tilespmem:$0x1FEB0] =	vst v49;
	v49 =	vcvt.f32.s32 v7;
	v5 =	vcvt.f32.s32 v5;
	v7 =	vmin.f32 v63, $1.023000000e+03  }
0x253: {  	v3 =	vcvt.f32.s32 v3;
	v7 =	vtrunc.f32 v7;
	v57 =	vsub.s32 $0x7FF, v54  }
0x254: {  	[tilespmem:$0x1FEC0] =	vst v0;
	v16 =	vsub.s32 $0x17FF, v59;
	v0 =	vadd.s32 $0x1000, v59;
	(erf) = vpow2.f32 v4  }
0x255: {  	v4 =	vmul.f32 $1.442695020e+00, v42;
	v52 =	vsub.s32 $0x2FFF, v49;
	(erf) = vpow2.f32 v28  }
0x256: {  	[tilespmem:$0x1FE70] =	vst v61;
	v61 =	vsub.s32 $0xFFF, v3;
	v3 =	vadd.s32 $0x800, v3;
	v23 =	vsel vm8, v16, v0  }
0x257: {  	v0 =	vcvt.f32.s32 v19;
	v24 =	vsel vm7, v61, v3;
	v3 =	vtrunc.f32 v21  }
0x258: {  	[tilespmem:$0x1FED0] =	vst v58;
	v58 =	vsub.s32 $0x37FF, v5;
	(erf) = vpow2.f32 v43;
	v44 =	vcvt.f32.s32 v3  }
0x259: {  	[tilespmem:$0x1FE20] =	vst v41;
	s25 =	sor.u32 s3, s16;
	v41 =	vsub.s32 $0x1FFF, v0;
	v0 =	vadd.s32 $0x1800, v0;
	(erf) = vpow2.f32 v6  }
0x25a: {  	[tilespmem:$0x1FEA0] =	vst v25;
	v53 =	vld [tilespmem:s25+$0x0];
	v25 =	vsel vm9, v41, v0;
	v46 =	vsub.s32 $0x27FF, v44;
	v0 =	vadd.s32 $0x2000, v44  }
0x25b: {  	v5 =	vadd.s32 $0x3000, v5;
	v26 =	vsel vm10, v46, v0;
	v0 =	vadd.s32 $0x2800, v49  }
0x25c: {  	s25 =	sor.u32 s3, s10;
	v59 =	vmin.f32 v1, $1.023000000e+03;
	v20 =	vsel vm6, v57, v54;
	(erf) = vpow2.f32 v4  }
0x25d: {  	v55 =	vld [tilespmem:s25+$0x0];
	s25 =	sor.u32 s3, s22;
	v54 =	vmul.f32 $1.442695020e+00, v48;
	v28 =	vsel vm12, v58, v5;
	v62 =	vtrunc.f32 v59;
	v3 =	vpop (erf)  }
0x25e: {  	v60 =	vld [tilespmem:s25+$0x0];
	vm6 =	veq.s32 v40, $0xC;
	(erf) = vpow2.f32 v51;
	v27 =	vsel vm11, v52, v0;
	v0 =	vpop (erf)  }
0x25f: {  	v61 =	vmul.f32 $1.442695020e+00, v53;
	v5 =	vcvt.f32.s32 v62;
	v57 =	vadd.f32 v0, v3  }
0x260: {  	s25 =	sor.u32 s3, s15;
	vm8 =	veq.s32 v40, $0xE;
	v21 =	vcvt.f32.s32 v7;
	(erf) = vpow2.f32 v54  }
0x261: {  	v2 =	vld [tilespmem:s25+$0x0];
	v7 =	vmin.f32 v22, $1.023000000e+03;
	v22 =	vmul.f32 v47, v37;
	vm7 =	veq.s32 v40, $0xD;
	v1 =	vpop (erf)  }
0x262: {  	s25 =	sor.u32 s3, s5;
	v12 =	vmul.f32 $1.442695020e+00, v55;
	(erf) = vpow2.f32 v56;
	v6 =	vadd.f32 v1, v57  }
0x263: {  	v13 =	vld [tilespmem:s25+$0x0];
	s25 =	sor.u32 s3, s20;
	v7 =	vtrunc.f32 v7;
	v15 =	vmul.f32 $1.442695020e+00, v60;
	v16 =	vsub.s32 $0x3FFF, v5;
	v57 =	vpop (erf)  }
0x264: {  	v18 =	vld [tilespmem:s25+$0x0];
	s25 =	sor.u32 s3, s19;
	v5 =	vadd.s32 $0x3800, v5;
	(erf) = vpow2.f32 v61;
	v6 =	vadd.f32 v57, v6  }
0x265: {  	v31 =	vld [tilespmem:s25+$0x0];
	s25 =	sor.u32 s3, s18;
	v42 =	vsub.s32 $0x47FF, v21;
	v7 =	vcvt.f32.s32 v7;
	v60 =	vmin.f32 v45, $1.023000000e+03;
	v53 =	vpop (erf)  }
0x266: {  	v43 =	vld [tilespmem:s25+$0x0];
	s25 =	sor.u32 s3, s17;
	v19 =	vmul.f32 $1.442695020e+00, v2;
	(erf) = vpow2.f32 v12;
	v6 =	vadd.f32 v53, v6  }
0x267: {  	v29 =	vsel vm13, v16, v5;
	v5 =	vadd.s32 $0x4000, v21;
	v9 =	vtrunc.f32 v60;
	v46 =	vld [tilespmem:s25+$0x0];
	s25 =	sor.u32 s3, s13;
	v59 =	vpop (erf)  }
0x268: {  	v41 =	vmul.f32 $1.442695020e+00, v13;
	v61 =	vld [tilespmem:s25+$0x0];
	(erf) = vpow2.f32 v15;
	v6 =	vadd.f32 v59, v6  }
0x269: {  	v63 =	vsub.s32 $0x4FFF, v7;
	v7 =	vadd.s32 $0x4800, v7;
	v44 =	vmul.f32 $1.442695020e+00, v18;
	s25 =	sor.u32 s3, s0;
	v58 =	vpop (erf)  }
0x26a: {  	v30 =	vsel vm15, v63, v7;
	v2 =	vld [tilespmem:s25+$0x0];
	(erf) = vpow2.f32 v19;
	v6 =	vadd.f32 v58, v6  }
0x26b: {  	v56 =	vmul.f32 $1.442695020e+00, v31;
	v62 =	vmul.f32 $1.442695020e+00, v43;
	v31 =	vsel vm14, v42, v5;
	v55 =	vpop (erf)  }
0x26c: {  	v12 =	vmul.f32 $1.442695020e+00, v46;
	(erf) = vpow2.f32 v41;
	v6 =	vadd.f32 v55, v6  }
0x26d: {  	v43 =	vmin.f32 v22, $1.023000000e+03;
	v15 =	vcvt.f32.s32 v9;
	v16 =	vmul.f32 $1.442695020e+00, v61;
	v54 =	vpop (erf)  }
0x26e: {  	v61 =	vmul.f32 v47, v33;
	(erf) = vpow2.f32 v44;
	v6 =	vadd.f32 v54, v6  }
0x26f: {  	v19 =	vmul.f32 v47, v32;
	v21 =	vmul.f32 $1.442695020e+00, v2;
	v18 =	vsub.s32 $0x57FF, v15;
	v50 =	vpop (erf)  }
0x270: {  	v5 =	vadd.s32 $0x5000, v15;
	(erf) = vpow2.f32 v56;
	v6 =	vadd.f32 v50, v6  }
0x271: {  	v2 =	vmin.f32 v61, $1.023000000e+03;
	v15 =	vmul.f32 v47, v35;
	v8 =	vmin.f32 v19, $1.023000000e+03;
	v52 =	vpop (erf)  }
0x272: {  	v7 =	vtrunc.f32 v2;
	(erf) = vpow2.f32 v62;
	v6 =	vadd.f32 v52, v6  }
0x273: {  	s25 =	sand.u32 $0x70, s7;
	v32 =	vsel vm4, v18, v5;
	v8 =	vtrunc.f32 v8;
	v56 =	vmul.f32 v47, v34;
	v51 =	vpop (erf)  }
0x274: {  	s24 =	sor.u32 s25, s24;
	v7 =	vcvt.f32.s32 v7;
	(erf) = vpow2.f32 v12;
	v6 =	vadd.f32 v51, v6  }
0x275: {  	v63 =	vld [tilespmem:s24+$0x0];
	s24 =	sor.u32 s25, s28;
	s28 =	sor.u32 s25, s26;
	v2 =	vmul.f32 v47, v38;
	v41 =	vcvt.f32.s32 v8;
	v8 =	vmin.f32 v56, $1.023000000e+03;
	v48 =	vpop (erf)  }
0x276: {  	v18 =	vld [tilespmem:s28+$0x0];
	v19 =	vsub.s32 $0x77FF, v7;
	(erf) = vpow2.f32 v16;
	v6 =	vadd.f32 v48, v6  }
0x277: {  	v12 =	vld [tilespmem:s24+$0x0];
	v49 =	vsub.s32 $0x5FFF, v41;
	v5 =	vadd.s32 $0x5800, v41;
	v8 =	vtrunc.f32 v8;
	v46 =	vpop (erf)  }
0x278: {  	v62 =	vcvt.f32.s32 v8;
	(erf) = vpow2.f32 v21;
	v37 =	vadd.f32 v46, v6  }
0x279: {  	s23 =	sor.u32 s25, s23;
	v7 =	vadd.s32 $0x7000, v7;
	v34 =	vsel vm5, v49, v5;
	v16 =	vmin.f32 v15, $1.023000000e+03;
	v45 =	vpop (erf)  }
0x27a: {  	v22 =	vld [tilespmem:s23+$0x0];
	v13 =	vsub.s32 $0x6FFF, v62;
	v5 =	vadd.s32 $0x6800, v62;
	v4 =	vadd.f32 v45, v37  }
0x27b: {  	v21 =	vmul.f32 v47, v36;
	v62 =	vmul.f32 $1.442695020e+00, v18;
	v35 =	vsel vm7, v13, v5;
	v44 =	vpop (erf)  }
0x27c: {  	s26 =	sor.u32 s25, s9;
	v5 =	vtrunc.f32 v16;
	v49 =	vmul.f32 $1.442695020e+00, v12;
	v4 =	vadd.f32 v44, v4  }
0x27d: {  	s9 =	sor.u32 s25, s10;
	v15 =	vld [tilespmem:s26+$0x0];
	v36 =	vsel vm8, v19, v7;
	v13 =	vmul.f32 v47, v39;
	v6 =	vtrunc.f32 v43;
	v43 =	vpop (erf)  }
0x27e: {  	s28 =	sor.u32 s25, s12;
	v47 =	vld [tilespmem:s9+$0x0];
	v56 =	vmin.f32 v21, $1.023000000e+03;
	v6 =	vcvt.f32.s32 v6;
	v4 =	vadd.f32 v43, v4  }
0x27f: {  	v18 =	vld [tilespmem:s28+$0x0];
	v12 =	vmul.f32 $1.442695020e+00, v22;
	v7 =	vtrunc.f32 v56;
	v10 =	vmin.f32 v13, $1.023000000e+03;
	v41 =	vpop (erf)  }
0x280: {  	s24 =	sor.u32 s25, s21;
	v60 =	vsub.s32 $0x67FF, v6;
	v6 =	vadd.s32 $0x6000, v6;
	v4 =	vadd.f32 v41, v4  }
0x281: {  	s1 =	sor.u32 s25, s1;
	v7 =	vcvt.f32.s32 v7;
	v42 =	vpop (erf);
	v33 =	vsel vm6, v60, v6;
	v6 =	vmul.f32 $1.442695020e+00, v63;
	v63 =	vld [tilespmem:s24+$0x0]  }
0x282: {  	v19 =	vtrunc.f32 v10;
	v8 =	vmul.f32 $1.442695020e+00, v15;
	v60 =	vld [tilespmem:s1+$0x0];
	v4 =	vadd.f32 v42, v4  }
0x283: {  	vm9 =	veq.s32 v40, $0xF;
	v11 =	vmul.f32 $1.442695020e+00, v47;
	v37 =	vcvt.f32.s32 v5  }
0x284: {  	vm10 =	veq.s32 v40, $0x10;
	s4 =	sor.u32 s25, s16;
	v5 =	vmul.f32 $1.442695020e+00, v18;
	(erf) = vrcp.f32 v4  }
0x285: {  	v22 =	vld [tilespmem:s4+$0x0];
	v61 =	vsub.s32 $0x7FFF, v37;
	v4 =	vadd.s32 $0x7800, v37;
	(erf) = vpow2.f32 v6  }
0x286: {  	s10 =	sor.u32 s3, s31;
	v9 =	vmul.f32 $1.442695020e+00, v63;
	v37 =	vsel vm9, v61, v4;
	(erf) = vpow2.f32 v49  }
0x287: {  	s12 =	sor.u32 s25, s22;
	v56 =	vld [tilespmem:s10+$0x80];
	v4 =	vmin.f32 v2, $1.023000000e+03;
	v6 =	vmul.f32 $1.442695020e+00, v60;
	(erf) = vpow2.f32 v62  }
0x288: {  	vm11 =	veq.s32 v40, $0x11;
	s16 =	sor.u32 s25, s15;
	v61 =	vld [tilespmem:s12+$0x0];
	v4 =	vtrunc.f32 v4;
	(erf) = vpow2.f32 v12  }
0x289: {  	s22 =	sor.u32 s25, s20;
	v16 =	vsub.s32 $0x87FF, v7;
	v63 =	vld [tilespmem:s16+$0x0];
	v4 =	vcvt.f32.s32 v4;
	(erf) = vpow2.f32 v6  }
0x28a: {  	v7 =	vadd.s32 $0x8000, v7;
	v6 =	vmul.f32 $1.442695020e+00, v22;
	v22 =	vld [tilespmem:s22+$0x0];
	(erf) = vpow2.f32 v9  }
0x28b: {  	v38 =	vsel vm10, v16, v7;
	v7 =	vcvt.f32.s32 v19;
	(erf) = vpow2.f32 v8  }
0x28c: {  	v49 =	vsub.s32 $0x8FFF, v4;
	v4 =	vadd.s32 $0x8800, v4;
	(erf) = vpow2.f32 v5  }
0x28d: {  	v39 =	vsel vm11, v49, v4;
	v4 =	vmul.f32 $1.442695020e+00, v61;
	v21 =	vpop (erf);
	(erf) = vpow2.f32 v6  }
0x28e: {  	vm12 =	veq.s32 v40, $0x12;
	v60 =	vmul.f32 $1.024000000e+03, v21;
	(erf) = vpow2.f32 v11  }
0x28f: {  	vm13 =	veq.s32 v56, $0x0;
	v21 =	vmul.f32 $1.442695020e+00, v63;
	v16 =	vmul.f32 $1.442695020e+00, v22  }
0x290: {  	vm14 =	veq.s32 v56, $0x1;
	(erf) = vpow2.f32 v4;
	v3 =	vmul.f32 v60, v3  }
0x291: {  	vm15 =	veq.s32 v56, $0x2;
	v0 =	vmul.f32 v60, v0;
	v1 =	vmul.f32 v60, v1  }
0x292: {  	(erf) = vpow2.f32 v21;
	v2 =	vmul.f32 v60, v57;
	v3 =	vmin.f32 v3, $1.023000000e+03  }
0x293: {  	v0 =	vmin.f32 v0, $1.023000000e+03;
	v19 =	vmin.f32 v1, $1.023000000e+03;
	v3 =	vtrunc.f32 v3  }
0x294: {  	s21 =	sor.u32 s25, s5;
	v62 =	vsub.s32 $0x97FF, v7;
	v0 =	vtrunc.f32 v0;
	v3 =	vcvt.f32.s32 v3  }
0x295: {  	v7 =	vadd.s32 $0x9000, v7;
	v12 =	vld [tilespmem:s21+$0x0];
	v18 =	vpop (erf);
	v61 =	vtrunc.f32 v19;
	v15 =	vcvt.f32.s32 v0  }
0x296: {  	v6 =	vmin.f32 v2, $1.023000000e+03;
	v5 =	vcvt.f32.s32 v61;
	v19 =	vpop (erf);
	v13 =	vsub.s32 $0x7FF, v3  }
0x297: {  	v63 =	vsub.s32 $0xFFF, v15;
	v0 =	vadd.s32 $0x800, v15;
	v15 =	vadd.f32 v19, v18  }
0x298: {  	v47 =	vsel vm13, v13, v3;
	v13 =	vsub.s32 $0x17FF, v5;
	v5 =	vadd.s32 $0x1000, v5  }
0x299: {  	v40 =	vsel vm12, v62, v7;
	v22 =	vmul.f32 v60, v53;
	v6 =	vtrunc.f32 v6;
	v21 =	vpop (erf)  }
0x29a: {  	v62 =	vmul.f32 $1.442695020e+00, v12;
	v6 =	vcvt.f32.s32 v6;
	v8 =	vadd.f32 v21, v15  }
0x29b: {  	s23 =	sor.u32 s25, s19;
	v57 =	vmin.f32 v22, $1.023000000e+03;
	v49 =	vsel vm14, v63, v0;
	v53 =	vsel vm15, v13, v5;
	v5 =	vpop (erf)  }
0x29c: {  	s24 =	sor.u32 s25, s18;
	v12 =	vld [tilespmem:s23+$0x0];
	v63 =	vsub.s32 $0x1FFF, v6;
	v6 =	vadd.s32 $0x1800, v6;
	v8 =	vadd.f32 v5, v8  }
0x29d: {  	v7 =	vtrunc.f32 v57;
	v61 =	vld [tilespmem:s24+$0x0];
	v4 =	vpop (erf)  }
0x29e: {  	s26 =	sor.u32 s25, s17;
	vm4 =	veq.s32 v56, $0x3;
	v7 =	vcvt.f32.s32 v7;
	v8 =	vadd.f32 v4, v8  }
0x29f: {  	v1 =	vld [tilespmem:s26+$0x0];
	v0 =	vmul.f32 v60, v59;
	v57 =	vsel vm4, v63, v6;
	v6 =	vpop (erf)  }
0x2a0: {  	v22 =	vmul.f32 v60, v58;
	(erf) = vpow2.f32 v62;
	v8 =	vadd.f32 v6, v8  }
0x2a1: {  	v62 =	vmul.f32 $1.442695020e+00, v12;
	v2 =	vsub.s32 $0x27FF, v7;
	v10 =	vmin.f32 v0, $1.023000000e+03  }
0x2a2: {  	v3 =	vadd.s32 $0x2000, v7;
	v9 =	vmul.f32 $1.442695020e+00, v61;
	v10 =	vtrunc.f32 v10;
	v7 =	vpop (erf)  }
0x2a3: {  	(erf) = vpow2.f32 v16;
	v10 =	vcvt.f32.s32 v10;
	v61 =	vadd.f32 v7, v8  }
0x2a4: {  	v11 =	vmul.f32 $1.442695020e+00, v1;
	(erf) = vpow2.f32 v62;
	v8 =	vpop (erf)  }
0x2a5: {  	v1 =	vsub.s32 $0x2FFF, v10;
	v10 =	vadd.s32 $0x2800, v10;
	v63 =	vadd.f32 v8, v61  }
0x2a6: {  	s28 =	sor.u32 s25, s13;
	(erf) = vpow2.f32 v9;
	v9 =	vpop (erf)  }
0x2a7: {  	vm6 =	veq.s32 v56, $0x5;
	v0 =	vld [tilespmem:s28+$0x0];
	v62 =	vmin.f32 v22, $1.023000000e+03;
	v12 =	vadd.f32 v9, v63  }
0x2a8: {  	v15 =	vtrunc.f32 v62;
	v62 =	vsel vm6, v1, v10;
	v10 =	vpop (erf)  }
0x2a9: {  	s0 =	sor.u32 s25, s0;
	vm5 =	veq.s32 v56, $0x4;
	vm7 =	veq.s32 v56, $0x6;
	v12 =	vadd.f32 v10, v12  }
0x2aa: {  	vm9 =	veq.s32 v56, $0x8;
	v54 =	vmul.f32 v60, v54;
	v58 =	vsel vm5, v2, v3;
	v3 =	vld [tilespmem:s0+$0x0];
	v63 =	vpop (erf)  }
0x2ab: {  	v52 =	vmul.f32 v60, v52;
	v15 =	vcvt.f32.s32 v15;
	v12 =	vadd.f32 v63, v12  }
0x2ac: {  	v59 =	vmin.f32 v54, $1.023000000e+03;
	v2 =	vmul.f32 v60, v55;
	v13 =	vmul.f32 $1.442695020e+00, v0;
	v61 =	vpop (erf)  }
0x2ad: {  	v22 =	vsub.s32 $0x37FF, v15;
	(erf) = vpow2.f32 v11;
	v12 =	vadd.f32 v61, v12  }
0x2ae: {  	v15 =	vadd.s32 $0x3000, v15;
	(erf) = vpow2.f32 v13;
	v13 =	vtrunc.f32 v59;
	v55 =	vpop (erf)  }
0x2af: {  	v0 =	vmul.f32 $1.442695020e+00, v3;
	v13 =	vcvt.f32.s32 v13;
	v12 =	vadd.f32 v55, v12  }
0x2b0: {  	v22 =	vsel vm7, v22, v15;
	v11 =	vmin.f32 v2, $1.023000000e+03;
	v2 =	vmul.f32 v60, v50;
	v59 =	vpop (erf)  }
0x2b1: {  	v3 =	vsub.s32 $0x47FF, v13;
	v13 =	vadd.s32 $0x4000, v13;
	v12 =	vadd.f32 v59, v12  }
0x2b2: {  	v11 =	vtrunc.f32 v11;
	v15 =	vsel vm9, v3, v13;
	v13 =	vmin.f32 v52, $1.023000000e+03;
	v54 =	vpop (erf)  }
0x2b3: {  	v11 =	vcvt.f32.s32 v11;
	v50 =	vtrunc.f32 v13;
	v12 =	vadd.f32 v54, v12  }
0x2b4: {  	v50 =	vcvt.f32.s32 v50;
	v52 =	vpop (erf)  }
0x2b5: {  	vm8 =	veq.s32 v56, $0x7;
	v1 =	vsub.s32 $0x3FFF, v11;
	v12 =	vadd.f32 v52, v12  }
0x2b6: {  	v11 =	vadd.s32 $0x3800, v11;
	(erf) = vpow2.f32 v0;
	v0 =	vmul.f32 v60, v51;
	v51 =	vpop (erf)  }
0x2b7: {  	v16 =	vsel vm8, v1, v11;
	v12 =	vadd.f32 v51, v12  }
0x2b8: {  	v11 =	vmin.f32 v2, $1.023000000e+03;
	v2 =	vsub.s32 $0x57FF, v50;
	v1 =	vadd.s32 $0x5000, v50;
	v50 =	vpop (erf)  }
0x2b9: {  	v3 =	vadd.f32 v50, v12;
	v12 =	vld [tilespmem:$0x1FDC0]  }
0x2ba: {  	v11 =	vtrunc.f32 v11  }
0x2bb: {  	v11 =	vcvt.f32.s32 v11  }
0x2bc: {  	vm10 =	veq.s32 v56, $0x9  }
0x2bd: {  	vm11 =	veq.s32 v56, $0xA;
	v13 =	vsub.s32 $0x4FFF, v11;
	v11 =	vadd.s32 $0x4800, v11  }
0x2be: {  	[tilespmem:s29+$0x0] =	vst v12;
	v12 =	vsel vm10, v13, v11;
	v13 =	vsel vm11, v2, v1;
	v1 =	vld [tilespmem:$0x1FDD0];
	_ =	sdelay $0x2  }
0x2bf: {  	v48 =	vmul.f32 v60, v48  }
0x2c0: {  	s30 =	sand.u32 $0x3C0, s30  }
0x2c1: {  	[tilespmem:s30+$0x12180] =	vst v1;
	v1 =	vmin.f32 v48, $1.023000000e+03;
	v48 =	vld [tilespmem:$0x1FDE0];
	_ =	sdelay $0x4  }
0x2c2: {  	v0 =	vmin.f32 v0, $1.023000000e+03;
	[tilespmem:s30+$0x12580] =	vst v48;
	v48 =	vmul.f32 v60, v46;
	v46 =	vld [tilespmem:$0x1FDF0]  }
0x2c3: {  	v0 =	vtrunc.f32 v0  }
0x2c4: {  	v0 =	vcvt.f32.s32 v0;
	v11 =	vpop (erf)  }
0x2c5: {  	vm12 =	veq.s32 v56, $0xB;
	v2 =	vadd.f32 v11, v3  }
0x2c6: {  	v3 =	vsub.s32 $0x5FFF, v0;
	v0 =	vadd.s32 $0x5800, v0;
	v1 =	vtrunc.f32 v1  }
0x2c7: {  	[tilespmem:s30+$0x12980] =	vst v46;
	v46 =	vsel vm12, v3, v0;
	v0 =	vcvt.f32.s32 v1;
	v1 =	vld [tilespmem:$0x1FE00];
	_ =	sdelay $0x3  }
0x2c8: {  	v48 =	vmin.f32 v48, $1.023000000e+03  }
0x2c9: {  	[tilespmem:s30+$0x12D80] =	vst v1;
	v1 =	vtrunc.f32 v48;
	v48 =	vld [tilespmem:$0x1FE20];
	_ =	sdelay $0x3  }
0x2ca: {  	(erf) = vrcp.f32 v2  }
0x2cb: {  	[tilespmem:s30+$0x13580] =	vst v48;
	v48 =	vld [tilespmem:$0x1FE30];
	_ =	sdelay $0x3  }
0x2cc: {  	v2 =	vmul.f32 v60, v45;
	v45 =	vld [tilespmem:$0x1FE10]  }
0x2cd: {  	[tilespmem:s30+$0x13980] =	vst v48;
	v48 =	vld [tilespmem:$0x1FE40];
	_ =	sdelay $0x2  }
0x2ce: {  	[tilespmem:s30+$0x15980] =	vst v14;
	v14 =	vpop (erf)  }
0x2cf: {  	[tilespmem:s30+$0x13180] =	vst v45;
	v14 =	vmul.f32 $1.024000000e+03, v14  }
0x2d0: {  	v41 =	vmul.f32 v60, v41;
	v45 =	vmul.f32 v60, v44;
	[tilespmem:s30+$0x13D80] =	vst v48;
	v48 =	vld [tilespmem:$0x1FE50]  }
0x2d1: {  	[tilespmem:s29+$0x410] =	vst v24;
	v18 =	vmul.f32 v14, v18;
	v24 =	vmul.f32 v14, v19  }
0x2d2: {  	vm13 =	veq.s32 v56, $0xC;
	v21 =	vmul.f32 v14, v21;
	v5 =	vmul.f32 v14, v5  }
0x2d3: {  	[tilespmem:s29+$0x2410] =	vst v30;
	vm14 =	veq.s32 v56, $0xD;
	v4 =	vmul.f32 v14, v4;
	v6 =	vmul.f32 v14, v6  }
0x2d4: {  	[tilespmem:s29+$0x2810] =	vst v32;
	vm15 =	veq.s32 v56, $0xE;
	v7 =	vmul.f32 v14, v7;
	v8 =	vmul.f32 v14, v8  }
0x2d5: {  	vm4 =	veq.s32 v56, $0xF;
	v9 =	vmul.f32 v14, v9;
	v10 =	vmul.f32 v14, v10;
	[tilespmem:s30+$0x14180] =	vst v48;
	v48 =	vld [tilespmem:$0x1FE60]  }
0x2d6: {  	[tilespmem:s29+$0x4010] =	vst v38;
	vm5 =	veq.s32 v56, $0x10;
	v30 =	vmul.f32 v14, v55;
	v32 =	vmul.f32 v14, v59  }
0x2d7: {  	[tilespmem:s29+$0x20] =	vst v47;
	v2 =	vmin.f32 v2, $1.023000000e+03;
	v38 =	vmul.f32 v14, v54;
	v47 =	vmul.f32 v14, v51  }
0x2d8: {  	v50 =	vmul.f32 v14, v50;
	v11 =	vmul.f32 v14, v11;
	v3 =	vsub.s32 $0x67FF, v0  }
0x2d9: {  	[tilespmem:s29+$0x810] =	vst v23;
	v0 =	vadd.s32 $0x6000, v0;
	v23 =	vmin.f32 v18, $1.023000000e+03;
	v18 =	vmin.f32 v24, $1.023000000e+03  }
0x2da: {  	v21 =	vmin.f32 v21, $1.023000000e+03;
	v5 =	vmin.f32 v5, $1.023000000e+03;
	v4 =	vmin.f32 v4, $1.023000000e+03;
	[tilespmem:s30+$0x14580] =	vst v48;
	v48 =	vld [tilespmem:$0x1FE70]  }
0x2db: {  	v6 =	vmin.f32 v6, $1.023000000e+03;
	v7 =	vmin.f32 v7, $1.023000000e+03;
	v44 =	vsel vm13, v3, v0  }
0x2dc: {  	v0 =	vtrunc.f32 v2;
	v2 =	vmin.f32 v45, $1.023000000e+03;
	v45 =	vmul.f32 v60, v43  }
0x2dd: {  	[tilespmem:s29+$0x10] =	vst v20;
	v8 =	vmin.f32 v8, $1.023000000e+03;
	v18 =	vtrunc.f32 v18;
	v21 =	vtrunc.f32 v21  }
0x2de: {  	[tilespmem:s29+$0x1420] =	vst v62;
	v62 =	vld [tilespmem:$0x1FED0];
	v9 =	vmin.f32 v9, $1.023000000e+03;
	v5 =	vtrunc.f32 v5;
	v4 =	vtrunc.f32 v4  }
0x2df: {  	v10 =	vmin.f32 v10, $1.023000000e+03;
	v6 =	vtrunc.f32 v6;
	v7 =	vtrunc.f32 v7;
	[tilespmem:s30+$0x14980] =	vst v48;
	v48 =	vld [tilespmem:$0x1FE80]  }
0x2e0: {  	[tilespmem:s29+$0x2C10] =	vst v34;
	v34 =	vmin.f32 v30, $1.023000000e+03;
	v8 =	vtrunc.f32 v8;
	v9 =	vtrunc.f32 v9  }
0x2e1: {  	vm6 =	veq.s32 v56, $0x11;
	[tilespmem:s29+$0x2420] =	vst v12;
	v10 =	vtrunc.f32 v10;
	v12 =	vtrunc.f32 v34  }
0x2e2: {  	[tilespmem:s29+$0x420] =	vst v49;
	vm7 =	veq.s32 v56, $0x12;
	v0 =	vcvt.f32.s32 v0;
	v2 =	vtrunc.f32 v2  }
0x2e3: {  	[tilespmem:s29+$0x2020] =	vst v15;
	v15 =	vmin.f32 v62, $1.023000000e+03;
	v18 =	vcvt.f32.s32 v18;
	v21 =	vcvt.f32.s32 v21  }
0x2e4: {  	v49 =	vmin.f32 v47, $1.023000000e+03;
	v5 =	vcvt.f32.s32 v5;
	v1 =	vcvt.f32.s32 v1;
	[tilespmem:s30+$0x14D80] =	vst v48;
	v48 =	vld [tilespmem:$0x1FE90]  }
0x2e5: {  	[tilespmem:s29+$0x820] =	vst v53;
	v53 =	vmin.f32 v50, $1.023000000e+03;
	v4 =	vcvt.f32.s32 v4;
	v6 =	vcvt.f32.s32 v6  }
0x2e6: {  	[tilespmem:s29+$0x1810] =	vst v28;
	v7 =	vcvt.f32.s32 v7;
	v3 =	vsub.s32 $0x6FFF, v1;
	v1 =	vadd.s32 $0x6800, v1  }
0x2e7: {  	[tilespmem:s29+$0xC10] =	vst v25;
	v8 =	vcvt.f32.s32 v8;
	v43 =	vsel vm14, v3, v1;
	v1 =	vcvt.f32.s32 v2  }
0x2e8: {  	[tilespmem:s29+$0x1C10] =	vst v29;
	v55 =	vmin.f32 v11, $1.023000000e+03;
	v9 =	vcvt.f32.s32 v9;
	v10 =	vcvt.f32.s32 v10  }
0x2e9: {  	v3 =	vmin.f32 v45, $1.023000000e+03;
	v45 =	vsub.s32 $0x7FFF, v1;
	[tilespmem:s30+$0x15180] =	vst v48;
	v48 =	vadd.s32 $0x7800, v1;
	v1 =	vld [tilespmem:$0x1FEA0]  }
0x2ea: {  	[tilespmem:s29+$0x2010] =	vst v31;
	v12 =	vcvt.f32.s32 v12;
	v31 =	vsub.s32 $0xFFF, v18;
	v45 =	vsel vm4, v45, v48;
	v48 =	vld [tilespmem:$0x1FEB0]  }
0x2eb: {  	[tilespmem:s29+$0x1010] =	vst v26;
	v18 =	vadd.s32 $0x800, v18;
	v56 =	vsub.s32 $0x2FFF, v6;
	v6 =	vadd.s32 $0x2800, v6  }
0x2ec: {  	[tilespmem:s29+$0xC20] =	vst v57;
	v57 =	vsub.s32 $0x37FF, v7;
	v7 =	vadd.s32 $0x3000, v7;
	v3 =	vtrunc.f32 v3  }
0x2ed: {  	[tilespmem:s29+$0x1020] =	vst v58;
	v2 =	vsub.s32 $0x77FF, v0;
	v0 =	vadd.s32 $0x7000, v0;
	v3 =	vcvt.f32.s32 v3  }
0x2ee: {  	v58 =	vsub.s32 $0x3FFF, v8;
	v8 =	vadd.s32 $0x3800, v8;
	[tilespmem:s30+$0x15580] =	vst v1;
	v1 =	vsel vm15, v2, v0  }
0x2ef: {  	s31 =	sor.u32 s25, s31;
	v0 =	vsub.s32 $0x87FF, v3;
	v2 =	vmin.f32 v41, $1.023000000e+03;
	v3 =	vadd.s32 $0x8000, v3;
	[tilespmem:s30+$0x15D80] =	vst v48;
	v48 =	vld [tilespmem:$0x1FEC0]  }
0x2f0: {  	[tilespmem:s29+$0x1410] =	vst v27;
	v41 =	vmul.f32 v60, v42;
	v60 =	vtrunc.f32 v2;
	v2 =	vsel vm5, v0, v3;
	v0 =	vld [tilespmem:s31+$0x80]  }
0x2f1: {  	v24 =	vsub.s32 $0x4FFF, v10;
	v10 =	vadd.s32 $0x4800, v10;
	[tilespmem:s29+$0x3420] =	vst v43;
	v43 =	vmul.f32 v14, v52  }
0x2f2: {  	[tilespmem:s29+$0x4410] =	vst v39;
	v39 =	vsub.s32 $0x67FF, v12;
	v60 =	vcvt.f32.s32 v60;
	v41 =	vmin.f32 v41, $1.023000000e+03  }
0x2f3: {  	[tilespmem:s29+$0x2C20] =	vst v46;
	v12 =	vadd.s32 $0x6000, v12;
	v46 =	vmin.f32 v43, $1.023000000e+03;
	v42 =	vtrunc.f32 v41  }
0x2f4: {  	[tilespmem:s29+$0x3810] =	vst v36;
	v41 =	vsub.s32 $0x17FF, v21;
	v21 =	vadd.s32 $0x1000, v21;
	v3 =	vadd.s32 $0x8800, v60  }
0x2f5: {  	[tilespmem:s30+$0x16180] =	vst v48;
	v48 =	vsub.s32 $0x8FFF, v60;
	v60 =	vcvt.f32.s32 v42;
	vm8 =	veq.s32 v0, $0x0  }
0x2f6: {  	[tilespmem:s29+$0x3410] =	vst v35;
	vm9 =	veq.s32 v0, $0x1;
	vm10 =	veq.s32 v0, $0x2;
	vm11 =	veq.s32 v0, $0x3  }
0x2f7: {  	[tilespmem:s29+$0x3010] =	vst v33;
	v42 =	vsub.s32 $0x1FFF, v5;
	v5 =	vadd.s32 $0x1800, v5;
	vm12 =	veq.s32 v0, $0x4  }
0x2f8: {  	[tilespmem:s29+$0x3C10] =	vst v37;
	vm13 =	veq.s32 v0, $0x5;
	vm14 =	veq.s32 v0, $0x6;
	vm15 =	veq.s32 v0, $0x7  }
0x2f9: {  	[tilespmem:s29+$0x4810] =	vst v40;
	vm4 =	veq.s32 v0, $0x8;
	vm5 =	veq.s32 v0, $0x9;
	v20 =	vsel vm6, v48, v3  }
0x2fa: {  	[tilespmem:s29+$0x1820] =	vst v22;
	v3 =	vtrunc.f32 v23;
	v18 =	vsel vm9, v31, v18;
	v21 =	vsel vm10, v41, v21  }
0x2fb: {  	[tilespmem:s29+$0x1C20] =	vst v16;
	v48 =	vsub.s32 $0x27FF, v4;
	v4 =	vadd.s32 $0x2000, v4;
	v5 =	vsel vm11, v42, v5  }
0x2fc: {  	[tilespmem:s29+$0x2820] =	vst v13;
	v6 =	vsel vm13, v56, v6;
	v7 =	vsel vm14, v57, v7;
	v8 =	vsel vm15, v58, v8  }
0x2fd: {  	[tilespmem:s29+$0x3020] =	vst v44;
	v10 =	vsel vm5, v24, v10;
	vm6 =	veq.s32 v0, $0xA;
	vm9 =	veq.s32 v0, $0xD  }
0x2fe: {  	[tilespmem:s29+$0x3C20] =	vst v45;
	vm10 =	veq.s32 v0, $0xE;
	vm11 =	veq.s32 v0, $0xF;
	v57 =	vtrunc.f32 v55  }
0x2ff: {  	[tilespmem:s29+$0x3820] =	vst v1;
	vm13 =	veq.s32 v0, $0x11;
	vm14 =	veq.s32 v0, $0x12;
	vm15 =	veq.s32 v17, $0x12  }
0x300: {  	[tilespmem:s29+$0x4020] =	vst v2;
	v25 =	vsub.s32 $0x97FF, v60;
	v26 =	vadd.s32 $0x9000, v60;
	v3 =	vcvt.f32.s32 v3  }
0x301: {  	v4 =	vsel vm12, v48, v4;
	v60 =	vmul.f32 v14, v63;
	v63 =	vsub.s32 $0x47FF, v9;
	[tilespmem:s29+$0x1430] =	vst v6  }
0x302: {  	v9 =	vadd.s32 $0x4000, v9;
	v6 =	vtrunc.f32 v46;
	[tilespmem:s29+$0x1C30] =	vst v8;
	v8 =	vtrunc.f32 v49  }
0x303: {  	[tilespmem:s29+$0x4420] =	vst v20;
	vm12 =	veq.s32 v0, $0x10;
	v58 =	vcvt.f32.s32 v57;
	v19 =	vsel vm7, v25, v26  }
0x304: {  	[tilespmem:s29+$0x430] =	vst v18;
	v25 =	vmul.f32 v14, v61;
	v9 =	vsel vm4, v63, v9;
	v26 =	vtrunc.f32 v15  }
0x305: {  	[tilespmem:s29+$0x830] =	vst v21;
	vm7 =	veq.s32 v0, $0xB;
	v6 =	vcvt.f32.s32 v6;
	v8 =	vcvt.f32.s32 v8  }
0x306: {  	[tilespmem:s29+$0xC30] =	vst v5;
	v28 =	vsub.s32 $0x7FF, v3;
	v16 =	vmin.f32 v60, $1.023000000e+03;
	v33 =	vcvt.f32.s32 v26  }
0x307: {  	[tilespmem:s29+$0x1830] =	vst v7;
	v60 =	vsub.s32 $0x97FF, v58;
	v61 =	vadd.s32 $0x9000, v58;
	v3 =	vsel vm8, v28, v3  }
0x308: {  	[tilespmem:s29+$0x2430] =	vst v10;
	v16 =	vtrunc.f32 v16;
	v28 =	vmin.f32 v25, $1.023000000e+03;
	vm8 =	veq.s32 v0, $0xC  }
0x309: {  	[tilespmem:s29+$0x1030] =	vst v4;
	v51 =	vsub.s32 $0x7FFF, v6;
	v52 =	vadd.s32 $0x7800, v6;
	v54 =	vsub.s32 $0x87FF, v8  }
0x30a: {  	[tilespmem:s29+$0x4820] =	vst v19;
	v6 =	vtrunc.f32 v53;
	v56 =	vadd.s32 $0x8000, v8;
	v0 =	vsel vm14, v60, v61  }
0x30b: {  	[tilespmem:s29+$0x2030] =	vst v9;
	v16 =	vcvt.f32.s32 v16;
	v15 =	vtrunc.f32 v28;
	v44 =	vsel vm8, v39, v12  }
0x30c: {  	[tilespmem:s29+$0x30] =	vst v3;
	v6 =	vcvt.f32.s32 v6;
	v3 =	vsel vm12, v54, v56;
	v31 =	vcvt.f32.s32 v15  }
0x30d: {  	[tilespmem:s29+$0x4830] =	vst v0;
	v15 =	vmin.f32 v32, $1.023000000e+03;
	v27 =	vsub.s32 $0x57FF, v16;
	v29 =	vadd.s32 $0x5000, v16  }
0x30e: {  	[tilespmem:s29+$0x3030] =	vst v44;
	v15 =	vtrunc.f32 v15;
	v59 =	vsub.s32 $0x8FFF, v6;
	v6 =	vadd.s32 $0x8800, v6  }
0x30f: {  	[tilespmem:s29+$0x4030] =	vst v3;
	v1 =	vsel vm6, v27, v29;
	v35 =	vsub.s32 $0x5FFF, v31;
	v13 =	vadd.s32 $0x5800, v31  }
0x310: {  	s6 =	sadd.s32 $0x4, s6;
	v37 =	vcvt.f32.s32 v15;
	v15 =	vmin.f32 v38, $1.023000000e+03;
	v62 =	vsel vm13, v59, v6;
	[tilespmem:s29+$0x2830] =	vst v1  }
0x311: {  	p1 =	slt.u32 s6, $0x3C;
	v63 =	vsub.s32 $0x97FF, v33;
	v36 =	vsel vm7, v35, v13;
	v42 =	vtrunc.f32 v15;
	[tilespmem:s29+$0x4430] =	vst v62  }
.Ltmp3:
0x312: {  	v2 =	vadd.s32 $0x9000, v33;
	v1 =	vsel vm11, v51, v52;
	v45 =	vcvt.f32.s32 v42;
	[tilespmem:s29+$0x2C30] =	vst v36;
	(pc) =	sbr.rel @p1 .LBB2_9-.Ltmp3, $4  }
0x313: {  	v40 =	vsub.s32 $0x6FFF, v37;
	v41 =	vadd.s32 $0x6800, v37;
	[tilespmem:s29+$0x3C30] =	vst v1;
	v1 =	vsel vm15, v63, v2  }
0x314: {  	v5 =	vsel vm9, v40, v41;
	[tilespmem:s30+$0x16580] =	vst v1;
	v48 =	vsub.s32 $0x77FF, v45;
	v12 =	vadd.s32 $0x7000, v45  }
0x315: {  	[tilespmem:s29+$0x3430] =	vst v5;
	v7 =	vsel vm10, v48, v12  }
0x316: {  	s11 =	sadd.s32 $0x200, s11;
	s7 =	sadd.s32 $0x40, s7;
	[tilespmem:s29+$0x3830] =	vst v7;
	s29 =	sadd.s32 $0x40, s29  }
0x317: {  	s14 =	sadd.s32 $0x1, s14  }
0x318: {  	p1 =	sne.s32 s14, $0x10  }
.Ltmp4:
0x319: {  	_ = 	snop;
	(pc) =	sbr.rel @p1 .LBB2_6-.Ltmp4, $4  }
0x31a: {  	s23 =	rddreg [dreg:$0x1]  }
0x31b: {  	s26 =	simm.s32 $0x4C00;
	s28 =	simm.s32 $0x16980;
	s0 =	simm.s32 $0x11D80  }
0x31c: {  	s24 =	smov.u32 s2;
	s25 =	smov.u32 s8;
	s8 =	rddreg [dreg:$0x6]  }
0x31d: {  	[spmem:s23] =	stream.indirect.scatter.add.f32 [tilespmem:s28], [sflag:$0x6], $0x1, s0, s26, $0xb8;
	[tilespmem:$0x1BF00] =	vst v63  }
0x31e: {  	s0 =	simm.s32 $0x5  }
0x31f: {  	_ =	swait.ge [sflag:s0], $0x4C00  }
0x320: {  	[sflag:s0] =	ssyncset.done $0x0  }
0x321: {  	s29 =	simm.s32 $0x6;
	[sflag:s0] =	ssyncadd.s32 $0xFFFFB400  }
0x322: {  	_ =	swait.ge [sflag:s29], $0x4C00  }
0x323: {  	[sflag:s29] =	ssyncset.done $0x0  }
0x324: {  	s1 =	simm.s32 @!p0 $0x1;
	[sflag:s29] =	ssyncadd.s32 $0xFFFFB400  }
0x325: {  	s3 =	simm.s32 @!p0 $0x20;
	s4 =	simm.s32 @!p0 $0x10;
	[bflag:$0x0] =	sbarrier.arrive $0xFFFF  }
0x326: {  	s5 =	simm.s32 @!p0 $0x1C07;
	s0 =	sshrl.u32 @!p0 s23, $0x3;
	s2 =	rddreg [dreg:$0x8]  }
0x327: {  	[hbm:s2@s3], [sflag:s5] =	dma.strided @!p0 [spmem:s0@s4], $0x1300, s1, $0x10   }
0x328: {  	s0 =	simm.s32 @!p0 $0x7  }
0x329: {  	_ =	swait.ge @!p0 [sflag:s0], $0x1300  }
0x32a: {  	s30 =	rddreg [dreg:$0xb]  }
0x32b: {  	s31 =	rddreg [dreg:$0x9];
	s2 =	sadd.s32 $0x1, s30  }
0x32c: {  	p1 =	sne.s32 s2, s31  }
.Ltmp5:
0x32d: {  	_ = 	snop;
	(pc) =	sbr.rel @p1 .LBB2_1-.Ltmp5, $3  }
0x32e: {  	_ =	sdelay $0x1  }
0x32f: {  	[sflag:s0] =	ssyncset.done @!p0 $0x0  }
0x330: {  	v0 =	vimm.f32 $0.0e+00;
	v1 =	vimm.f32 $1.000000000e+00;
	[sflag:s0] =	ssyncadd.s32 @!p0 $0xFFFFED00  }
0x331: {  	_ =	sfence.sel $0x180000  }
0x332: {  	[bflag:$0x0] =	sbarrier.arrive $0xFFFF  }
0x333: {  	_ =	strace $0x90000047  }
0x334: {  	[bflag:$0x2] =	sbarrier.arrive $0xFFFF  }
0x335: {  	s0 =	rddreg [dreg:$0x2]  }
0x336: {  	s0 =	sadd.s32 @!p0 $0x100000, s0  }
0x337: {  	[sflag:s0] =	ssyncadd.tile.s32 @!p0 $0x1;
	_ =	shalt  }
.Lfunc_end2:
_tile_overlayer_lowered:
.L_overlay_start_2:
0x338: {  	(tag) =	ssettag $0x2  }
0x339: {  	s0 =	rddreg [dreg:$0x0];
	s2 =	stileid.u32  }
0x33a: {  	s1 =	rddreg [dreg:$0x1];
	p0 =	sne.s32 s2, $0x0  }
0x33b: {  	s3 =	rddreg [dreg:$0x2];
	[bflag:$0x3] =	sbarrier.arrive $0xFFFF;
	s2 =	simm.s32 @!p0 $0x1C07  }
0x33c: {  	[timem:s3], [sflag:s2] =	dma.local @!p0 [hbm:s0], s1  }
0x33d: {  	s0 =	simm.s32 @!p0 $0x7  }
0x33e: {  	_ =	swait.ge @!p0 [sflag:s0], s1  }
0x33f: {  	s1 =	ssub.s32 @!p0 $0x0, s1;
	[sflag:s0] =	ssyncset.done @!p0 $0x0  }
0x340: {  	[sflag:s0] =	ssyncadd.s32 @!p0 s1  }
0x341: {  	[bflag:$0x3] =	sbarrier.arrive $0xFFFF  }
0x342: {  	_ =	shalt  }

</sc_bundles>
